<compile_context>
chip_gen: v7x
topology: tpu7x:2x2x1
jax: 0.10.2.dev20260603
libtpu: 0.0.44.dev20260713+nightly
codegen_flags: <defaults>
</compile_context>

<pallas_src>
import functools

import jax
import jax.numpy as jnp
from jax import lax
from jax.experimental import pallas as pl
from jax.experimental.pallas import tpu as pltpu
from jax.experimental.pallas import tpu_sc as plsc

VOCAB = 30522
HIDDEN = 768
B, S, L = 64, 512, 100
VIS_DIM = 2048
EPS = 1e-12


_NC, _NS = 2, 16
_NW = _NC * _NS
_BS = B * S
_CHUNK = 64


def _sc_gather_body(nrows, table_hbm, idx_hbm, out_hbm, idx_v, buf_v,
                    gsem0, gsem1, ssem0, ssem1):
    per_w = nrows // _NW
    nchunk = per_w // _CHUNK
    wid = lax.axis_index("s") * _NC + lax.axis_index("c")
    base = wid * per_w
    pltpu.sync_copy(idx_hbm.at[pl.ds(base, per_w)], idx_v)

    gsems = (gsem0, gsem1)
    ssems = (ssem0, ssem1)

    def start_gather(i):
        bslot = i % 2
        return pltpu.async_copy(
            table_hbm.at[idx_v.at[pl.ds(i * _CHUNK, _CHUNK)]],
            buf_v.at[bslot], gsems[bslot])

    def start_scatter(i):
        bslot = i % 2
        return pltpu.async_copy(
            buf_v.at[bslot],
            out_hbm.at[pl.ds(base + i * _CHUNK, _CHUNK)], ssems[bslot])

    gathers = [None] * nchunk
    scatters = [None] * nchunk
    gathers[0] = start_gather(0)
    for i in range(nchunk):
        if i + 1 < nchunk:
            if i >= 1:
                scatters[i - 1].wait()
            gathers[i + 1] = start_gather(i + 1)
        gathers[i].wait()
        scatters[i] = start_scatter(i)
    scatters[nchunk - 2].wait()
    scatters[nchunk - 1].wait()


@functools.cache
def _sc_gather_kernel(nrows):
    return pl.kernel(
        functools.partial(_sc_gather_body, nrows),
        out_type=jax.ShapeDtypeStruct((nrows, HIDDEN), jnp.float32),
        mesh=plsc.VectorSubcoreMesh(core_axis_name="c", subcore_axis_name="s"),
        scratch_types=[
            pltpu.VMEM((nrows // _NW,), jnp.int32),
            pltpu.VMEM((2, _CHUNK, HIDDEN), jnp.float32),
            pltpu.SemaphoreType.DMA,
            pltpu.SemaphoreType.DMA,
            pltpu.SemaphoreType.DMA,
            pltpu.SemaphoreType.DMA,
        ],
    )



_CHV = 4
_NV = L // _CHV
_CHT = 32
_NT = S // _CHT


def _layer_norm3(x, gamma, beta):
    mu = jnp.mean(x, axis=-1, keepdims=True)
    m2 = jnp.mean(x * x, axis=-1, keepdims=True)
    rs = lax.rsqrt(m2 - mu * mu + EPS)
    return (x - mu) * rs * gamma + beta


def _tc_visual_body(vis_ref, vt_ref, tved_ref, cv_ref, w_ref,
                    gamma_ref, beta_ref, out_ref):
    v = vis_ref[...].astype(jnp.bfloat16).reshape(_CHV * B, VIS_DIM)
    proj = jnp.dot(v, w_ref[...], preferred_element_type=jnp.float32)
    proj = proj.reshape(_CHV, B, HIDDEN)
    t = vt_ref[0].astype(jnp.float32)[:, :, None]
    ve = proj + cv_ref[...][None] + t * tved_ref[...][None]
    out_ref[...] = _layer_norm3(ve, gamma_ref[...][None], beta_ref[...][None])


def _tc_visual(vis_t, vt3, tved2, cv2, proj_Wb, gamma2, beta2):
    return pl.pallas_call(
        _tc_visual_body,
        grid=(_NV,),
        in_specs=[
            pl.BlockSpec((_CHV, B, VIS_DIM), lambda g: (g, 0, 0)),
            pl.BlockSpec((1, _CHV, B), lambda g: (g, 0, 0)),
            pl.BlockSpec((1, HIDDEN), lambda g: (0, 0)),
            pl.BlockSpec((1, HIDDEN), lambda g: (0, 0)),
            pl.BlockSpec((VIS_DIM, HIDDEN), lambda g: (0, 0)),
            pl.BlockSpec((1, HIDDEN), lambda g: (0, 0)),
            pl.BlockSpec((1, HIDDEN), lambda g: (0, 0)),
        ],
        out_specs=pl.BlockSpec((_CHV, B, HIDDEN),
                               lambda g: (S // _CHV + g, 0, 0)),
        out_shape=jax.ShapeDtypeStruct((S + L, B, HIDDEN), jnp.float32),
    )(vis_t, vt3, tved2, cv2, proj_Wb, gamma2, beta2)


def _tc_text_body(buf_ref, gw_ref, ct_ref, tt_ref, tted_ref,
                  gamma_ref, beta_ref, out_ref):
    del buf_ref
    t = tt_ref[0].astype(jnp.float32)[:, :, None]
    e = gw_ref[...] + ct_ref[0][:, None, :] + t * tted_ref[...][None]
    out_ref[...] = _layer_norm3(e, gamma_ref[...][None], beta_ref[...][None])


_STAGES = (512,)


def _tc_text(buf, gw_h, ct3, tt3, tted2, gamma2, beta2, off, rows):
    return pl.pallas_call(
        _tc_text_body,
        grid=(rows // _CHT,),
        in_specs=[
            pl.BlockSpec(memory_space=pl.ANY),
            pl.BlockSpec((_CHT, B, HIDDEN), lambda g: (g, 0, 0)),
            pl.BlockSpec((1, _CHT, HIDDEN), lambda g: (g + off, 0, 0)),
            pl.BlockSpec((1, _CHT, B), lambda g: (g + off, 0, 0)),
            pl.BlockSpec((1, HIDDEN), lambda g: (0, 0)),
            pl.BlockSpec((1, HIDDEN), lambda g: (0, 0)),
            pl.BlockSpec((1, HIDDEN), lambda g: (0, 0)),
        ],
        out_specs=pl.BlockSpec((_CHT, B, HIDDEN), lambda g: (g + off, 0, 0)),
        out_shape=jax.ShapeDtypeStruct((S + L, B, HIDDEN), jnp.float32),
        input_output_aliases={0: 0},
    )(buf, gw_h, ct3, tt3, tted2, gamma2, beta2)


def kernel(input_ids, token_type_ids, visual_embeddings, visual_embeddings_type,
           word_emb, pos_emb, tok_type_emb, tok_type_vis_emb,
           proj_W, proj_b, ln_gamma, ln_beta):
    idx_t = input_ids.astype(jnp.int32).T.reshape(-1)
    tt3 = token_type_ids.astype(jnp.int32).T.reshape(_NT, _CHT, B)
    vt3 = visual_embeddings_type.astype(jnp.int32).T.reshape(_NV, _CHV, B)
    vis_t = jnp.transpose(visual_embeddings, (1, 0, 2))
    ct3 = (pos_emb + tok_type_emb[0]).reshape(_NT, _CHT, HIDDEN)
    tted2 = (tok_type_emb[1] - tok_type_emb[0]).reshape(1, HIDDEN)
    cv2 = (proj_b + tok_type_vis_emb[0]).reshape(1, HIDDEN)
    tved2 = (tok_type_vis_emb[1] - tok_type_vis_emb[0]).reshape(1, HIDDEN)
    gamma2 = ln_gamma.reshape(1, HIDDEN)
    beta2 = ln_beta.reshape(1, HIDDEN)
    gw = []
    row0 = 0
    for rows in _STAGES:
        gw.append(_sc_gather_kernel(rows * B)(
            word_emb, lax.slice(idx_t, (row0 * B,), ((row0 + rows) * B,))
        ).reshape(rows, B, HIDDEN))
        row0 += rows
    buf = _tc_visual(vis_t, vt3, tved2, cv2, proj_W.astype(jnp.bfloat16),
                     gamma2, beta2)
    row0 = 0
    for h, rows in enumerate(_STAGES):
        buf = _tc_text(buf, gw[h], ct3, tt3, tted2, gamma2, beta2,
                       row0 // _CHT, rows)
        row0 += rows
    return jnp.transpose(buf, (1, 0, 2))

# --- scband reference (transcript-rebuilt; emitter-appended) ---
"""Pipeline reference for scband-bert-embeddings-with-visual-embedding-41506563949156 (READ-ONLY COPY).

The authoritative reference and input builder live on the scoring server;
editing this copy changes nothing except your own understanding.
"""

import jax, jax.numpy as jnp
import numpy as np

VOCAB = 30522
HIDDEN = 768
MAX_POS = 512
TYPE_VOCAB = 2
VIS_DIM = 2048
B, S, L = 64, 512, 100
EPS = 1e-12


def setup_inputs(seed: int = 0) -> dict:
    key = jax.random.key(seed)
    ks = jax.random.split(key, 12)
    input_ids = jax.random.randint(ks[0], (B, S), 0, VOCAB, dtype=jnp.int64 if jax.config.jax_enable_x64 else jnp.int32)
    token_type_ids = jax.random.randint(ks[1], (B, S), 0, TYPE_VOCAB, dtype=input_ids.dtype)
    visual_embeddings = jax.random.normal(ks[2], (B, L, VIS_DIM), dtype=jnp.float32)
    visual_embeddings_type = jax.random.randint(ks[3], (B, L), 0, TYPE_VOCAB, dtype=input_ids.dtype)
    word_emb = jax.random.normal(ks[4], (VOCAB, HIDDEN), dtype=jnp.float32) * 0.02
    pos_emb = jax.random.normal(ks[5], (MAX_POS, HIDDEN), dtype=jnp.float32) * 0.02
    tok_type_emb = jax.random.normal(ks[6], (TYPE_VOCAB, HIDDEN), dtype=jnp.float32) * 0.02
    tok_type_vis_emb = jax.random.normal(ks[7], (TYPE_VOCAB, HIDDEN), dtype=jnp.float32) * 0.02
    proj_W = jax.random.normal(ks[8], (VIS_DIM, HIDDEN), dtype=jnp.float32) * 0.02
    proj_b = jnp.zeros((HIDDEN,), dtype=jnp.float32)
    ln_gamma = jnp.ones((HIDDEN,), dtype=jnp.float32)
    ln_beta = jnp.zeros((HIDDEN,), dtype=jnp.float32)
    return {
        "input_ids": input_ids,
        "token_type_ids": token_type_ids,
        "visual_embeddings": visual_embeddings,
        "visual_embeddings_type": visual_embeddings_type,
        "word_emb": word_emb,
        "pos_emb": pos_emb,
        "tok_type_emb": tok_type_emb,
        "tok_type_vis_emb": tok_type_vis_emb,
        "proj_W": proj_W,
        "proj_b": proj_b,
        "ln_gamma": ln_gamma,
        "ln_beta": ln_beta,
    }


def _layer_norm(x, gamma, beta):
    mu = jnp.mean(x, axis=-1, keepdims=True)
    var = jnp.mean(jnp.square(x - mu), axis=-1, keepdims=True)
    return (x - mu) / jnp.sqrt(var + EPS) * gamma + beta


def reference(input_ids, token_type_ids, visual_embeddings, visual_embeddings_type,
              word_emb, pos_emb, tok_type_emb, tok_type_vis_emb,
              proj_W, proj_b, ln_gamma, ln_beta):
    seq_length = input_ids.shape[1]
    position_ids = jnp.arange(seq_length)
    words_embeddings = jnp.take(word_emb, input_ids, axis=0)
    position_embeddings = jnp.take(pos_emb, position_ids, axis=0)[None, :, :]
    token_type_embeddings = jnp.take(tok_type_emb, token_type_ids, axis=0)
    embeddings = words_embeddings + position_embeddings + token_type_embeddings
    vis_proj = jnp.einsum('bld,dh->blh', visual_embeddings, proj_W) + proj_b
    token_type_embeddings_visual = jnp.take(tok_type_vis_emb, visual_embeddings_type, axis=0)
    v_embeddings = vis_proj + token_type_embeddings_visual
    embeddings = jnp.concatenate((embeddings, v_embeddings), axis=1)
    embeddings = _layer_norm(embeddings, ln_gamma, ln_beta)
    # dropout is identity in eval mode
    return embeddings

if __name__ == "__main__":
    import jax
    _d = setup_inputs()
    print(jax.jit(kernel)(*tuple(_d.values())))

</pallas_src>

<mosaic_0001>
#map = affine_map<(d0, d1) -> (0, 0)>
#map1 = affine_map<(d0, d1) -> (0)>
module attributes {stable_mosaic.version = 14 : i64} {
  func.func @_sc_gather_body(%arg0: i32, %arg1: i32, %arg2: memref<30522x768xf32, #tpu.memory_space<hbm>>, %arg3: memref<32768xi32, #tpu.memory_space<hbm>>, %arg4: memref<32768x768xf32, #tpu.memory_space<hbm>>, %arg5: memref<1024xi32, #tpu.memory_space<vmem>>, %arg6: memref<2x64x768xf32, #tpu.memory_space<vmem>>, %arg7: memref<!tpu.dma_semaphore, #tpu.memory_space<semaphore_mem>>, %arg8: memref<!tpu.dma_semaphore, #tpu.memory_space<semaphore_mem>>, %arg9: memref<!tpu.dma_semaphore, #tpu.memory_space<semaphore_mem>>, %arg10: memref<!tpu.dma_semaphore, #tpu.memory_space<semaphore_mem>>) attributes {dimension_semantics = [#tpu.dimension_semantics<core_parallel>, #tpu.dimension_semantics<subcore_parallel>], iteration_bounds = array<i64: 2, 16>, scalar_prefetch = 0 : i64, scratch_operands = 6 : i64, tpu.core_type = #tpu.core_type<sc_vector_subcore>, window_params = [{transform_indices = #map}, {transform_indices = #map1}, {transform_indices = #map}]} {
    %mul3A = arith.constant 2 : i32
    %mul3A_0 = arith.muli %arg1, %mul3A : i32
    %add3A = arith.addi %mul3A_0, %arg0 : i32
    %mul3A_1 = arith.constant 1024 : i32
    %mul3A_2 = arith.muli %add3A, %mul3A_1 : i32
    "tpu.region"() ({
      %run_scoped3A = tpu.sem_alloc : memref<!tpu.dma_semaphore, #tpu.memory_space<semaphore_mem>>
      %dma_start3A_769 = tpu.memref_slice %arg3[%mul3A_2] : memref<32768xi32, #tpu.memory_space<hbm>> -> memref<1024xi32, #tpu.memory_space<hbm>>
      %dma_start3A_770 = tpu.memref_slice %arg3[%mul3A_2] : memref<32768xi32, #tpu.memory_space<hbm>> -> memref<1024xi32, #tpu.memory_space<hbm>>
      tpu.enqueue_dma source(%dma_start3A_770 : memref<1024xi32, #tpu.memory_space<hbm>>) target(%arg5 : memref<1024xi32, #tpu.memory_space<vmem>>) target_semaphore(%run_scoped3A : memref<!tpu.dma_semaphore, #tpu.memory_space<semaphore_mem>>)
      %dma_wait3A_771 = tpu.memref_slice %arg3[%mul3A_2] : memref<32768xi32, #tpu.memory_space<hbm>> -> memref<1024xi32, #tpu.memory_space<hbm>>
      %dma_wait3A_772 = tpu.memref_slice %arg3[%mul3A_2] : memref<32768xi32, #tpu.memory_space<hbm>> -> memref<1024xi32, #tpu.memory_space<hbm>>
      tpu.wait_dma2 semaphore(%run_scoped3A : memref<!tpu.dma_semaphore, #tpu.memory_space<semaphore_mem>>) src(%dma_wait3A_772 : memref<1024xi32, #tpu.memory_space<hbm>>) dst(%arg5 : memref<1024xi32, #tpu.memory_space<vmem>>)
      tpu.yield
    }) : () -> ()
    %dma_start3A = arith.constant 0 : i32
    %dma_start3A_3 = arith.constant 0 : i32
    %dma_start3A_4 = arith.constant 0 : i32
    %dma_start3A_5 = tpu.memref_slice %arg6[%dma_start3A, %dma_start3A_3, %dma_start3A_4] : memref<2x64x768xf32, #tpu.memory_space<vmem>> -> memref<1x64x768xf32, #tpu.memory_space<vmem>>
    %dma_start3A_6 = tpu.memref_squeeze %dma_start3A_5 : memref<1x64x768xf32, #tpu.memory_space<vmem>> -> memref<64x768xf32, #tpu.memory_space<vmem>>
    %dma_start3A_7 = arith.constant 0 : i32
    %dma_start3A_8 = tpu.memref_slice %arg5[%dma_start3A_7] : memref<1024xi32, #tpu.memory_space<vmem>> -> memref<64xi32, #tpu.memory_space<vmem>>
    %dma_start3A_9 = arith.constant 0 : i32
    %dma_start3A_10 = arith.constant 0 : i32
    %dma_start3A_11 = tpu.memref_slice %arg2[%dma_start3A_9, %dma_start3A_10] : memref<30522x768xf32, #tpu.memory_space<hbm>> -> memref<30522x768xf32, #tpu.memory_space<hbm>>
    tpu.enqueue_indirect_dma source(%dma_start3A_11 : memref<30522x768xf32, #tpu.memory_space<hbm>>) target(%dma_start3A_6 : memref<64x768xf32, #tpu.memory_space<vmem>>) offsets(%dma_start3A_8 : memref<64xi32, #tpu.memory_space<vmem>>) semaphore(%arg7 : memref<!tpu.dma_semaphore, #tpu.memory_space<semaphore_mem>>)
    %dma_start3A_12 = arith.constant 1 : i32
    %dma_start3A_13 = arith.constant 0 : i32
    %dma_start3A_14 = arith.constant 0 : i32
    %dma_start3A_15 = tpu.memref_slice %arg6[%dma_start3A_12, %dma_start3A_13, %dma_start3A_14] : memref<2x64x768xf32, #tpu.memory_space<vmem>> -> memref<1x64x768xf32, #tpu.memory_space<vmem>>
    %dma_start3A_16 = tpu.memref_squeeze %dma_start3A_15 : memref<1x64x768xf32, #tpu.memory_space<vmem>> -> memref<64x768xf32, #tpu.memory_space<vmem>>
    %dma_start3A_17 = arith.constant 64 : i32
    %dma_start3A_18 = tpu.memref_slice %arg5[%dma_start3A_17] : memref<1024xi32, #tpu.memory_space<vmem>> -> memref<64xi32, #tpu.memory_space<vmem>>
    %dma_start3A_19 = arith.constant 0 : i32
    %dma_start3A_20 = arith.constant 0 : i32
    %dma_start3A_21 = tpu.memref_slice %arg2[%dma_start3A_19, %dma_start3A_20] : memref<30522x768xf32, #tpu.memory_space<hbm>> -> memref<30522x768xf32, #tpu.memory_space<hbm>>
    tpu.enqueue_indirect_dma source(%dma_start3A_21 : memref<30522x768xf32, #tpu.memory_space<hbm>>) target(%dma_start3A_16 : memref<64x768xf32, #tpu.memory_space<vmem>>) offsets(%dma_start3A_18 : memref<64xi32, #tpu.memory_space<vmem>>) semaphore(%arg8 : memref<!tpu.dma_semaphore, #tpu.memory_space<semaphore_mem>>)
    %dma_wait3A = arith.constant 0 : i32
    %dma_wait3A_22 = arith.constant 0 : i32
    %dma_wait3A_23 = arith.constant 0 : i32
    %dma_wait3A_24 = tpu.memref_slice %arg6[%dma_wait3A, %dma_wait3A_22, %dma_wait3A_23] : memref<2x64x768xf32, #tpu.memory_space<vmem>> -> memref<1x64x768xf32, #tpu.memory_space<vmem>>
    %dma_wait3A_25 = tpu.memref_squeeze %dma_wait3A_24 : memref<1x64x768xf32, #tpu.memory_space<vmem>> -> memref<64x768xf32, #tpu.memory_space<vmem>>
    %dma_wait3A_26 = arith.constant 0 : i32
    %dma_wait3A_27 = tpu.memref_slice %arg5[%dma_wait3A_26] : memref<1024xi32, #tpu.memory_space<vmem>> -> memref<64xi32, #tpu.memory_space<vmem>>
    %dma_wait3A_28 = arith.constant 0 : i32
    %dma_wait3A_29 = arith.constant 0 : i32
    %dma_wait3A_30 = tpu.memref_slice %arg2[%dma_wait3A_28, %dma_wait3A_29] : memref<30522x768xf32, #tpu.memory_space<hbm>> -> memref<30522x768xf32, #tpu.memory_space<hbm>>
    tpu.wait_indirect_dma semaphore(%arg7 : memref<!tpu.dma_semaphore, #tpu.memory_space<semaphore_mem>>) src(%dma_wait3A_30 : memref<30522x768xf32, #tpu.memory_space<hbm>>) dst(%dma_wait3A_25 : memref<64x768xf32, #tpu.memory_space<vmem>>)
    %add3A_31 = arith.constant 0 : i32
    %add3A_32 = arith.addi %mul3A_2, %add3A_31 : i32
    %dma_start3A_33 = arith.constant 0 : i32
    %dma_start3A_34 = arith.constant 0 : i32
    %dma_start3A_35 = arith.constant 0 : i32
    %dma_start3A_36 = tpu.memref_slice %arg6[%dma_start3A_33, %dma_start3A_34, %dma_start3A_35] : memref<2x64x768xf32, #tpu.memory_space<vmem>> -> memref<1x64x768xf32, #tpu.memory_space<vmem>>
    %dma_start3A_37 = tpu.memref_squeeze %dma_start3A_36 : memref<1x64x768xf32, #tpu.memory_space<vmem>> -> memref<64x768xf32, #tpu.memory_space<vmem>>
    %dma_start3A_38 = arith.constant 0 : i32
    %dma_start3A_39 = tpu.memref_slice %arg4[%add3A_32, %dma_start3A_38] : memref<32768x768xf32, #tpu.memory_space<hbm>> -> memref<64x768xf32, #tpu.memory_space<hbm>>
    %dma_start3A_40 = arith.constant 0 : i32
    %dma_start3A_41 = tpu.memref_slice %arg4[%add3A_32, %dma_start3A_40] : memref<32768x768xf32, #tpu.memory_space<hbm>> -> memref<64x768xf32, #tpu.memory_space<hbm>>
    %dma_start3A_42 = arith.constant 0 : i32
    %dma_start3A_43 = arith.constant 0 : i32
    %dma_start3A_44 = tpu.memref_slice %arg6[%dma_start3A_33, %dma_start3A_42, %dma_start3A_43] : memref<2x64x768xf32, #tpu.memory_space<vmem>> -> memref<1x64x768xf32, #tpu.memory_space<vmem>>
    %dma_start3A_45 = tpu.memref_squeeze %dma_start3A_44 : memref<1x64x768xf32, #tpu.memory_space<vmem>> -> memref<64x768xf32, #tpu.memory_space<vmem>>
    tpu.enqueue_dma source(%dma_start3A_45 : memref<64x768xf32, #tpu.memory_space<vmem>>) target(%dma_start3A_41 : memref<64x768xf32, #tpu.memory_space<hbm>>) target_semaphore(%arg9 : memref<!tpu.dma_semaphore, #tpu.memory_space<semaphore_mem>>)
    %dma_wait3A_46 = arith.constant 0 : i32
    %dma_wait3A_47 = arith.constant 0 : i32
    %dma_wait3A_48 = arith.constant 0 : i32
    %dma_wait3A_49 = tpu.memref_slice %arg6[%dma_wait3A_46, %dma_wait3A_47, %dma_wait3A_48] : memref<2x64x768xf32, #tpu.memory_space<vmem>> -> memref<1x64x768xf32, #tpu.memory_space<vmem>>
    %dma_wait3A_50 = tpu.memref_squeeze %dma_wait3A_49 : memref<1x64x768xf32, #tpu.memory_space<vmem>> -> memref<64x768xf32, #tpu.memory_space<vmem>>
    %dma_wait3A_51 = arith.constant 0 : i32
    %dma_wait3A_52 = tpu.memref_slice %arg4[%add3A_32, %dma_wait3A_51] : memref<32768x768xf32, #tpu.memory_space<hbm>> -> memref<64x768xf32, #tpu.memory_space<hbm>>
    %dma_wait3A_53 = arith.constant 0 : i32
    %dma_wait3A_54 = tpu.memref_slice %arg4[%add3A_32, %dma_wait3A_53] : memref<32768x768xf32, #tpu.memory_space<hbm>> -> memref<64x768xf32, #tpu.memory_space<hbm>>
    %dma_wait3A_55 = arith.constant 0 : i32
    %dma_wait3A_56 = arith.constant 0 : i32
    %dma_wait3A_57 = tpu.memref_slice %arg6[%dma_wait3A_46, %dma_wait3A_55, %dma_wait3A_56] : memref<2x64x768xf32, #tpu.memory_space<vmem>> -> memref<1x64x768xf32, #tpu.memory_space<vmem>>
    %dma_wait3A_58 = tpu.memref_squeeze %dma_wait3A_57 : memref<1x64x768xf32, #tpu.memory_space<vmem>> -> memref<64x768xf32, #tpu.memory_space<vmem>>
    tpu.wait_dma2 semaphore(%arg9 : memref<!tpu.dma_semaphore, #tpu.memory_space<semaphore_mem>>) src(%dma_wait3A_58 : memref<64x768xf32, #tpu.memory_space<vmem>>) dst(%dma_wait3A_54 : memref<64x768xf32, #tpu.memory_space<hbm>>)
    %dma_start3A_59 = arith.constant 0 : i32
    %dma_start3A_60 = arith.constant 0 : i32
    %dma_start3A_61 = arith.constant 0 : i32
    %dma_start3A_62 = tpu.memref_slice %arg6[%dma_start3A_59, %dma_start3A_60, %dma_start3A_61] : memref<2x64x768xf32, #tpu.memory_space<vmem>> -> memref<1x64x768xf32, #tpu.memory_space<vmem>>
    %dma_start3A_63 = tpu.memref_squeeze %dma_start3A_62 : memref<1x64x768xf32, #tpu.memory_space<vmem>> -> memref<64x768xf32, #tpu.memory_space<vmem>>
    %dma_start3A_64 = arith.constant 128 : i32
    %dma_start3A_65 = tpu.memref_slice %arg5[%dma_start3A_64] : memref<1024xi32, #tpu.memory_space<vmem>> -> memref<64xi32, #tpu.memory_space<vmem>>
    %dma_start3A_66 = arith.constant 0 : i32
    %dma_start3A_67 = arith.constant 0 : i32
    %dma_start3A_68 = tpu.memref_slice %arg2[%dma_start3A_66, %dma_start3A_67] : memref<30522x768xf32, #tpu.memory_space<hbm>> -> memref<30522x768xf32, #tpu.memory_space<hbm>>
    tpu.enqueue_indirect_dma source(%dma_start3A_68 : memref<30522x768xf32, #tpu.memory_space<hbm>>) target(%dma_start3A_63 : memref<64x768xf32, #tpu.memory_space<vmem>>) offsets(%dma_start3A_65 : memref<64xi32, #tpu.memory_space<vmem>>) semaphore(%arg7 : memref<!tpu.dma_semaphore, #tpu.memory_space<semaphore_mem>>)
    %dma_wait3A_69 = arith.constant 1 : i32
    %dma_wait3A_70 = arith.constant 0 : i32
    %dma_wait3A_71 = arith.constant 0 : i32
    %dma_wait3A_72 = tpu.memref_slice %arg6[%dma_wait3A_69, %dma_wait3A_70, %dma_wait3A_71] : memref<2x64x768xf32, #tpu.memory_space<vmem>> -> memref<1x64x768xf32, #tpu.memory_space<vmem>>
    %dma_wait3A_73 = tpu.memref_squeeze %dma_wait3A_72 : memref<1x64x768xf32, #tpu.memory_space<vmem>> -> memref<64x768xf32, #tpu.memory_space<vmem>>
    %dma_wait3A_74 = arith.constant 64 : i32
    %dma_wait3A_75 = tpu.memref_slice %arg5[%dma_wait3A_74] : memref<1024xi32, #tpu.memory_space<vmem>> -> memref<64xi32, #tpu.memory_space<vmem>>
    %dma_wait3A_76 = arith.constant 0 : i32
    %dma_wait3A_77 = arith.constant 0 : i32
    %dma_wait3A_78 = tpu.memref_slice %arg2[%dma_wait3A_76, %dma_wait3A_77] : memref<30522x768xf32, #tpu.memory_space<hbm>> -> memref<30522x768xf32, #tpu.memory_space<hbm>>
    tpu.wait_indirect_dma semaphore(%arg8 : memref<!tpu.dma_semaphore, #tpu.memory_space<semaphore_mem>>) src(%dma_wait3A_78 : memref<30522x768xf32, #tpu.memory_space<hbm>>) dst(%dma_wait3A_73 : memref<64x768xf32, #tpu.memory_space<vmem>>)
    %add3A_79 = arith.constant 64 : i32
    %add3A_80 = arith.addi %mul3A_2, %add3A_79 : i32
    %dma_start3A_81 = arith.constant 1 : i32
    %dma_start3A_82 = arith.constant 0 : i32
    %dma_start3A_83 = arith.constant 0 : i32
    %dma_start3A_84 = tpu.memref_slice %arg6[%dma_start3A_81, %dma_start3A_82, %dma_start3A_83] : memref<2x64x768xf32, #tpu.memory_space<vmem>> -> memref<1x64x768xf32, #tpu.memory_space<vmem>>
    %dma_start3A_85 = tpu.memref_squeeze %dma_start3A_84 : memref<1x64x768xf32, #tpu.memory_space<vmem>> -> memref<64x768xf32, #tpu.memory_space<vmem>>
    %dma_start3A_86 = arith.constant 0 : i32
    %dma_start3A_87 = tpu.memref_slice %arg4[%add3A_80, %dma_start3A_86] : memref<32768x768xf32, #tpu.memory_space<hbm>> -> memref<64x768xf32, #tpu.memory_space<hbm>>
    %dma_start3A_88 = arith.constant 0 : i32
    %dma_start3A_89 = tpu.memref_slice %arg4[%add3A_80, %dma_start3A_88] : memref<32768x768xf32, #tpu.memory_space<hbm>> -> memref<64x768xf32, #tpu.memory_space<hbm>>
    %dma_start3A_90 = arith.constant 0 : i32
    %dma_start3A_91 = arith.constant 0 : i32
    %dma_start3A_92 = tpu.memref_slice %arg6[%dma_start3A_81, %dma_start3A_90, %dma_start3A_91] : memref<2x64x768xf32, #tpu.memory_space<vmem>> -> memref<1x64x768xf32, #tpu.memory_space<vmem>>
    %dma_start3A_93 = tpu.memref_squeeze %dma_start3A_92 : memref<1x64x768xf32, #tpu.memory_space<vmem>> -> memref<64x768xf32, #tpu.memory_space<vmem>>
    tpu.enqueue_dma source(%dma_start3A_93 : memref<64x768xf32, #tpu.memory_space<vmem>>) target(%dma_start3A_89 : memref<64x768xf32, #tpu.memory_space<hbm>>) target_semaphore(%arg10 : memref<!tpu.dma_semaphore, #tpu.memory_space<semaphore_mem>>)
    %dma_wait3A_94 = arith.constant 1 : i32
    %dma_wait3A_95 = arith.constant 0 : i32
    %dma_wait3A_96 = arith.constant 0 : i32
    %dma_wait3A_97 = tpu.memref_slice %arg6[%dma_wait3A_94, %dma_wait3A_95, %dma_wait3A_96] : memref<2x64x768xf32, #tpu.memory_space<vmem>> -> memref<1x64x768xf32, #tpu.memory_space<vmem>>
    %dma_wait3A_98 = tpu.memref_squeeze %dma_wait3A_97 : memref<1x64x768xf32, #tpu.memory_space<vmem>> -> memref<64x768xf32, #tpu.memory_space<vmem>>
    %dma_wait3A_99 = arith.constant 0 : i32
    %dma_wait3A_100 = tpu.memref_slice %arg4[%add3A_80, %dma_wait3A_99] : memref<32768x768xf32, #tpu.memory_space<hbm>> -> memref<64x768xf32, #tpu.memory_space<hbm>>
    %dma_wait3A_101 = arith.constant 0 : i32
    %dma_wait3A_102 = tpu.memref_slice %arg4[%add3A_80, %dma_wait3A_101] : memref<32768x768xf32, #tpu.memory_space<hbm>> -> memref<64x768xf32, #tpu.memory_space<hbm>>
    %dma_wait3A_103 = arith.constant 0 : i32
    %dma_wait3A_104 = arith.constant 0 : i32
    %dma_wait3A_105 = tpu.memref_slice %arg6[%dma_wait3A_94, %dma_wait3A_103, %dma_wait3A_104] : memref<2x64x768xf32, #tpu.memory_space<vmem>> -> memref<1x64x768xf32, #tpu.memory_space<vmem>>
    %dma_wait3A_106 = tpu.memref_squeeze %dma_wait3A_105 : memref<1x64x768xf32, #tpu.memory_space<vmem>> -> memref<64x768xf32, #tpu.memory_space<vmem>>
    tpu.wait_dma2 semaphore(%arg10 : memref<!tpu.dma_semaphore, #tpu.memory_space<semaphore_mem>>) src(%dma_wait3A_106 : memref<64x768xf32, #tpu.memory_space<vmem>>) dst(%dma_wait3A_102 : memref<64x768xf32, #tpu.memory_space<hbm>>)
    %dma_start3A_107 = arith.constant 1 : i32
    %dma_start3A_108 = arith.constant 0 : i32
    %dma_start3A_109 = arith.constant 0 : i32
    %dma_start3A_110 = tpu.memref_slice %arg6[%dma_start3A_107, %dma_start3A_108, %dma_start3A_109] : memref<2x64x768xf32, #tpu.memory_space<vmem>> -> memref<1x64x768xf32, #tpu.memory_space<vmem>>
    %dma_start3A_111 = tpu.memref_squeeze %dma_start3A_110 : memref<1x64x768xf32, #tpu.memory_space<vmem>> -> memref<64x768xf32, #tpu.memory_space<vmem>>
    %dma_start3A_112 = arith.constant 192 : i32
    %dma_start3A_113 = tpu.memref_slice %arg5[%dma_start3A_112] : memref<1024xi32, #tpu.memory_space<vmem>> -> memref<64xi32, #tpu.memory_space<vmem>>
    %dma_start3A_114 = arith.constant 0 : i32
    %dma_start3A_115 = arith.constant 0 : i32
    %dma_start3A_116 = tpu.memref_slice %arg2[%dma_start3A_114, %dma_start3A_115] : memref<30522x768xf32, #tpu.memory_space<hbm>> -> memref<30522x768xf32, #tpu.memory_space<hbm>>
    tpu.enqueue_indirect_dma source(%dma_start3A_116 : memref<30522x768xf32, #tpu.memory_space<hbm>>) target(%dma_start3A_111 : memref<64x768xf32, #tpu.memory_space<vmem>>) offsets(%dma_start3A_113 : memref<64xi32, #tpu.memory_space<vmem>>) semaphore(%arg8 : memref<!tpu.dma_semaphore, #tpu.memory_space<semaphore_mem>>)
    %dma_wait3A_117 = arith.constant 0 : i32
    %dma_wait3A_118 = arith.constant 0 : i32
    %dma_wait3A_119 = arith.constant 0 : i32
    %dma_wait3A_120 = tpu.memref_slice %arg6[%dma_wait3A_117, %dma_wait3A_118, %dma_wait3A_119] : memref<2x64x768xf32, #tpu.memory_space<vmem>> -> memref<1x64x768xf32, #tpu.memory_space<vmem>>
    %dma_wait3A_121 = tpu.memref_squeeze %dma_wait3A_120 : memref<1x64x768xf32, #tpu.memory_space<vmem>> -> memref<64x768xf32, #tpu.memory_space<vmem>>
    %dma_wait3A_122 = arith.constant 128 : i32
    %dma_wait3A_123 = tpu.memref_slice %arg5[%dma_wait3A_122] : memref<1024xi32, #tpu.memory_space<vmem>> -> memref<64xi32, #tpu.memory_space<vmem>>
    %dma_wait3A_124 = arith.constant 0 : i32
    %dma_wait3A_125 = arith.constant 0 : i32
    %dma_wait3A_126 = tpu.memref_slice %arg2[%dma_wait3A_124, %dma_wait3A_125] : memref<30522x768xf32, #tpu.memory_space<hbm>> -> memref<30522x768xf32, #tpu.memory_space<hbm>>
    tpu.wait_indirect_dma semaphore(%arg7 : memref<!tpu.dma_semaphore, #tpu.memory_space<semaphore_mem>>) src(%dma_wait3A_126 : memref<30522x768xf32, #tpu.memory_space<hbm>>) dst(%dma_wait3A_121 : memref<64x768xf32, #tpu.memory_space<vmem>>)
    %add3A_127 = arith.constant 128 : i32
    %add3A_128 = arith.addi %mul3A_2, %add3A_127 : i32
    %dma_start3A_129 = arith.constant 0 : i32
    %dma_start3A_130 = arith.constant 0 : i32
    %dma_start3A_131 = arith.constant 0 : i32
    %dma_start3A_132 = tpu.memref_slice %arg6[%dma_start3A_129, %dma_start3A_130, %dma_start3A_131] : memref<2x64x768xf32, #tpu.memory_space<vmem>> -> memref<1x64x768xf32, #tpu.memory_space<vmem>>
    %dma_start3A_133 = tpu.memref_squeeze %dma_start3A_132 : memref<1x64x768xf32, #tpu.memory_space<vmem>> -> memref<64x768xf32, #tpu.memory_space<vmem>>
    %dma_start3A_134 = arith.constant 0 : i32
    %dma_start3A_135 = tpu.memref_slice %arg4[%add3A_128, %dma_start3A_134] : memref<32768x768xf32, #tpu.memory_space<hbm>> -> memref<64x768xf32, #tpu.memory_space<hbm>>
    %dma_start3A_136 = arith.constant 0 : i32
    %dma_start3A_137 = tpu.memref_slice %arg4[%add3A_128, %dma_start3A_136] : memref<32768x768xf32, #tpu.memory_space<hbm>> -> memref<64x768xf32, #tpu.memory_space<hbm>>
    %dma_start3A_138 = arith.constant 0 : i32
    %dma_start3A_139 = arith.constant 0 : i32
    %dma_start3A_140 = tpu.memref_slice %arg6[%dma_start3A_129, %dma_start3A_138, %dma_start3A_139] : memref<2x64x768xf32, #tpu.memory_space<vmem>> -> memref<1x64x768xf32, #tpu.memory_space<vmem>>
    %dma_start3A_141 = tpu.memref_squeeze %dma_start3A_140 : memref<1x64x768xf32, #tpu.memory_space<vmem>> -> memref<64x768xf32, #tpu.memory_space<vmem>>
    tpu.enqueue_dma source(%dma_start3A_141 : memref<64x768xf32, #tpu.memory_space<vmem>>) target(%dma_start3A_137 : memref<64x768xf32, #tpu.memory_space<hbm>>) target_semaphore(%arg9 : memref<!tpu.dma_semaphore, #tpu.memory_space<semaphore_mem>>)
    %dma_wait3A_142 = arith.constant 0 : i32
    %dma_wait3A_143 = arith.constant 0 : i32
    %dma_wait3A_144 = arith.constant 0 : i32
    %dma_wait3A_145 = tpu.memref_slice %arg6[%dma_wait3A_142, %dma_wait3A_143, %dma_wait3A_144] : memref<2x64x768xf32, #tpu.memory_space<vmem>> -> memref<1x64x768xf32, #tpu.memory_space<vmem>>
    %dma_wait3A_146 = tpu.memref_squeeze %dma_wait3A_145 : memref<1x64x768xf32, #tpu.memory_space<vmem>> -> memref<64x768xf32, #tpu.memory_space<vmem>>
    %dma_wait3A_147 = arith.constant 0 : i32
    %dma_wait3A_148 = tpu.memref_slice %arg4[%add3A_128, %dma_wait3A_147] : memref<32768x768xf32, #tpu.memory_space<hbm>> -> memref<64x768xf32, #tpu.memory_space<hbm>>
    %dma_wait3A_149 = arith.constant 0 : i32
    %dma_wait3A_150 = tpu.memref_slice %arg4[%add3A_128, %dma_wait3A_149] : memref<32768x768xf32, #tpu.memory_space<hbm>> -> memref<64x768xf32, #tpu.memory_space<hbm>>
    %dma_wait3A_151 = arith.constant 0 : i32
    %dma_wait3A_152 = arith.constant 0 : i32
    %dma_wait3A_153 = tpu.memref_slice %arg6[%dma_wait3A_142, %dma_wait3A_151, %dma_wait3A_152] : memref<2x64x768xf32, #tpu.memory_space<vmem>> -> memref<1x64x768xf32, #tpu.memory_space<vmem>>
    %dma_wait3A_154 = tpu.memref_squeeze %dma_wait3A_153 : memref<1x64x768xf32, #tpu.memory_space<vmem>> -> memref<64x768xf32, #tpu.memory_space<vmem>>
    tpu.wait_dma2 semaphore(%arg9 : memref<!tpu.dma_semaphore, #tpu.memory_space<semaphore_mem>>) src(%dma_wait3A_154 : memref<64x768xf32, #tpu.memory_space<vmem>>) dst(%dma_wait3A_150 : memref<64x768xf32, #tpu.memory_space<hbm>>)
    %dma_start3A_155 = arith.constant 0 : i32
    %dma_start3A_156 = arith.constant 0 : i32
    %dma_start3A_157 = arith.constant 0 : i32
    %dma_start3A_158 = tpu.memref_slice %arg6[%dma_start3A_155, %dma_start3A_156, %dma_start3A_157] : memref<2x64x768xf32, #tpu.memory_space<vmem>> -> memref<1x64x768xf32, #tpu.memory_space<vmem>>
    %dma_start3A_159 = tpu.memref_squeeze %dma_start3A_158 : memref<1x64x768xf32, #tpu.memory_space<vmem>> -> memref<64x768xf32, #tpu.memory_space<vmem>>
    %dma_start3A_160 = arith.constant 256 : i32
    %dma_start3A_161 = tpu.memref_slice %arg5[%dma_start3A_160] : memref<1024xi32, #tpu.memory_space<vmem>> -> memref<64xi32, #tpu.memory_space<vmem>>
    %dma_start3A_162 = arith.constant 0 : i32
    %dma_start3A_163 = arith.constant 0 : i32
    %dma_start3A_164 = tpu.memref_slice %arg2[%dma_start3A_162, %dma_start3A_163] : memref<30522x768xf32, #tpu.memory_space<hbm>> -> memref<30522x768xf32, #tpu.memory_space<hbm>>
    tpu.enqueue_indirect_dma source(%dma_start3A_164 : memref<30522x768xf32, #tpu.memory_space<hbm>>) target(%dma_start3A_159 : memref<64x768xf32, #tpu.memory_space<vmem>>) offsets(%dma_start3A_161 : memref<64xi32, #tpu.memory_space<vmem>>) semaphore(%arg7 : memref<!tpu.dma_semaphore, #tpu.memory_space<semaphore_mem>>)
    %dma_wait3A_165 = arith.constant 1 : i32
    %dma_wait3A_166 = arith.constant 0 : i32
    %dma_wait3A_167 = arith.constant 0 : i32
    %dma_wait3A_168 = tpu.memref_slice %arg6[%dma_wait3A_165, %dma_wait3A_166, %dma_wait3A_167] : memref<2x64x768xf32, #tpu.memory_space<vmem>> -> memref<1x64x768xf32, #tpu.memory_space<vmem>>
    %dma_wait3A_169 = tpu.memref_squeeze %dma_wait3A_168 : memref<1x64x768xf32, #tpu.memory_space<vmem>> -> memref<64x768xf32, #tpu.memory_space<vmem>>
    %dma_wait3A_170 = arith.constant 192 : i32
    %dma_wait3A_171 = tpu.memref_slice %arg5[%dma_wait3A_170] : memref<1024xi32, #tpu.memory_space<vmem>> -> memref<64xi32, #tpu.memory_space<vmem>>
    %dma_wait3A_172 = arith.constant 0 : i32
    %dma_wait3A_173 = arith.constant 0 : i32
    %dma_wait3A_174 = tpu.memref_slice %arg2[%dma_wait3A_172, %dma_wait3A_173] : memref<30522x768xf32, #tpu.memory_space<hbm>> -> memref<30522x768xf32, #tpu.memory_space<hbm>>
    tpu.wait_indirect_dma semaphore(%arg8 : memref<!tpu.dma_semaphore, #tpu.memory_space<semaphore_mem>>) src(%dma_wait3A_174 : memref<30522x768xf32, #tpu.memory_space<hbm>>) dst(%dma_wait3A_169 : memref<64x768xf32, #tpu.memory_space<vmem>>)
    %add3A_175 = arith.constant 192 : i32
    %add3A_176 = arith.addi %mul3A_2, %add3A_175 : i32
    %dma_start3A_177 = arith.constant 1 : i32
    %dma_start3A_178 = arith.constant 0 : i32
    %dma_start3A_179 = arith.constant 0 : i32
    %dma_start3A_180 = tpu.memref_slice %arg6[%dma_start3A_177, %dma_start3A_178, %dma_start3A_179] : memref<2x64x768xf32, #tpu.memory_space<vmem>> -> memref<1x64x768xf32, #tpu.memory_space<vmem>>
    %dma_start3A_181 = tpu.memref_squeeze %dma_start3A_180 : memref<1x64x768xf32, #tpu.memory_space<vmem>> -> memref<64x768xf32, #tpu.memory_space<vmem>>
    %dma_start3A_182 = arith.constant 0 : i32
    %dma_start3A_183 = tpu.memref_slice %arg4[%add3A_176, %dma_start3A_182] : memref<32768x768xf32, #tpu.memory_space<hbm>> -> memref<64x768xf32, #tpu.memory_space<hbm>>
    %dma_start3A_184 = arith.constant 0 : i32
    %dma_start3A_185 = tpu.memref_slice %arg4[%add3A_176, %dma_start3A_184] : memref<32768x768xf32, #tpu.memory_space<hbm>> -> memref<64x768xf32, #tpu.memory_space<hbm>>
    %dma_start3A_186 = arith.constant 0 : i32
    %dma_start3A_187 = arith.constant 0 : i32
    %dma_start3A_188 = tpu.memref_slice %arg6[%dma_start3A_177, %dma_start3A_186, %dma_start3A_187] : memref<2x64x768xf32, #tpu.memory_space<vmem>> -> memref<1x64x768xf32, #tpu.memory_space<vmem>>
    %dma_start3A_189 = tpu.memref_squeeze %dma_start3A_188 : memref<1x64x768xf32, #tpu.memory_space<vmem>> -> memref<64x768xf32, #tpu.memory_space<vmem>>
    tpu.enqueue_dma source(%dma_start3A_189 : memref<64x768xf32, #tpu.memory_space<vmem>>) target(%dma_start3A_185 : memref<64x768xf32, #tpu.memory_space<hbm>>) target_semaphore(%arg10 : memref<!tpu.dma_semaphore, #tpu.memory_space<semaphore_mem>>)
    %dma_wait3A_190 = arith.constant 1 : i32
    %dma_wait3A_191 = arith.constant 0 : i32
    %dma_wait3A_192 = arith.constant 0 : i32
    %dma_wait3A_193 = tpu.memref_slice %arg6[%dma_wait3A_190, %dma_wait3A_191, %dma_wait3A_192] : memref<2x64x768xf32, #tpu.memory_space<vmem>> -> memref<1x64x768xf32, #tpu.memory_space<vmem>>
    %dma_wait3A_194 = tpu.memref_squeeze %dma_wait3A_193 : memref<1x64x768xf32, #tpu.memory_space<vmem>> -> memref<64x768xf32, #tpu.memory_space<vmem>>
    %dma_wait3A_195 = arith.constant 0 : i32
    %dma_wait3A_196 = tpu.memref_slice %arg4[%add3A_176, %dma_wait3A_195] : memref<32768x768xf32, #tpu.memory_space<hbm>> -> memref<64x768xf32, #tpu.memory_space<hbm>>
    %dma_wait3A_197 = arith.constant 0 : i32
    %dma_wait3A_198 = tpu.memref_slice %arg4[%add3A_176, %dma_wait3A_197] : memref<32768x768xf32, #tpu.memory_space<hbm>> -> memref<64x768xf32, #tpu.memory_space<hbm>>
    %dma_wait3A_199 = arith.constant 0 : i32
    %dma_wait3A_200 = arith.constant 0 : i32
    %dma_wait3A_201 = tpu.memref_slice %arg6[%dma_wait3A_190, %dma_wait3A_199, %dma_wait3A_200] : memref<2x64x768xf32, #tpu.memory_space<vmem>> -> memref<1x64x768xf32, #tpu.memory_space<vmem>>
    %dma_wait3A_202 = tpu.memref_squeeze %dma_wait3A_201 : memref<1x64x768xf32, #tpu.memory_space<vmem>> -> memref<64x768xf32, #tpu.memory_space<vmem>>
    tpu.wait_dma2 semaphore(%arg10 : memref<!tpu.dma_semaphore, #tpu.memory_space<semaphore_mem>>) src(%dma_wait3A_202 : memref<64x768xf32, #tpu.memory_space<vmem>>) dst(%dma_wait3A_198 : memref<64x768xf32, #tpu.memory_space<hbm>>)
    %dma_start3A_203 = arith.constant 1 : i32
    %dma_start3A_204 = arith.constant 0 : i32
    %dma_start3A_205 = arith.constant 0 : i32
    %dma_start3A_206 = tpu.memref_slice %arg6[%dma_start3A_203, %dma_start3A_204, %dma_start3A_205] : memref<2x64x768xf32, #tpu.memory_space<vmem>> -> memref<1x64x768xf32, #tpu.memory_space<vmem>>
    %dma_start3A_207 = tpu.memref_squeeze %dma_start3A_206 : memref<1x64x768xf32, #tpu.memory_space<vmem>> -> memref<64x768xf32, #tpu.memory_space<vmem>>
    %dma_start3A_208 = arith.constant 320 : i32
    %dma_start3A_209 = tpu.memref_slice %arg5[%dma_start3A_208] : memref<1024xi32, #tpu.memory_space<vmem>> -> memref<64xi32, #tpu.memory_space<vmem>>
    %dma_start3A_210 = arith.constant 0 : i32
    %dma_start3A_211 = arith.constant 0 : i32
    %dma_start3A_212 = tpu.memref_slice %arg2[%dma_start3A_210, %dma_start3A_211] : memref<30522x768xf32, #tpu.memory_space<hbm>> -> memref<30522x768xf32, #tpu.memory_space<hbm>>
    tpu.enqueue_indirect_dma source(%dma_start3A_212 : memref<30522x768xf32, #tpu.memory_space<hbm>>) target(%dma_start3A_207 : memref<64x768xf32, #tpu.memory_space<vmem>>) offsets(%dma_start3A_209 : memref<64xi32, #tpu.memory_space<vmem>>) semaphore(%arg8 : memref<!tpu.dma_semaphore, #tpu.memory_space<semaphore_mem>>)
    %dma_wait3A_213 = arith.constant 0 : i32
    %dma_wait3A_214 = arith.constant 0 : i32
    %dma_wait3A_215 = arith.constant 0 : i32
    %dma_wait3A_216 = tpu.memref_slice %arg6[%dma_wait3A_213, %dma_wait3A_214, %dma_wait3A_215] : memref<2x64x768xf32, #tpu.memory_space<vmem>> -> memref<1x64x768xf32, #tpu.memory_space<vmem>>
    %dma_wait3A_217 = tpu.memref_squeeze %dma_wait3A_216 : memref<1x64x768xf32, #tpu.memory_space<vmem>> -> memref<64x768xf32, #tpu.memory_space<vmem>>
    %dma_wait3A_218 = arith.constant 256 : i32
    %dma_wait3A_219 = tpu.memref_slice %arg5[%dma_wait3A_218] : memref<1024xi32, #tpu.memory_space<vmem>> -> memref<64xi32, #tpu.memory_space<vmem>>
    %dma_wait3A_220 = arith.constant 0 : i32
    %dma_wait3A_221 = arith.constant 0 : i32
    %dma_wait3A_222 = tpu.memref_slice %arg2[%dma_wait3A_220, %dma_wait3A_221] : memref<30522x768xf32, #tpu.memory_space<hbm>> -> memref<30522x768xf32, #tpu.memory_space<hbm>>
    tpu.wait_indirect_dma semaphore(%arg7 : memref<!tpu.dma_semaphore, #tpu.memory_space<semaphore_mem>>) src(%dma_wait3A_222 : memref<30522x768xf32, #tpu.memory_space<hbm>>) dst(%dma_wait3A_217 : memref<64x768xf32, #tpu.memory_space<vmem>>)
    %add3A_223 = arith.constant 256 : i32
    %add3A_224 = arith.addi %mul3A_2, %add3A_223 : i32
    %dma_start3A_225 = arith.constant 0 : i32
    %dma_start3A_226 = arith.constant 0 : i32
    %dma_start3A_227 = arith.constant 0 : i32
    %dma_start3A_228 = tpu.memref_slice %arg6[%dma_start3A_225, %dma_start3A_226, %dma_start3A_227] : memref<2x64x768xf32, #tpu.memory_space<vmem>> -> memref<1x64x768xf32, #tpu.memory_space<vmem>>
    %dma_start3A_229 = tpu.memref_squeeze %dma_start3A_228 : memref<1x64x768xf32, #tpu.memory_space<vmem>> -> memref<64x768xf32, #tpu.memory_space<vmem>>
    %dma_start3A_230 = arith.constant 0 : i32
    %dma_start3A_231 = tpu.memref_slice %arg4[%add3A_224, %dma_start3A_230] : memref<32768x768xf32, #tpu.memory_space<hbm>> -> memref<64x768xf32, #tpu.memory_space<hbm>>
    %dma_start3A_232 = arith.constant 0 : i32
    %dma_start3A_233 = tpu.memref_slice %arg4[%add3A_224, %dma_start3A_232] : memref<32768x768xf32, #tpu.memory_space<hbm>> -> memref<64x768xf32, #tpu.memory_space<hbm>>
    %dma_start3A_234 = arith.constant 0 : i32
    %dma_start3A_235 = arith.constant 0 : i32
    %dma_start3A_236 = tpu.memref_slice %arg6[%dma_start3A_225, %dma_start3A_234, %dma_start3A_235] : memref<2x64x768xf32, #tpu.memory_space<vmem>> -> memref<1x64x768xf32, #tpu.memory_space<vmem>>
    %dma_start3A_237 = tpu.memref_squeeze %dma_start3A_236 : memref<1x64x768xf32, #tpu.memory_space<vmem>> -> memref<64x768xf32, #tpu.memory_space<vmem>>
    tpu.enqueue_dma source(%dma_start3A_237 : memref<64x768xf32, #tpu.memory_space<vmem>>) target(%dma_start3A_233 : memref<64x768xf32, #tpu.memory_space<hbm>>) target_semaphore(%arg9 : memref<!tpu.dma_semaphore, #tpu.memory_space<semaphore_mem>>)
    %dma_wait3A_238 = arith.constant 0 : i32
    %dma_wait3A_239 = arith.constant 0 : i32
    %dma_wait3A_240 = arith.constant 0 : i32
    %dma_wait3A_241 = tpu.memref_slice %arg6[%dma_wait3A_238, %dma_wait3A_239, %dma_wait3A_240] : memref<2x64x768xf32, #tpu.memory_space<vmem>> -> memref<1x64x768xf32, #tpu.memory_space<vmem>>
    %dma_wait3A_242 = tpu.memref_squeeze %dma_wait3A_241 : memref<1x64x768xf32, #tpu.memory_space<vmem>> -> memref<64x768xf32, #tpu.memory_space<vmem>>
    %dma_wait3A_243 = arith.constant 0 : i32
    %dma_wait3A_244 = tpu.memref_slice %arg4[%add3A_224, %dma_wait3A_243] : memref<32768x768xf32, #tpu.memory_space<hbm>> -> memref<64x768xf32, #tpu.memory_space<hbm>>
    %dma_wait3A_245 = arith.constant 0 : i32
    %dma_wait3A_246 = tpu.memref_slice %arg4[%add3A_224, %dma_wait3A_245] : memref<32768x768xf32, #tpu.memory_space<hbm>> -> memref<64x768xf32, #tpu.memory_space<hbm>>
    %dma_wait3A_247 = arith.constant 0 : i32
    %dma_wait3A_248 = arith.constant 0 : i32
    %dma_wait3A_249 = tpu.memref_slice %arg6[%dma_wait3A_238, %dma_wait3A_247, %dma_wait3A_248] : memref<2x64x768xf32, #tpu.memory_space<vmem>> -> memref<1x64x768xf32, #tpu.memory_space<vmem>>
    %dma_wait3A_250 = tpu.memref_squeeze %dma_wait3A_249 : memref<1x64x768xf32, #tpu.memory_space<vmem>> -> memref<64x768xf32, #tpu.memory_space<vmem>>
    tpu.wait_dma2 semaphore(%arg9 : memref<!tpu.dma_semaphore, #tpu.memory_space<semaphore_mem>>) src(%dma_wait3A_250 : memref<64x768xf32, #tpu.memory_space<vmem>>) dst(%dma_wait3A_246 : memref<64x768xf32, #tpu.memory_space<hbm>>)
    %dma_start3A_251 = arith.constant 0 : i32
    %dma_start3A_252 = arith.constant 0 : i32
    %dma_start3A_253 = arith.constant 0 : i32
    %dma_start3A_254 = tpu.memref_slice %arg6[%dma_start3A_251, %dma_start3A_252, %dma_start3A_253] : memref<2x64x768xf32, #tpu.memory_space<vmem>> -> memref<1x64x768xf32, #tpu.memory_space<vmem>>
    %dma_start3A_255 = tpu.memref_squeeze %dma_start3A_254 : memref<1x64x768xf32, #tpu.memory_space<vmem>> -> memref<64x768xf32, #tpu.memory_space<vmem>>
    %dma_start3A_256 = arith.constant 384 : i32
    %dma_start3A_257 = tpu.memref_slice %arg5[%dma_start3A_256] : memref<1024xi32, #tpu.memory_space<vmem>> -> memref<64xi32, #tpu.memory_space<vmem>>
    %dma_start3A_258 = arith.constant 0 : i32
    %dma_start3A_259 = arith.constant 0 : i32
    %dma_start3A_260 = tpu.memref_slice %arg2[%dma_start3A_258, %dma_start3A_259] : memref<30522x768xf32, #tpu.memory_space<hbm>> -> memref<30522x768xf32, #tpu.memory_space<hbm>>
    tpu.enqueue_indirect_dma source(%dma_start3A_260 : memref<30522x768xf32, #tpu.memory_space<hbm>>) target(%dma_start3A_255 : memref<64x768xf32, #tpu.memory_space<vmem>>) offsets(%dma_start3A_257 : memref<64xi32, #tpu.memory_space<vmem>>) semaphore(%arg7 : memref<!tpu.dma_semaphore, #tpu.memory_space<semaphore_mem>>)
    %dma_wait3A_261 = arith.constant 1 : i32
    %dma_wait3A_262 = arith.constant 0 : i32
    %dma_wait3A_263 = arith.constant 0 : i32
    %dma_wait3A_264 = tpu.memref_slice %arg6[%dma_wait3A_261, %dma_wait3A_262, %dma_wait3A_263] : memref<2x64x768xf32, #tpu.memory_space<vmem>> -> memref<1x64x768xf32, #tpu.memory_space<vmem>>
    %dma_wait3A_265 = tpu.memref_squeeze %dma_wait3A_264 : memref<1x64x768xf32, #tpu.memory_space<vmem>> -> memref<64x768xf32, #tpu.memory_space<vmem>>
    %dma_wait3A_266 = arith.constant 320 : i32
    %dma_wait3A_267 = tpu.memref_slice %arg5[%dma_wait3A_266] : memref<1024xi32, #tpu.memory_space<vmem>> -> memref<64xi32, #tpu.memory_space<vmem>>
    %dma_wait3A_268 = arith.constant 0 : i32
    %dma_wait3A_269 = arith.constant 0 : i32
    %dma_wait3A_270 = tpu.memref_slice %arg2[%dma_wait3A_268, %dma_wait3A_269] : memref<30522x768xf32, #tpu.memory_space<hbm>> -> memref<30522x768xf32, #tpu.memory_space<hbm>>
    tpu.wait_indirect_dma semaphore(%arg8 : memref<!tpu.dma_semaphore, #tpu.memory_space<semaphore_mem>>) src(%dma_wait3A_270 : memref<30522x768xf32, #tpu.memory_space<hbm>>) dst(%dma_wait3A_265 : memref<64x768xf32, #tpu.memory_space<vmem>>)
    %add3A_271 = arith.constant 320 : i32
    %add3A_272 = arith.addi %mul3A_2, %add3A_271 : i32
    %dma_start3A_273 = arith.constant 1 : i32
    %dma_start3A_274 = arith.constant 0 : i32
    %dma_start3A_275 = arith.constant 0 : i32
    %dma_start3A_276 = tpu.memref_slice %arg6[%dma_start3A_273, %dma_start3A_274, %dma_start3A_275] : memref<2x64x768xf32, #tpu.memory_space<vmem>> -> memref<1x64x768xf32, #tpu.memory_space<vmem>>
    %dma_start3A_277 = tpu.memref_squeeze %dma_start3A_276 : memref<1x64x768xf32, #tpu.memory_space<vmem>> -> memref<64x768xf32, #tpu.memory_space<vmem>>
    %dma_start3A_278 = arith.constant 0 : i32
    %dma_start3A_279 = tpu.memref_slice %arg4[%add3A_272, %dma_start3A_278] : memref<32768x768xf32, #tpu.memory_space<hbm>> -> memref<64x768xf32, #tpu.memory_space<hbm>>
    %dma_start3A_280 = arith.constant 0 : i32
    %dma_start3A_281 = tpu.memref_slice %arg4[%add3A_272, %dma_start3A_280] : memref<32768x768xf32, #tpu.memory_space<hbm>> -> memref<64x768xf32, #tpu.memory_space<hbm>>
    %dma_start3A_282 = arith.constant 0 : i32
    %dma_start3A_283 = arith.constant 0 : i32
    %dma_start3A_284 = tpu.memref_slice %arg6[%dma_start3A_273, %dma_start3A_282, %dma_start3A_283] : memref<2x64x768xf32, #tpu.memory_space<vmem>> -> memref<1x64x768xf32, #tpu.memory_space<vmem>>
    %dma_start3A_285 = tpu.memref_squeeze %dma_start3A_284 : memref<1x64x768xf32, #tpu.memory_space<vmem>> -> memref<64x768xf32, #tpu.memory_space<vmem>>
    tpu.enqueue_dma source(%dma_start3A_285 : memref<64x768xf32, #tpu.memory_space<vmem>>) target(%dma_start3A_281 : memref<64x768xf32, #tpu.memory_space<hbm>>) target_semaphore(%arg10 : memref<!tpu.dma_semaphore, #tpu.memory_space<semaphore_mem>>)
    %dma_wait3A_286 = arith.constant 1 : i32
    %dma_wait3A_287 = arith.constant 0 : i32
    %dma_wait3A_288 = arith.constant 0 : i32
    %dma_wait3A_289 = tpu.memref_slice %arg6[%dma_wait3A_286, %dma_wait3A_287, %dma_wait3A_288] : memref<2x64x768xf32, #tpu.memory_space<vmem>> -> memref<1x64x768xf32, #tpu.memory_space<vmem>>
    %dma_wait3A_290 = tpu.memref_squeeze %dma_wait3A_289 : memref<1x64x768xf32, #tpu.memory_space<vmem>> -> memref<64x768xf32, #tpu.memory_space<vmem>>
    %dma_wait3A_291 = arith.constant 0 : i32
    %dma_wait3A_292 = tpu.memref_slice %arg4[%add3A_272, %dma_wait3A_291] : memref<32768x768xf32, #tpu.memory_space<hbm>> -> memref<64x768xf32, #tpu.memory_space<hbm>>
    %dma_wait3A_293 = arith.constant 0 : i32
    %dma_wait3A_294 = tpu.memref_slice %arg4[%add3A_272, %dma_wait3A_293] : memref<32768x768xf32, #tpu.memory_space<hbm>> -> memref<64x768xf32, #tpu.memory_space<hbm>>
    %dma_wait3A_295 = arith.constant 0 : i32
    %dma_wait3A_296 = arith.constant 0 : i32
    %dma_wait3A_297 = tpu.memref_slice %arg6[%dma_wait3A_286, %dma_wait3A_295, %dma_wait3A_296] : memref<2x64x768xf32, #tpu.memory_space<vmem>> -> memref<1x64x768xf32, #tpu.memory_space<vmem>>
    %dma_wait3A_298 = tpu.memref_squeeze %dma_wait3A_297 : memref<1x64x768xf32, #tpu.memory_space<vmem>> -> memref<64x768xf32, #tpu.memory_space<vmem>>
    tpu.wait_dma2 semaphore(%arg10 : memref<!tpu.dma_semaphore, #tpu.memory_space<semaphore_mem>>) src(%dma_wait3A_298 : memref<64x768xf32, #tpu.memory_space<vmem>>) dst(%dma_wait3A_294 : memref<64x768xf32, #tpu.memory_space<hbm>>)
    %dma_start3A_299 = arith.constant 1 : i32
    %dma_start3A_300 = arith.constant 0 : i32
    %dma_start3A_301 = arith.constant 0 : i32
    %dma_start3A_302 = tpu.memref_slice %arg6[%dma_start3A_299, %dma_start3A_300, %dma_start3A_301] : memref<2x64x768xf32, #tpu.memory_space<vmem>> -> memref<1x64x768xf32, #tpu.memory_space<vmem>>
    %dma_start3A_303 = tpu.memref_squeeze %dma_start3A_302 : memref<1x64x768xf32, #tpu.memory_space<vmem>> -> memref<64x768xf32, #tpu.memory_space<vmem>>
    %dma_start3A_304 = arith.constant 448 : i32
    %dma_start3A_305 = tpu.memref_slice %arg5[%dma_start3A_304] : memref<1024xi32, #tpu.memory_space<vmem>> -> memref<64xi32, #tpu.memory_space<vmem>>
    %dma_start3A_306 = arith.constant 0 : i32
    %dma_start3A_307 = arith.constant 0 : i32
    %dma_start3A_308 = tpu.memref_slice %arg2[%dma_start3A_306, %dma_start3A_307] : memref<30522x768xf32, #tpu.memory_space<hbm>> -> memref<30522x768xf32, #tpu.memory_space<hbm>>
    tpu.enqueue_indirect_dma source(%dma_start3A_308 : memref<30522x768xf32, #tpu.memory_space<hbm>>) target(%dma_start3A_303 : memref<64x768xf32, #tpu.memory_space<vmem>>) offsets(%dma_start3A_305 : memref<64xi32, #tpu.memory_space<vmem>>) semaphore(%arg8 : memref<!tpu.dma_semaphore, #tpu.memory_space<semaphore_mem>>)
    %dma_wait3A_309 = arith.constant 0 : i32
    %dma_wait3A_310 = arith.constant 0 : i32
    %dma_wait3A_311 = arith.constant 0 : i32
    %dma_wait3A_312 = tpu.memref_slice %arg6[%dma_wait3A_309, %dma_wait3A_310, %dma_wait3A_311] : memref<2x64x768xf32, #tpu.memory_space<vmem>> -> memref<1x64x768xf32, #tpu.memory_space<vmem>>
    %dma_wait3A_313 = tpu.memref_squeeze %dma_wait3A_312 : memref<1x64x768xf32, #tpu.memory_space<vmem>> -> memref<64x768xf32, #tpu.memory_space<vmem>>
    %dma_wait3A_314 = arith.constant 384 : i32
    %dma_wait3A_315 = tpu.memref_slice %arg5[%dma_wait3A_314] : memref<1024xi32, #tpu.memory_space<vmem>> -> memref<64xi32, #tpu.memory_space<vmem>>
    %dma_wait3A_316 = arith.constant 0 : i32
    %dma_wait3A_317 = arith.constant 0 : i32
    %dma_wait3A_318 = tpu.memref_slice %arg2[%dma_wait3A_316, %dma_wait3A_317] : memref<30522x768xf32, #tpu.memory_space<hbm>> -> memref<30522x768xf32, #tpu.memory_space<hbm>>
    tpu.wait_indirect_dma semaphore(%arg7 : memref<!tpu.dma_semaphore, #tpu.memory_space<semaphore_mem>>) src(%dma_wait3A_318 : memref<30522x768xf32, #tpu.memory_space<hbm>>) dst(%dma_wait3A_313 : memref<64x768xf32, #tpu.memory_space<vmem>>)
    %add3A_319 = arith.constant 384 : i32
    %add3A_320 = arith.addi %mul3A_2, %add3A_319 : i32
    %dma_start3A_321 = arith.constant 0 : i32
    %dma_start3A_322 = arith.constant 0 : i32
    %dma_start3A_323 = arith.constant 0 : i32
    %dma_start3A_324 = tpu.memref_slice %arg6[%dma_start3A_321, %dma_start3A_322, %dma_start3A_323] : memref<2x64x768xf32, #tpu.memory_space<vmem>> -> memref<1x64x768xf32, #tpu.memory_space<vmem>>
    %dma_start3A_325 = tpu.memref_squeeze %dma_start3A_324 : memref<1x64x768xf32, #tpu.memory_space<vmem>> -> memref<64x768xf32, #tpu.memory_space<vmem>>
    %dma_start3A_326 = arith.constant 0 : i32
    %dma_start3A_327 = tpu.memref_slice %arg4[%add3A_320, %dma_start3A_326] : memref<32768x768xf32, #tpu.memory_space<hbm>> -> memref<64x768xf32, #tpu.memory_space<hbm>>
    %dma_start3A_328 = arith.constant 0 : i32
    %dma_start3A_329 = tpu.memref_slice %arg4[%add3A_320, %dma_start3A_328] : memref<32768x768xf32, #tpu.memory_space<hbm>> -> memref<64x768xf32, #tpu.memory_space<hbm>>
    %dma_start3A_330 = arith.constant 0 : i32
    %dma_start3A_331 = arith.constant 0 : i32
    %dma_start3A_332 = tpu.memref_slice %arg6[%dma_start3A_321, %dma_start3A_330, %dma_start3A_331] : memref<2x64x768xf32, #tpu.memory_space<vmem>> -> memref<1x64x768xf32, #tpu.memory_space<vmem>>
    %dma_start3A_333 = tpu.memref_squeeze %dma_start3A_332 : memref<1x64x768xf32, #tpu.memory_space<vmem>> -> memref<64x768xf32, #tpu.memory_space<vmem>>
    tpu.enqueue_dma source(%dma_start3A_333 : memref<64x768xf32, #tpu.memory_space<vmem>>) target(%dma_start3A_329 : memref<64x768xf32, #tpu.memory_space<hbm>>) target_semaphore(%arg9 : memref<!tpu.dma_semaphore, #tpu.memory_space<semaphore_mem>>)
    %dma_wait3A_334 = arith.constant 0 : i32
    %dma_wait3A_335 = arith.constant 0 : i32
    %dma_wait3A_336 = arith.constant 0 : i32
    %dma_wait3A_337 = tpu.memref_slice %arg6[%dma_wait3A_334, %dma_wait3A_335, %dma_wait3A_336] : memref<2x64x768xf32, #tpu.memory_space<vmem>> -> memref<1x64x768xf32, #tpu.memory_space<vmem>>
    %dma_wait3A_338 = tpu.memref_squeeze %dma_wait3A_337 : memref<1x64x768xf32, #tpu.memory_space<vmem>> -> memref<64x768xf32, #tpu.memory_space<vmem>>
    %dma_wait3A_339 = arith.constant 0 : i32
    %dma_wait3A_340 = tpu.memref_slice %arg4[%add3A_320, %dma_wait3A_339] : memref<32768x768xf32, #tpu.memory_space<hbm>> -> memref<64x768xf32, #tpu.memory_space<hbm>>
    %dma_wait3A_341 = arith.constant 0 : i32
    %dma_wait3A_342 = tpu.memref_slice %arg4[%add3A_320, %dma_wait3A_341] : memref<32768x768xf32, #tpu.memory_space<hbm>> -> memref<64x768xf32, #tpu.memory_space<hbm>>
    %dma_wait3A_343 = arith.constant 0 : i32
    %dma_wait3A_344 = arith.constant 0 : i32
    %dma_wait3A_345 = tpu.memref_slice %arg6[%dma_wait3A_334, %dma_wait3A_343, %dma_wait3A_344] : memref<2x64x768xf32, #tpu.memory_space<vmem>> -> memref<1x64x768xf32, #tpu.memory_space<vmem>>
    %dma_wait3A_346 = tpu.memref_squeeze %dma_wait3A_345 : memref<1x64x768xf32, #tpu.memory_space<vmem>> -> memref<64x768xf32, #tpu.memory_space<vmem>>
    tpu.wait_dma2 semaphore(%arg9 : memref<!tpu.dma_semaphore, #tpu.memory_space<semaphore_mem>>) src(%dma_wait3A_346 : memref<64x768xf32, #tpu.memory_space<vmem>>) dst(%dma_wait3A_342 : memref<64x768xf32, #tpu.memory_space<hbm>>)
    %dma_start3A_347 = arith.constant 0 : i32
    %dma_start3A_348 = arith.constant 0 : i32
    %dma_start3A_349 = arith.constant 0 : i32
    %dma_start3A_350 = tpu.memref_slice %arg6[%dma_start3A_347, %dma_start3A_348, %dma_start3A_349] : memref<2x64x768xf32, #tpu.memory_space<vmem>> -> memref<1x64x768xf32, #tpu.memory_space<vmem>>
    %dma_start3A_351 = tpu.memref_squeeze %dma_start3A_350 : memref<1x64x768xf32, #tpu.memory_space<vmem>> -> memref<64x768xf32, #tpu.memory_space<vmem>>
    %dma_start3A_352 = arith.constant 512 : i32
    %dma_start3A_353 = tpu.memref_slice %arg5[%dma_start3A_352] : memref<1024xi32, #tpu.memory_space<vmem>> -> memref<64xi32, #tpu.memory_space<vmem>>
    %dma_start3A_354 = arith.constant 0 : i32
    %dma_start3A_355 = arith.constant 0 : i32
    %dma_start3A_356 = tpu.memref_slice %arg2[%dma_start3A_354, %dma_start3A_355] : memref<30522x768xf32, #tpu.memory_space<hbm>> -> memref<30522x768xf32, #tpu.memory_space<hbm>>
    tpu.enqueue_indirect_dma source(%dma_start3A_356 : memref<30522x768xf32, #tpu.memory_space<hbm>>) target(%dma_start3A_351 : memref<64x768xf32, #tpu.memory_space<vmem>>) offsets(%dma_start3A_353 : memref<64xi32, #tpu.memory_space<vmem>>) semaphore(%arg7 : memref<!tpu.dma_semaphore, #tpu.memory_space<semaphore_mem>>)
    %dma_wait3A_357 = arith.constant 1 : i32
    %dma_wait3A_358 = arith.constant 0 : i32
    %dma_wait3A_359 = arith.constant 0 : i32
    %dma_wait3A_360 = tpu.memref_slice %arg6[%dma_wait3A_357, %dma_wait3A_358, %dma_wait3A_359] : memref<2x64x768xf32, #tpu.memory_space<vmem>> -> memref<1x64x768xf32, #tpu.memory_space<vmem>>
    %dma_wait3A_361 = tpu.memref_squeeze %dma_wait3A_360 : memref<1x64x768xf32, #tpu.memory_space<vmem>> -> memref<64x768xf32, #tpu.memory_space<vmem>>
    %dma_wait3A_362 = arith.constant 448 : i32
    %dma_wait3A_363 = tpu.memref_slice %arg5[%dma_wait3A_362] : memref<1024xi32, #tpu.memory_space<vmem>> -> memref<64xi32, #tpu.memory_space<vmem>>
    %dma_wait3A_364 = arith.constant 0 : i32
    %dma_wait3A_365 = arith.constant 0 : i32
    %dma_wait3A_366 = tpu.memref_slice %arg2[%dma_wait3A_364, %dma_wait3A_365] : memref<30522x768xf32, #tpu.memory_space<hbm>> -> memref<30522x768xf32, #tpu.memory_space<hbm>>
    tpu.wait_indirect_dma semaphore(%arg8 : memref<!tpu.dma_semaphore, #tpu.memory_space<semaphore_mem>>) src(%dma_wait3A_366 : memref<30522x768xf32, #tpu.memory_space<hbm>>) dst(%dma_wait3A_361 : memref<64x768xf32, #tpu.memory_space<vmem>>)
    %add3A_367 = arith.constant 448 : i32
    %add3A_368 = arith.addi %mul3A_2, %add3A_367 : i32
    %dma_start3A_369 = arith.constant 1 : i32
    %dma_start3A_370 = arith.constant 0 : i32
    %dma_start3A_371 = arith.constant 0 : i32
    %dma_start3A_372 = tpu.memref_slice %arg6[%dma_start3A_369, %dma_start3A_370, %dma_start3A_371] : memref<2x64x768xf32, #tpu.memory_space<vmem>> -> memref<1x64x768xf32, #tpu.memory_space<vmem>>
    %dma_start3A_373 = tpu.memref_squeeze %dma_start3A_372 : memref<1x64x768xf32, #tpu.memory_space<vmem>> -> memref<64x768xf32, #tpu.memory_space<vmem>>
    %dma_start3A_374 = arith.constant 0 : i32
    %dma_start3A_375 = tpu.memref_slice %arg4[%add3A_368, %dma_start3A_374] : memref<32768x768xf32, #tpu.memory_space<hbm>> -> memref<64x768xf32, #tpu.memory_space<hbm>>
    %dma_start3A_376 = arith.constant 0 : i32
    %dma_start3A_377 = tpu.memref_slice %arg4[%add3A_368, %dma_start3A_376] : memref<32768x768xf32, #tpu.memory_space<hbm>> -> memref<64x768xf32, #tpu.memory_space<hbm>>
    %dma_start3A_378 = arith.constant 0 : i32
    %dma_start3A_379 = arith.constant 0 : i32
    %dma_start3A_380 = tpu.memref_slice %arg6[%dma_start3A_369, %dma_start3A_378, %dma_start3A_379] : memref<2x64x768xf32, #tpu.memory_space<vmem>> -> memref<1x64x768xf32, #tpu.memory_space<vmem>>
    %dma_start3A_381 = tpu.memref_squeeze %dma_start3A_380 : memref<1x64x768xf32, #tpu.memory_space<vmem>> -> memref<64x768xf32, #tpu.memory_space<vmem>>
    tpu.enqueue_dma source(%dma_start3A_381 : memref<64x768xf32, #tpu.memory_space<vmem>>) target(%dma_start3A_377 : memref<64x768xf32, #tpu.memory_space<hbm>>) target_semaphore(%arg10 : memref<!tpu.dma_semaphore, #tpu.memory_space<semaphore_mem>>)
    %dma_wait3A_382 = arith.constant 1 : i32
    %dma_wait3A_383 = arith.constant 0 : i32
    %dma_wait3A_384 = arith.constant 0 : i32
    %dma_wait3A_385 = tpu.memref_slice %arg6[%dma_wait3A_382, %dma_wait3A_383, %dma_wait3A_384] : memref<2x64x768xf32, #tpu.memory_space<vmem>> -> memref<1x64x768xf32, #tpu.memory_space<vmem>>
    %dma_wait3A_386 = tpu.memref_squeeze %dma_wait3A_385 : memref<1x64x768xf32, #tpu.memory_space<vmem>> -> memref<64x768xf32, #tpu.memory_space<vmem>>
    %dma_wait3A_387 = arith.constant 0 : i32
    %dma_wait3A_388 = tpu.memref_slice %arg4[%add3A_368, %dma_wait3A_387] : memref<32768x768xf32, #tpu.memory_space<hbm>> -> memref<64x768xf32, #tpu.memory_space<hbm>>
    %dma_wait3A_389 = arith.constant 0 : i32
    %dma_wait3A_390 = tpu.memref_slice %arg4[%add3A_368, %dma_wait3A_389] : memref<32768x768xf32, #tpu.memory_space<hbm>> -> memref<64x768xf32, #tpu.memory_space<hbm>>
    %dma_wait3A_391 = arith.constant 0 : i32
    %dma_wait3A_392 = arith.constant 0 : i32
    %dma_wait3A_393 = tpu.memref_slice %arg6[%dma_wait3A_382, %dma_wait3A_391, %dma_wait3A_392] : memref<2x64x768xf32, #tpu.memory_space<vmem>> -> memref<1x64x768xf32, #tpu.memory_space<vmem>>
    %dma_wait3A_394 = tpu.memref_squeeze %dma_wait3A_393 : memref<1x64x768xf32, #tpu.memory_space<vmem>> -> memref<64x768xf32, #tpu.memory_space<vmem>>
    tpu.wait_dma2 semaphore(%arg10 : memref<!tpu.dma_semaphore, #tpu.memory_space<semaphore_mem>>) src(%dma_wait3A_394 : memref<64x768xf32, #tpu.memory_space<vmem>>) dst(%dma_wait3A_390 : memref<64x768xf32, #tpu.memory_space<hbm>>)
    %dma_start3A_395 = arith.constant 1 : i32
    %dma_start3A_396 = arith.constant 0 : i32
    %dma_start3A_397 = arith.constant 0 : i32
    %dma_start3A_398 = tpu.memref_slice %arg6[%dma_start3A_395, %dma_start3A_396, %dma_start3A_397] : memref<2x64x768xf32, #tpu.memory_space<vmem>> -> memref<1x64x768xf32, #tpu.memory_space<vmem>>
    %dma_start3A_399 = tpu.memref_squeeze %dma_start3A_398 : memref<1x64x768xf32, #tpu.memory_space<vmem>> -> memref<64x768xf32, #tpu.memory_space<vmem>>
    %dma_start3A_400 = arith.constant 576 : i32
    %dma_start3A_401 = tpu.memref_slice %arg5[%dma_start3A_400] : memref<1024xi32, #tpu.memory_space<vmem>> -> memref<64xi32, #tpu.memory_space<vmem>>
    %dma_start3A_402 = arith.constant 0 : i32
    %dma_start3A_403 = arith.constant 0 : i32
    %dma_start3A_404 = tpu.memref_slice %arg2[%dma_start3A_402, %dma_start3A_403] : memref<30522x768xf32, #tpu.memory_space<hbm>> -> memref<30522x768xf32, #tpu.memory_space<hbm>>
    tpu.enqueue_indirect_dma source(%dma_start3A_404 : memref<30522x768xf32, #tpu.memory_space<hbm>>) target(%dma_start3A_399 : memref<64x768xf32, #tpu.memory_space<vmem>>) offsets(%dma_start3A_401 : memref<64xi32, #tpu.memory_space<vmem>>) semaphore(%arg8 : memref<!tpu.dma_semaphore, #tpu.memory_space<semaphore_mem>>)
    %dma_wait3A_405 = arith.constant 0 : i32
    %dma_wait3A_406 = arith.constant 0 : i32
    %dma_wait3A_407 = arith.constant 0 : i32
    %dma_wait3A_408 = tpu.memref_slice %arg6[%dma_wait3A_405, %dma_wait3A_406, %dma_wait3A_407] : memref<2x64x768xf32, #tpu.memory_space<vmem>> -> memref<1x64x768xf32, #tpu.memory_space<vmem>>
    %dma_wait3A_409 = tpu.memref_squeeze %dma_wait3A_408 : memref<1x64x768xf32, #tpu.memory_space<vmem>> -> memref<64x768xf32, #tpu.memory_space<vmem>>
    %dma_wait3A_410 = arith.constant 512 : i32
    %dma_wait3A_411 = tpu.memref_slice %arg5[%dma_wait3A_410] : memref<1024xi32, #tpu.memory_space<vmem>> -> memref<64xi32, #tpu.memory_space<vmem>>
    %dma_wait3A_412 = arith.constant 0 : i32
    %dma_wait3A_413 = arith.constant 0 : i32
    %dma_wait3A_414 = tpu.memref_slice %arg2[%dma_wait3A_412, %dma_wait3A_413] : memref<30522x768xf32, #tpu.memory_space<hbm>> -> memref<30522x768xf32, #tpu.memory_space<hbm>>
    tpu.wait_indirect_dma semaphore(%arg7 : memref<!tpu.dma_semaphore, #tpu.memory_space<semaphore_mem>>) src(%dma_wait3A_414 : memref<30522x768xf32, #tpu.memory_space<hbm>>) dst(%dma_wait3A_409 : memref<64x768xf32, #tpu.memory_space<vmem>>)
    %add3A_415 = arith.constant 512 : i32
    %add3A_416 = arith.addi %mul3A_2, %add3A_415 : i32
    %dma_start3A_417 = arith.constant 0 : i32
    %dma_start3A_418 = arith.constant 0 : i32
    %dma_start3A_419 = arith.constant 0 : i32
    %dma_start3A_420 = tpu.memref_slice %arg6[%dma_start3A_417, %dma_start3A_418, %dma_start3A_419] : memref<2x64x768xf32, #tpu.memory_space<vmem>> -> memref<1x64x768xf32, #tpu.memory_space<vmem>>
    %dma_start3A_421 = tpu.memref_squeeze %dma_start3A_420 : memref<1x64x768xf32, #tpu.memory_space<vmem>> -> memref<64x768xf32, #tpu.memory_space<vmem>>
    %dma_start3A_422 = arith.constant 0 : i32
    %dma_start3A_423 = tpu.memref_slice %arg4[%add3A_416, %dma_start3A_422] : memref<32768x768xf32, #tpu.memory_space<hbm>> -> memref<64x768xf32, #tpu.memory_space<hbm>>
    %dma_start3A_424 = arith.constant 0 : i32
    %dma_start3A_425 = tpu.memref_slice %arg4[%add3A_416, %dma_start3A_424] : memref<32768x768xf32, #tpu.memory_space<hbm>> -> memref<64x768xf32, #tpu.memory_space<hbm>>
    %dma_start3A_426 = arith.constant 0 : i32
    %dma_start3A_427 = arith.constant 0 : i32
    %dma_start3A_428 = tpu.memref_slice %arg6[%dma_start3A_417, %dma_start3A_426, %dma_start3A_427] : memref<2x64x768xf32, #tpu.memory_space<vmem>> -> memref<1x64x768xf32, #tpu.memory_space<vmem>>
    %dma_start3A_429 = tpu.memref_squeeze %dma_start3A_428 : memref<1x64x768xf32, #tpu.memory_space<vmem>> -> memref<64x768xf32, #tpu.memory_space<vmem>>
    tpu.enqueue_dma source(%dma_start3A_429 : memref<64x768xf32, #tpu.memory_space<vmem>>) target(%dma_start3A_425 : memref<64x768xf32, #tpu.memory_space<hbm>>) target_semaphore(%arg9 : memref<!tpu.dma_semaphore, #tpu.memory_space<semaphore_mem>>)
    %dma_wait3A_430 = arith.constant 0 : i32
    %dma_wait3A_431 = arith.constant 0 : i32
    %dma_wait3A_432 = arith.constant 0 : i32
    %dma_wait3A_433 = tpu.memref_slice %arg6[%dma_wait3A_430, %dma_wait3A_431, %dma_wait3A_432] : memref<2x64x768xf32, #tpu.memory_space<vmem>> -> memref<1x64x768xf32, #tpu.memory_space<vmem>>
    %dma_wait3A_434 = tpu.memref_squeeze %dma_wait3A_433 : memref<1x64x768xf32, #tpu.memory_space<vmem>> -> memref<64x768xf32, #tpu.memory_space<vmem>>
    %dma_wait3A_435 = arith.constant 0 : i32
    %dma_wait3A_436 = tpu.memref_slice %arg4[%add3A_416, %dma_wait3A_435] : memref<32768x768xf32, #tpu.memory_space<hbm>> -> memref<64x768xf32, #tpu.memory_space<hbm>>
    %dma_wait3A_437 = arith.constant 0 : i32
    %dma_wait3A_438 = tpu.memref_slice %arg4[%add3A_416, %dma_wait3A_437] : memref<32768x768xf32, #tpu.memory_space<hbm>> -> memref<64x768xf32, #tpu.memory_space<hbm>>
    %dma_wait3A_439 = arith.constant 0 : i32
    %dma_wait3A_440 = arith.constant 0 : i32
    %dma_wait3A_441 = tpu.memref_slice %arg6[%dma_wait3A_430, %dma_wait3A_439, %dma_wait3A_440] : memref<2x64x768xf32, #tpu.memory_space<vmem>> -> memref<1x64x768xf32, #tpu.memory_space<vmem>>
    %dma_wait3A_442 = tpu.memref_squeeze %dma_wait3A_441 : memref<1x64x768xf32, #tpu.memory_space<vmem>> -> memref<64x768xf32, #tpu.memory_space<vmem>>
    tpu.wait_dma2 semaphore(%arg9 : memref<!tpu.dma_semaphore, #tpu.memory_space<semaphore_mem>>) src(%dma_wait3A_442 : memref<64x768xf32, #tpu.memory_space<vmem>>) dst(%dma_wait3A_438 : memref<64x768xf32, #tpu.memory_space<hbm>>)
    %dma_start3A_443 = arith.constant 0 : i32
    %dma_start3A_444 = arith.constant 0 : i32
    %dma_start3A_445 = arith.constant 0 : i32
    %dma_start3A_446 = tpu.memref_slice %arg6[%dma_start3A_443, %dma_start3A_444, %dma_start3A_445] : memref<2x64x768xf32, #tpu.memory_space<vmem>> -> memref<1x64x768xf32, #tpu.memory_space<vmem>>
    %dma_start3A_447 = tpu.memref_squeeze %dma_start3A_446 : memref<1x64x768xf32, #tpu.memory_space<vmem>> -> memref<64x768xf32, #tpu.memory_space<vmem>>
    %dma_start3A_448 = arith.constant 640 : i32
    %dma_start3A_449 = tpu.memref_slice %arg5[%dma_start3A_448] : memref<1024xi32, #tpu.memory_space<vmem>> -> memref<64xi32, #tpu.memory_space<vmem>>
    %dma_start3A_450 = arith.constant 0 : i32
    %dma_start3A_451 = arith.constant 0 : i32
    %dma_start3A_452 = tpu.memref_slice %arg2[%dma_start3A_450, %dma_start3A_451] : memref<30522x768xf32, #tpu.memory_space<hbm>> -> memref<30522x768xf32, #tpu.memory_space<hbm>>
    tpu.enqueue_indirect_dma source(%dma_start3A_452 : memref<30522x768xf32, #tpu.memory_space<hbm>>) target(%dma_start3A_447 : memref<64x768xf32, #tpu.memory_space<vmem>>) offsets(%dma_start3A_449 : memref<64xi32, #tpu.memory_space<vmem>>) semaphore(%arg7 : memref<!tpu.dma_semaphore, #tpu.memory_space<semaphore_mem>>)
    %dma_wait3A_453 = arith.constant 1 : i32
    %dma_wait3A_454 = arith.constant 0 : i32
    %dma_wait3A_455 = arith.constant 0 : i32
    %dma_wait3A_456 = tpu.memref_slice %arg6[%dma_wait3A_453, %dma_wait3A_454, %dma_wait3A_455] : memref<2x64x768xf32, #tpu.memory_space<vmem>> -> memref<1x64x768xf32, #tpu.memory_space<vmem>>
    %dma_wait3A_457 = tpu.memref_squeeze %dma_wait3A_456 : memref<1x64x768xf32, #tpu.memory_space<vmem>> -> memref<64x768xf32, #tpu.memory_space<vmem>>
    %dma_wait3A_458 = arith.constant 576 : i32
    %dma_wait3A_459 = tpu.memref_slice %arg5[%dma_wait3A_458] : memref<1024xi32, #tpu.memory_space<vmem>> -> memref<64xi32, #tpu.memory_space<vmem>>
    %dma_wait3A_460 = arith.constant 0 : i32
    %dma_wait3A_461 = arith.constant 0 : i32
    %dma_wait3A_462 = tpu.memref_slice %arg2[%dma_wait3A_460, %dma_wait3A_461] : memref<30522x768xf32, #tpu.memory_space<hbm>> -> memref<30522x768xf32, #tpu.memory_space<hbm>>
    tpu.wait_indirect_dma semaphore(%arg8 : memref<!tpu.dma_semaphore, #tpu.memory_space<semaphore_mem>>) src(%dma_wait3A_462 : memref<30522x768xf32, #tpu.memory_space<hbm>>) dst(%dma_wait3A_457 : memref<64x768xf32, #tpu.memory_space<vmem>>)
    %add3A_463 = arith.constant 576 : i32
    %add3A_464 = arith.addi %mul3A_2, %add3A_463 : i32
    %dma_start3A_465 = arith.constant 1 : i32
    %dma_start3A_466 = arith.constant 0 : i32
    %dma_start3A_467 = arith.constant 0 : i32
    %dma_start3A_468 = tpu.memref_slice %arg6[%dma_start3A_465, %dma_start3A_466, %dma_start3A_467] : memref<2x64x768xf32, #tpu.memory_space<vmem>> -> memref<1x64x768xf32, #tpu.memory_space<vmem>>
    %dma_start3A_469 = tpu.memref_squeeze %dma_start3A_468 : memref<1x64x768xf32, #tpu.memory_space<vmem>> -> memref<64x768xf32, #tpu.memory_space<vmem>>
    %dma_start3A_470 = arith.constant 0 : i32
    %dma_start3A_471 = tpu.memref_slice %arg4[%add3A_464, %dma_start3A_470] : memref<32768x768xf32, #tpu.memory_space<hbm>> -> memref<64x768xf32, #tpu.memory_space<hbm>>
    %dma_start3A_472 = arith.constant 0 : i32
    %dma_start3A_473 = tpu.memref_slice %arg4[%add3A_464, %dma_start3A_472] : memref<32768x768xf32, #tpu.memory_space<hbm>> -> memref<64x768xf32, #tpu.memory_space<hbm>>
    %dma_start3A_474 = arith.constant 0 : i32
    %dma_start3A_475 = arith.constant 0 : i32
    %dma_start3A_476 = tpu.memref_slice %arg6[%dma_start3A_465, %dma_start3A_474, %dma_start3A_475] : memref<2x64x768xf32, #tpu.memory_space<vmem>> -> memref<1x64x768xf32, #tpu.memory_space<vmem>>
    %dma_start3A_477 = tpu.memref_squeeze %dma_start3A_476 : memref<1x64x768xf32, #tpu.memory_space<vmem>> -> memref<64x768xf32, #tpu.memory_space<vmem>>
    tpu.enqueue_dma source(%dma_start3A_477 : memref<64x768xf32, #tpu.memory_space<vmem>>) target(%dma_start3A_473 : memref<64x768xf32, #tpu.memory_space<hbm>>) target_semaphore(%arg10 : memref<!tpu.dma_semaphore, #tpu.memory_space<semaphore_mem>>)
    %dma_wait3A_478 = arith.constant 1 : i32
    %dma_wait3A_479 = arith.constant 0 : i32
    %dma_wait3A_480 = arith.constant 0 : i32
    %dma_wait3A_481 = tpu.memref_slice %arg6[%dma_wait3A_478, %dma_wait3A_479, %dma_wait3A_480] : memref<2x64x768xf32, #tpu.memory_space<vmem>> -> memref<1x64x768xf32, #tpu.memory_space<vmem>>
    %dma_wait3A_482 = tpu.memref_squeeze %dma_wait3A_481 : memref<1x64x768xf32, #tpu.memory_space<vmem>> -> memref<64x768xf32, #tpu.memory_space<vmem>>
    %dma_wait3A_483 = arith.constant 0 : i32
    %dma_wait3A_484 = tpu.memref_slice %arg4[%add3A_464, %dma_wait3A_483] : memref<32768x768xf32, #tpu.memory_space<hbm>> -> memref<64x768xf32, #tpu.memory_space<hbm>>
    %dma_wait3A_485 = arith.constant 0 : i32
    %dma_wait3A_486 = tpu.memref_slice %arg4[%add3A_464, %dma_wait3A_485] : memref<32768x768xf32, #tpu.memory_space<hbm>> -> memref<64x768xf32, #tpu.memory_space<hbm>>
    %dma_wait3A_487 = arith.constant 0 : i32
    %dma_wait3A_488 = arith.constant 0 : i32
    %dma_wait3A_489 = tpu.memref_slice %arg6[%dma_wait3A_478, %dma_wait3A_487, %dma_wait3A_488] : memref<2x64x768xf32, #tpu.memory_space<vmem>> -> memref<1x64x768xf32, #tpu.memory_space<vmem>>
    %dma_wait3A_490 = tpu.memref_squeeze %dma_wait3A_489 : memref<1x64x768xf32, #tpu.memory_space<vmem>> -> memref<64x768xf32, #tpu.memory_space<vmem>>
    tpu.wait_dma2 semaphore(%arg10 : memref<!tpu.dma_semaphore, #tpu.memory_space<semaphore_mem>>) src(%dma_wait3A_490 : memref<64x768xf32, #tpu.memory_space<vmem>>) dst(%dma_wait3A_486 : memref<64x768xf32, #tpu.memory_space<hbm>>)
    %dma_start3A_491 = arith.constant 1 : i32
    %dma_start3A_492 = arith.constant 0 : i32
    %dma_start3A_493 = arith.constant 0 : i32
    %dma_start3A_494 = tpu.memref_slice %arg6[%dma_start3A_491, %dma_start3A_492, %dma_start3A_493] : memref<2x64x768xf32, #tpu.memory_space<vmem>> -> memref<1x64x768xf32, #tpu.memory_space<vmem>>
    %dma_start3A_495 = tpu.memref_squeeze %dma_start3A_494 : memref<1x64x768xf32, #tpu.memory_space<vmem>> -> memref<64x768xf32, #tpu.memory_space<vmem>>
    %dma_start3A_496 = arith.constant 704 : i32
    %dma_start3A_497 = tpu.memref_slice %arg5[%dma_start3A_496] : memref<1024xi32, #tpu.memory_space<vmem>> -> memref<64xi32, #tpu.memory_space<vmem>>
    %dma_start3A_498 = arith.constant 0 : i32
    %dma_start3A_499 = arith.constant 0 : i32
    %dma_start3A_500 = tpu.memref_slice %arg2[%dma_start3A_498, %dma_start3A_499] : memref<30522x768xf32, #tpu.memory_space<hbm>> -> memref<30522x768xf32, #tpu.memory_space<hbm>>
    tpu.enqueue_indirect_dma source(%dma_start3A_500 : memref<30522x768xf32, #tpu.memory_space<hbm>>) target(%dma_start3A_495 : memref<64x768xf32, #tpu.memory_space<vmem>>) offsets(%dma_start3A_497 : memref<64xi32, #tpu.memory_space<vmem>>) semaphore(%arg8 : memref<!tpu.dma_semaphore, #tpu.memory_space<semaphore_mem>>)
    %dma_wait3A_501 = arith.constant 0 : i32
    %dma_wait3A_502 = arith.constant 0 : i32
    %dma_wait3A_503 = arith.constant 0 : i32
    %dma_wait3A_504 = tpu.memref_slice %arg6[%dma_wait3A_501, %dma_wait3A_502, %dma_wait3A_503] : memref<2x64x768xf32, #tpu.memory_space<vmem>> -> memref<1x64x768xf32, #tpu.memory_space<vmem>>
    %dma_wait3A_505 = tpu.memref_squeeze %dma_wait3A_504 : memref<1x64x768xf32, #tpu.memory_space<vmem>> -> memref<64x768xf32, #tpu.memory_space<vmem>>
    %dma_wait3A_506 = arith.constant 640 : i32
    %dma_wait3A_507 = tpu.memref_slice %arg5[%dma_wait3A_506] : memref<1024xi32, #tpu.memory_space<vmem>> -> memref<64xi32, #tpu.memory_space<vmem>>
    %dma_wait3A_508 = arith.constant 0 : i32
    %dma_wait3A_509 = arith.constant 0 : i32
    %dma_wait3A_510 = tpu.memref_slice %arg2[%dma_wait3A_508, %dma_wait3A_509] : memref<30522x768xf32, #tpu.memory_space<hbm>> -> memref<30522x768xf32, #tpu.memory_space<hbm>>
    tpu.wait_indirect_dma semaphore(%arg7 : memref<!tpu.dma_semaphore, #tpu.memory_space<semaphore_mem>>) src(%dma_wait3A_510 : memref<30522x768xf32, #tpu.memory_space<hbm>>) dst(%dma_wait3A_505 : memref<64x768xf32, #tpu.memory_space<vmem>>)
    %add3A_511 = arith.constant 640 : i32
    %add3A_512 = arith.addi %mul3A_2, %add3A_511 : i32
    %dma_start3A_513 = arith.constant 0 : i32
    %dma_start3A_514 = arith.constant 0 : i32
    %dma_start3A_515 = arith.constant 0 : i32
    %dma_start3A_516 = tpu.memref_slice %arg6[%dma_start3A_513, %dma_start3A_514, %dma_start3A_515] : memref<2x64x768xf32, #tpu.memory_space<vmem>> -> memref<1x64x768xf32, #tpu.memory_space<vmem>>
    %dma_start3A_517 = tpu.memref_squeeze %dma_start3A_516 : memref<1x64x768xf32, #tpu.memory_space<vmem>> -> memref<64x768xf32, #tpu.memory_space<vmem>>
    %dma_start3A_518 = arith.constant 0 : i32
    %dma_start3A_519 = tpu.memref_slice %arg4[%add3A_512, %dma_start3A_518] : memref<32768x768xf32, #tpu.memory_space<hbm>> -> memref<64x768xf32, #tpu.memory_space<hbm>>
    %dma_start3A_520 = arith.constant 0 : i32
    %dma_start3A_521 = tpu.memref_slice %arg4[%add3A_512, %dma_start3A_520] : memref<32768x768xf32, #tpu.memory_space<hbm>> -> memref<64x768xf32, #tpu.memory_space<hbm>>
    %dma_start3A_522 = arith.constant 0 : i32
    %dma_start3A_523 = arith.constant 0 : i32
    %dma_start3A_524 = tpu.memref_slice %arg6[%dma_start3A_513, %dma_start3A_522, %dma_start3A_523] : memref<2x64x768xf32, #tpu.memory_space<vmem>> -> memref<1x64x768xf32, #tpu.memory_space<vmem>>
    %dma_start3A_525 = tpu.memref_squeeze %dma_start3A_524 : memref<1x64x768xf32, #tpu.memory_space<vmem>> -> memref<64x768xf32, #tpu.memory_space<vmem>>
    tpu.enqueue_dma source(%dma_start3A_525 : memref<64x768xf32, #tpu.memory_space<vmem>>) target(%dma_start3A_521 : memref<64x768xf32, #tpu.memory_space<hbm>>) target_semaphore(%arg9 : memref<!tpu.dma_semaphore, #tpu.memory_space<semaphore_mem>>)
    %dma_wait3A_526 = arith.constant 0 : i32
    %dma_wait3A_527 = arith.constant 0 : i32
    %dma_wait3A_528 = arith.constant 0 : i32
    %dma_wait3A_529 = tpu.memref_slice %arg6[%dma_wait3A_526, %dma_wait3A_527, %dma_wait3A_528] : memref<2x64x768xf32, #tpu.memory_space<vmem>> -> memref<1x64x768xf32, #tpu.memory_space<vmem>>
    %dma_wait3A_530 = tpu.memref_squeeze %dma_wait3A_529 : memref<1x64x768xf32, #tpu.memory_space<vmem>> -> memref<64x768xf32, #tpu.memory_space<vmem>>
    %dma_wait3A_531 = arith.constant 0 : i32
    %dma_wait3A_532 = tpu.memref_slice %arg4[%add3A_512, %dma_wait3A_531] : memref<32768x768xf32, #tpu.memory_space<hbm>> -> memref<64x768xf32, #tpu.memory_space<hbm>>
    %dma_wait3A_533 = arith.constant 0 : i32
    %dma_wait3A_534 = tpu.memref_slice %arg4[%add3A_512, %dma_wait3A_533] : memref<32768x768xf32, #tpu.memory_space<hbm>> -> memref<64x768xf32, #tpu.memory_space<hbm>>
    %dma_wait3A_535 = arith.constant 0 : i32
    %dma_wait3A_536 = arith.constant 0 : i32
    %dma_wait3A_537 = tpu.memref_slice %arg6[%dma_wait3A_526, %dma_wait3A_535, %dma_wait3A_536] : memref<2x64x768xf32, #tpu.memory_space<vmem>> -> memref<1x64x768xf32, #tpu.memory_space<vmem>>
    %dma_wait3A_538 = tpu.memref_squeeze %dma_wait3A_537 : memref<1x64x768xf32, #tpu.memory_space<vmem>> -> memref<64x768xf32, #tpu.memory_space<vmem>>
    tpu.wait_dma2 semaphore(%arg9 : memref<!tpu.dma_semaphore, #tpu.memory_space<semaphore_mem>>) src(%dma_wait3A_538 : memref<64x768xf32, #tpu.memory_space<vmem>>) dst(%dma_wait3A_534 : memref<64x768xf32, #tpu.memory_space<hbm>>)
    %dma_start3A_539 = arith.constant 0 : i32
    %dma_start3A_540 = arith.constant 0 : i32
    %dma_start3A_541 = arith.constant 0 : i32
    %dma_start3A_542 = tpu.memref_slice %arg6[%dma_start3A_539, %dma_start3A_540, %dma_start3A_541] : memref<2x64x768xf32, #tpu.memory_space<vmem>> -> memref<1x64x768xf32, #tpu.memory_space<vmem>>
    %dma_start3A_543 = tpu.memref_squeeze %dma_start3A_542 : memref<1x64x768xf32, #tpu.memory_space<vmem>> -> memref<64x768xf32, #tpu.memory_space<vmem>>
    %dma_start3A_544 = arith.constant 768 : i32
    %dma_start3A_545 = tpu.memref_slice %arg5[%dma_start3A_544] : memref<1024xi32, #tpu.memory_space<vmem>> -> memref<64xi32, #tpu.memory_space<vmem>>
    %dma_start3A_546 = arith.constant 0 : i32
    %dma_start3A_547 = arith.constant 0 : i32
    %dma_start3A_548 = tpu.memref_slice %arg2[%dma_start3A_546, %dma_start3A_547] : memref<30522x768xf32, #tpu.memory_space<hbm>> -> memref<30522x768xf32, #tpu.memory_space<hbm>>
    tpu.enqueue_indirect_dma source(%dma_start3A_548 : memref<30522x768xf32, #tpu.memory_space<hbm>>) target(%dma_start3A_543 : memref<64x768xf32, #tpu.memory_space<vmem>>) offsets(%dma_start3A_545 : memref<64xi32, #tpu.memory_space<vmem>>) semaphore(%arg7 : memref<!tpu.dma_semaphore, #tpu.memory_space<semaphore_mem>>)
    %dma_wait3A_549 = arith.constant 1 : i32
    %dma_wait3A_550 = arith.constant 0 : i32
    %dma_wait3A_551 = arith.constant 0 : i32
    %dma_wait3A_552 = tpu.memref_slice %arg6[%dma_wait3A_549, %dma_wait3A_550, %dma_wait3A_551] : memref<2x64x768xf32, #tpu.memory_space<vmem>> -> memref<1x64x768xf32, #tpu.memory_space<vmem>>
    %dma_wait3A_553 = tpu.memref_squeeze %dma_wait3A_552 : memref<1x64x768xf32, #tpu.memory_space<vmem>> -> memref<64x768xf32, #tpu.memory_space<vmem>>
    %dma_wait3A_554 = arith.constant 704 : i32
    %dma_wait3A_555 = tpu.memref_slice %arg5[%dma_wait3A_554] : memref<1024xi32, #tpu.memory_space<vmem>> -> memref<64xi32, #tpu.memory_space<vmem>>
    %dma_wait3A_556 = arith.constant 0 : i32
    %dma_wait3A_557 = arith.constant 0 : i32
    %dma_wait3A_558 = tpu.memref_slice %arg2[%dma_wait3A_556, %dma_wait3A_557] : memref<30522x768xf32, #tpu.memory_space<hbm>> -> memref<30522x768xf32, #tpu.memory_space<hbm>>
    tpu.wait_indirect_dma semaphore(%arg8 : memref<!tpu.dma_semaphore, #tpu.memory_space<semaphore_mem>>) src(%dma_wait3A_558 : memref<30522x768xf32, #tpu.memory_space<hbm>>) dst(%dma_wait3A_553 : memref<64x768xf32, #tpu.memory_space<vmem>>)
    %add3A_559 = arith.constant 704 : i32
    %add3A_560 = arith.addi %mul3A_2, %add3A_559 : i32
    %dma_start3A_561 = arith.constant 1 : i32
    %dma_start3A_562 = arith.constant 0 : i32
    %dma_start3A_563 = arith.constant 0 : i32
    %dma_start3A_564 = tpu.memref_slice %arg6[%dma_start3A_561, %dma_start3A_562, %dma_start3A_563] : memref<2x64x768xf32, #tpu.memory_space<vmem>> -> memref<1x64x768xf32, #tpu.memory_space<vmem>>
    %dma_start3A_565 = tpu.memref_squeeze %dma_start3A_564 : memref<1x64x768xf32, #tpu.memory_space<vmem>> -> memref<64x768xf32, #tpu.memory_space<vmem>>
    %dma_start3A_566 = arith.constant 0 : i32
    %dma_start3A_567 = tpu.memref_slice %arg4[%add3A_560, %dma_start3A_566] : memref<32768x768xf32, #tpu.memory_space<hbm>> -> memref<64x768xf32, #tpu.memory_space<hbm>>
    %dma_start3A_568 = arith.constant 0 : i32
    %dma_start3A_569 = tpu.memref_slice %arg4[%add3A_560, %dma_start3A_568] : memref<32768x768xf32, #tpu.memory_space<hbm>> -> memref<64x768xf32, #tpu.memory_space<hbm>>
    %dma_start3A_570 = arith.constant 0 : i32
    %dma_start3A_571 = arith.constant 0 : i32
    %dma_start3A_572 = tpu.memref_slice %arg6[%dma_start3A_561, %dma_start3A_570, %dma_start3A_571] : memref<2x64x768xf32, #tpu.memory_space<vmem>> -> memref<1x64x768xf32, #tpu.memory_space<vmem>>
    %dma_start3A_573 = tpu.memref_squeeze %dma_start3A_572 : memref<1x64x768xf32, #tpu.memory_space<vmem>> -> memref<64x768xf32, #tpu.memory_space<vmem>>
    tpu.enqueue_dma source(%dma_start3A_573 : memref<64x768xf32, #tpu.memory_space<vmem>>) target(%dma_start3A_569 : memref<64x768xf32, #tpu.memory_space<hbm>>) target_semaphore(%arg10 : memref<!tpu.dma_semaphore, #tpu.memory_space<semaphore_mem>>)
    %dma_wait3A_574 = arith.constant 1 : i32
    %dma_wait3A_575 = arith.constant 0 : i32
    %dma_wait3A_576 = arith.constant 0 : i32
    %dma_wait3A_577 = tpu.memref_slice %arg6[%dma_wait3A_574, %dma_wait3A_575, %dma_wait3A_576] : memref<2x64x768xf32, #tpu.memory_space<vmem>> -> memref<1x64x768xf32, #tpu.memory_space<vmem>>
    %dma_wait3A_578 = tpu.memref_squeeze %dma_wait3A_577 : memref<1x64x768xf32, #tpu.memory_space<vmem>> -> memref<64x768xf32, #tpu.memory_space<vmem>>
    %dma_wait3A_579 = arith.constant 0 : i32
    %dma_wait3A_580 = tpu.memref_slice %arg4[%add3A_560, %dma_wait3A_579] : memref<32768x768xf32, #tpu.memory_space<hbm>> -> memref<64x768xf32, #tpu.memory_space<hbm>>
    %dma_wait3A_581 = arith.constant 0 : i32
    %dma_wait3A_582 = tpu.memref_slice %arg4[%add3A_560, %dma_wait3A_581] : memref<32768x768xf32, #tpu.memory_space<hbm>> -> memref<64x768xf32, #tpu.memory_space<hbm>>
    %dma_wait3A_583 = arith.constant 0 : i32
    %dma_wait3A_584 = arith.constant 0 : i32
    %dma_wait3A_585 = tpu.memref_slice %arg6[%dma_wait3A_574, %dma_wait3A_583, %dma_wait3A_584] : memref<2x64x768xf32, #tpu.memory_space<vmem>> -> memref<1x64x768xf32, #tpu.memory_space<vmem>>
    %dma_wait3A_586 = tpu.memref_squeeze %dma_wait3A_585 : memref<1x64x768xf32, #tpu.memory_space<vmem>> -> memref<64x768xf32, #tpu.memory_space<vmem>>
    tpu.wait_dma2 semaphore(%arg10 : memref<!tpu.dma_semaphore, #tpu.memory_space<semaphore_mem>>) src(%dma_wait3A_586 : memref<64x768xf32, #tpu.memory_space<vmem>>) dst(%dma_wait3A_582 : memref<64x768xf32, #tpu.memory_space<hbm>>)
    %dma_start3A_587 = arith.constant 1 : i32
    %dma_start3A_588 = arith.constant 0 : i32
    %dma_start3A_589 = arith.constant 0 : i32
    %dma_start3A_590 = tpu.memref_slice %arg6[%dma_start3A_587, %dma_start3A_588, %dma_start3A_589] : memref<2x64x768xf32, #tpu.memory_space<vmem>> -> memref<1x64x768xf32, #tpu.memory_space<vmem>>
    %dma_start3A_591 = tpu.memref_squeeze %dma_start3A_590 : memref<1x64x768xf32, #tpu.memory_space<vmem>> -> memref<64x768xf32, #tpu.memory_space<vmem>>
    %dma_start3A_592 = arith.constant 832 : i32
    %dma_start3A_593 = tpu.memref_slice %arg5[%dma_start3A_592] : memref<1024xi32, #tpu.memory_space<vmem>> -> memref<64xi32, #tpu.memory_space<vmem>>
    %dma_start3A_594 = arith.constant 0 : i32
    %dma_start3A_595 = arith.constant 0 : i32
    %dma_start3A_596 = tpu.memref_slice %arg2[%dma_start3A_594, %dma_start3A_595] : memref<30522x768xf32, #tpu.memory_space<hbm>> -> memref<30522x768xf32, #tpu.memory_space<hbm>>
    tpu.enqueue_indirect_dma source(%dma_start3A_596 : memref<30522x768xf32, #tpu.memory_space<hbm>>) target(%dma_start3A_591 : memref<64x768xf32, #tpu.memory_space<vmem>>) offsets(%dma_start3A_593 : memref<64xi32, #tpu.memory_space<vmem>>) semaphore(%arg8 : memref<!tpu.dma_semaphore, #tpu.memory_space<semaphore_mem>>)
    %dma_wait3A_597 = arith.constant 0 : i32
    %dma_wait3A_598 = arith.constant 0 : i32
    %dma_wait3A_599 = arith.constant 0 : i32
    %dma_wait3A_600 = tpu.memref_slice %arg6[%dma_wait3A_597, %dma_wait3A_598, %dma_wait3A_599] : memref<2x64x768xf32, #tpu.memory_space<vmem>> -> memref<1x64x768xf32, #tpu.memory_space<vmem>>
    %dma_wait3A_601 = tpu.memref_squeeze %dma_wait3A_600 : memref<1x64x768xf32, #tpu.memory_space<vmem>> -> memref<64x768xf32, #tpu.memory_space<vmem>>
    %dma_wait3A_602 = arith.constant 768 : i32
    %dma_wait3A_603 = tpu.memref_slice %arg5[%dma_wait3A_602] : memref<1024xi32, #tpu.memory_space<vmem>> -> memref<64xi32, #tpu.memory_space<vmem>>
    %dma_wait3A_604 = arith.constant 0 : i32
    %dma_wait3A_605 = arith.constant 0 : i32
    %dma_wait3A_606 = tpu.memref_slice %arg2[%dma_wait3A_604, %dma_wait3A_605] : memref<30522x768xf32, #tpu.memory_space<hbm>> -> memref<30522x768xf32, #tpu.memory_space<hbm>>
    tpu.wait_indirect_dma semaphore(%arg7 : memref<!tpu.dma_semaphore, #tpu.memory_space<semaphore_mem>>) src(%dma_wait3A_606 : memref<30522x768xf32, #tpu.memory_space<hbm>>) dst(%dma_wait3A_601 : memref<64x768xf32, #tpu.memory_space<vmem>>)
    %add3A_607 = arith.constant 768 : i32
    %add3A_608 = arith.addi %mul3A_2, %add3A_607 : i32
    %dma_start3A_609 = arith.constant 0 : i32
    %dma_start3A_610 = arith.constant 0 : i32
    %dma_start3A_611 = arith.constant 0 : i32
    %dma_start3A_612 = tpu.memref_slice %arg6[%dma_start3A_609, %dma_start3A_610, %dma_start3A_611] : memref<2x64x768xf32, #tpu.memory_space<vmem>> -> memref<1x64x768xf32, #tpu.memory_space<vmem>>
    %dma_start3A_613 = tpu.memref_squeeze %dma_start3A_612 : memref<1x64x768xf32, #tpu.memory_space<vmem>> -> memref<64x768xf32, #tpu.memory_space<vmem>>
    %dma_start3A_614 = arith.constant 0 : i32
    %dma_start3A_615 = tpu.memref_slice %arg4[%add3A_608, %dma_start3A_614] : memref<32768x768xf32, #tpu.memory_space<hbm>> -> memref<64x768xf32, #tpu.memory_space<hbm>>
    %dma_start3A_616 = arith.constant 0 : i32
    %dma_start3A_617 = tpu.memref_slice %arg4[%add3A_608, %dma_start3A_616] : memref<32768x768xf32, #tpu.memory_space<hbm>> -> memref<64x768xf32, #tpu.memory_space<hbm>>
    %dma_start3A_618 = arith.constant 0 : i32
    %dma_start3A_619 = arith.constant 0 : i32
    %dma_start3A_620 = tpu.memref_slice %arg6[%dma_start3A_609, %dma_start3A_618, %dma_start3A_619] : memref<2x64x768xf32, #tpu.memory_space<vmem>> -> memref<1x64x768xf32, #tpu.memory_space<vmem>>
    %dma_start3A_621 = tpu.memref_squeeze %dma_start3A_620 : memref<1x64x768xf32, #tpu.memory_space<vmem>> -> memref<64x768xf32, #tpu.memory_space<vmem>>
    tpu.enqueue_dma source(%dma_start3A_621 : memref<64x768xf32, #tpu.memory_space<vmem>>) target(%dma_start3A_617 : memref<64x768xf32, #tpu.memory_space<hbm>>) target_semaphore(%arg9 : memref<!tpu.dma_semaphore, #tpu.memory_space<semaphore_mem>>)
    %dma_wait3A_622 = arith.constant 0 : i32
    %dma_wait3A_623 = arith.constant 0 : i32
    %dma_wait3A_624 = arith.constant 0 : i32
    %dma_wait3A_625 = tpu.memref_slice %arg6[%dma_wait3A_622, %dma_wait3A_623, %dma_wait3A_624] : memref<2x64x768xf32, #tpu.memory_space<vmem>> -> memref<1x64x768xf32, #tpu.memory_space<vmem>>
    %dma_wait3A_626 = tpu.memref_squeeze %dma_wait3A_625 : memref<1x64x768xf32, #tpu.memory_space<vmem>> -> memref<64x768xf32, #tpu.memory_space<vmem>>
    %dma_wait3A_627 = arith.constant 0 : i32
    %dma_wait3A_628 = tpu.memref_slice %arg4[%add3A_608, %dma_wait3A_627] : memref<32768x768xf32, #tpu.memory_space<hbm>> -> memref<64x768xf32, #tpu.memory_space<hbm>>
    %dma_wait3A_629 = arith.constant 0 : i32
    %dma_wait3A_630 = tpu.memref_slice %arg4[%add3A_608, %dma_wait3A_629] : memref<32768x768xf32, #tpu.memory_space<hbm>> -> memref<64x768xf32, #tpu.memory_space<hbm>>
    %dma_wait3A_631 = arith.constant 0 : i32
    %dma_wait3A_632 = arith.constant 0 : i32
    %dma_wait3A_633 = tpu.memref_slice %arg6[%dma_wait3A_622, %dma_wait3A_631, %dma_wait3A_632] : memref<2x64x768xf32, #tpu.memory_space<vmem>> -> memref<1x64x768xf32, #tpu.memory_space<vmem>>
    %dma_wait3A_634 = tpu.memref_squeeze %dma_wait3A_633 : memref<1x64x768xf32, #tpu.memory_space<vmem>> -> memref<64x768xf32, #tpu.memory_space<vmem>>
    tpu.wait_dma2 semaphore(%arg9 : memref<!tpu.dma_semaphore, #tpu.memory_space<semaphore_mem>>) src(%dma_wait3A_634 : memref<64x768xf32, #tpu.memory_space<vmem>>) dst(%dma_wait3A_630 : memref<64x768xf32, #tpu.memory_space<hbm>>)
    %dma_start3A_635 = arith.constant 0 : i32
    %dma_start3A_636 = arith.constant 0 : i32
    %dma_start3A_637 = arith.constant 0 : i32
    %dma_start3A_638 = tpu.memref_slice %arg6[%dma_start3A_635, %dma_start3A_636, %dma_start3A_637] : memref<2x64x768xf32, #tpu.memory_space<vmem>> -> memref<1x64x768xf32, #tpu.memory_space<vmem>>
    %dma_start3A_639 = tpu.memref_squeeze %dma_start3A_638 : memref<1x64x768xf32, #tpu.memory_space<vmem>> -> memref<64x768xf32, #tpu.memory_space<vmem>>
    %dma_start3A_640 = arith.constant 896 : i32
    %dma_start3A_641 = tpu.memref_slice %arg5[%dma_start3A_640] : memref<1024xi32, #tpu.memory_space<vmem>> -> memref<64xi32, #tpu.memory_space<vmem>>
    %dma_start3A_642 = arith.constant 0 : i32
    %dma_start3A_643 = arith.constant 0 : i32
    %dma_start3A_644 = tpu.memref_slice %arg2[%dma_start3A_642, %dma_start3A_643] : memref<30522x768xf32, #tpu.memory_space<hbm>> -> memref<30522x768xf32, #tpu.memory_space<hbm>>
    tpu.enqueue_indirect_dma source(%dma_start3A_644 : memref<30522x768xf32, #tpu.memory_space<hbm>>) target(%dma_start3A_639 : memref<64x768xf32, #tpu.memory_space<vmem>>) offsets(%dma_start3A_641 : memref<64xi32, #tpu.memory_space<vmem>>) semaphore(%arg7 : memref<!tpu.dma_semaphore, #tpu.memory_space<semaphore_mem>>)
    %dma_wait3A_645 = arith.constant 1 : i32
    %dma_wait3A_646 = arith.constant 0 : i32
    %dma_wait3A_647 = arith.constant 0 : i32
    %dma_wait3A_648 = tpu.memref_slice %arg6[%dma_wait3A_645, %dma_wait3A_646, %dma_wait3A_647] : memref<2x64x768xf32, #tpu.memory_space<vmem>> -> memref<1x64x768xf32, #tpu.memory_space<vmem>>
    %dma_wait3A_649 = tpu.memref_squeeze %dma_wait3A_648 : memref<1x64x768xf32, #tpu.memory_space<vmem>> -> memref<64x768xf32, #tpu.memory_space<vmem>>
    %dma_wait3A_650 = arith.constant 832 : i32
    %dma_wait3A_651 = tpu.memref_slice %arg5[%dma_wait3A_650] : memref<1024xi32, #tpu.memory_space<vmem>> -> memref<64xi32, #tpu.memory_space<vmem>>
    %dma_wait3A_652 = arith.constant 0 : i32
    %dma_wait3A_653 = arith.constant 0 : i32
    %dma_wait3A_654 = tpu.memref_slice %arg2[%dma_wait3A_652, %dma_wait3A_653] : memref<30522x768xf32, #tpu.memory_space<hbm>> -> memref<30522x768xf32, #tpu.memory_space<hbm>>
    tpu.wait_indirect_dma semaphore(%arg8 : memref<!tpu.dma_semaphore, #tpu.memory_space<semaphore_mem>>) src(%dma_wait3A_654 : memref<30522x768xf32, #tpu.memory_space<hbm>>) dst(%dma_wait3A_649 : memref<64x768xf32, #tpu.memory_space<vmem>>)
    %add3A_655 = arith.constant 832 : i32
    %add3A_656 = arith.addi %mul3A_2, %add3A_655 : i32
    %dma_start3A_657 = arith.constant 1 : i32
    %dma_start3A_658 = arith.constant 0 : i32
    %dma_start3A_659 = arith.constant 0 : i32
    %dma_start3A_660 = tpu.memref_slice %arg6[%dma_start3A_657, %dma_start3A_658, %dma_start3A_659] : memref<2x64x768xf32, #tpu.memory_space<vmem>> -> memref<1x64x768xf32, #tpu.memory_space<vmem>>
    %dma_start3A_661 = tpu.memref_squeeze %dma_start3A_660 : memref<1x64x768xf32, #tpu.memory_space<vmem>> -> memref<64x768xf32, #tpu.memory_space<vmem>>
    %dma_start3A_662 = arith.constant 0 : i32
    %dma_start3A_663 = tpu.memref_slice %arg4[%add3A_656, %dma_start3A_662] : memref<32768x768xf32, #tpu.memory_space<hbm>> -> memref<64x768xf32, #tpu.memory_space<hbm>>
    %dma_start3A_664 = arith.constant 0 : i32
    %dma_start3A_665 = tpu.memref_slice %arg4[%add3A_656, %dma_start3A_664] : memref<32768x768xf32, #tpu.memory_space<hbm>> -> memref<64x768xf32, #tpu.memory_space<hbm>>
    %dma_start3A_666 = arith.constant 0 : i32
    %dma_start3A_667 = arith.constant 0 : i32
    %dma_start3A_668 = tpu.memref_slice %arg6[%dma_start3A_657, %dma_start3A_666, %dma_start3A_667] : memref<2x64x768xf32, #tpu.memory_space<vmem>> -> memref<1x64x768xf32, #tpu.memory_space<vmem>>
    %dma_start3A_669 = tpu.memref_squeeze %dma_start3A_668 : memref<1x64x768xf32, #tpu.memory_space<vmem>> -> memref<64x768xf32, #tpu.memory_space<vmem>>
    tpu.enqueue_dma source(%dma_start3A_669 : memref<64x768xf32, #tpu.memory_space<vmem>>) target(%dma_start3A_665 : memref<64x768xf32, #tpu.memory_space<hbm>>) target_semaphore(%arg10 : memref<!tpu.dma_semaphore, #tpu.memory_space<semaphore_mem>>)
    %dma_wait3A_670 = arith.constant 1 : i32
    %dma_wait3A_671 = arith.constant 0 : i32
    %dma_wait3A_672 = arith.constant 0 : i32
    %dma_wait3A_673 = tpu.memref_slice %arg6[%dma_wait3A_670, %dma_wait3A_671, %dma_wait3A_672] : memref<2x64x768xf32, #tpu.memory_space<vmem>> -> memref<1x64x768xf32, #tpu.memory_space<vmem>>
    %dma_wait3A_674 = tpu.memref_squeeze %dma_wait3A_673 : memref<1x64x768xf32, #tpu.memory_space<vmem>> -> memref<64x768xf32, #tpu.memory_space<vmem>>
    %dma_wait3A_675 = arith.constant 0 : i32
    %dma_wait3A_676 = tpu.memref_slice %arg4[%add3A_656, %dma_wait3A_675] : memref<32768x768xf32, #tpu.memory_space<hbm>> -> memref<64x768xf32, #tpu.memory_space<hbm>>
    %dma_wait3A_677 = arith.constant 0 : i32
    %dma_wait3A_678 = tpu.memref_slice %arg4[%add3A_656, %dma_wait3A_677] : memref<32768x768xf32, #tpu.memory_space<hbm>> -> memref<64x768xf32, #tpu.memory_space<hbm>>
    %dma_wait3A_679 = arith.constant 0 : i32
    %dma_wait3A_680 = arith.constant 0 : i32
    %dma_wait3A_681 = tpu.memref_slice %arg6[%dma_wait3A_670, %dma_wait3A_679, %dma_wait3A_680] : memref<2x64x768xf32, #tpu.memory_space<vmem>> -> memref<1x64x768xf32, #tpu.memory_space<vmem>>
    %dma_wait3A_682 = tpu.memref_squeeze %dma_wait3A_681 : memref<1x64x768xf32, #tpu.memory_space<vmem>> -> memref<64x768xf32, #tpu.memory_space<vmem>>
    tpu.wait_dma2 semaphore(%arg10 : memref<!tpu.dma_semaphore, #tpu.memory_space<semaphore_mem>>) src(%dma_wait3A_682 : memref<64x768xf32, #tpu.memory_space<vmem>>) dst(%dma_wait3A_678 : memref<64x768xf32, #tpu.memory_space<hbm>>)
    %dma_start3A_683 = arith.constant 1 : i32
    %dma_start3A_684 = arith.constant 0 : i32
    %dma_start3A_685 = arith.constant 0 : i32
    %dma_start3A_686 = tpu.memref_slice %arg6[%dma_start3A_683, %dma_start3A_684, %dma_start3A_685] : memref<2x64x768xf32, #tpu.memory_space<vmem>> -> memref<1x64x768xf32, #tpu.memory_space<vmem>>
    %dma_start3A_687 = tpu.memref_squeeze %dma_start3A_686 : memref<1x64x768xf32, #tpu.memory_space<vmem>> -> memref<64x768xf32, #tpu.memory_space<vmem>>
    %dma_start3A_688 = arith.constant 960 : i32
    %dma_start3A_689 = tpu.memref_slice %arg5[%dma_start3A_688] : memref<1024xi32, #tpu.memory_space<vmem>> -> memref<64xi32, #tpu.memory_space<vmem>>
    %dma_start3A_690 = arith.constant 0 : i32
    %dma_start3A_691 = arith.constant 0 : i32
    %dma_start3A_692 = tpu.memref_slice %arg2[%dma_start3A_690, %dma_start3A_691] : memref<30522x768xf32, #tpu.memory_space<hbm>> -> memref<30522x768xf32, #tpu.memory_space<hbm>>
    tpu.enqueue_indirect_dma source(%dma_start3A_692 : memref<30522x768xf32, #tpu.memory_space<hbm>>) target(%dma_start3A_687 : memref<64x768xf32, #tpu.memory_space<vmem>>) offsets(%dma_start3A_689 : memref<64xi32, #tpu.memory_space<vmem>>) semaphore(%arg8 : memref<!tpu.dma_semaphore, #tpu.memory_space<semaphore_mem>>)
    %dma_wait3A_693 = arith.constant 0 : i32
    %dma_wait3A_694 = arith.constant 0 : i32
    %dma_wait3A_695 = arith.constant 0 : i32
    %dma_wait3A_696 = tpu.memref_slice %arg6[%dma_wait3A_693, %dma_wait3A_694, %dma_wait3A_695] : memref<2x64x768xf32, #tpu.memory_space<vmem>> -> memref<1x64x768xf32, #tpu.memory_space<vmem>>
    %dma_wait3A_697 = tpu.memref_squeeze %dma_wait3A_696 : memref<1x64x768xf32, #tpu.memory_space<vmem>> -> memref<64x768xf32, #tpu.memory_space<vmem>>
    %dma_wait3A_698 = arith.constant 896 : i32
    %dma_wait3A_699 = tpu.memref_slice %arg5[%dma_wait3A_698] : memref<1024xi32, #tpu.memory_space<vmem>> -> memref<64xi32, #tpu.memory_space<vmem>>
    %dma_wait3A_700 = arith.constant 0 : i32
    %dma_wait3A_701 = arith.constant 0 : i32
    %dma_wait3A_702 = tpu.memref_slice %arg2[%dma_wait3A_700, %dma_wait3A_701] : memref<30522x768xf32, #tpu.memory_space<hbm>> -> memref<30522x768xf32, #tpu.memory_space<hbm>>
    tpu.wait_indirect_dma semaphore(%arg7 : memref<!tpu.dma_semaphore, #tpu.memory_space<semaphore_mem>>) src(%dma_wait3A_702 : memref<30522x768xf32, #tpu.memory_space<hbm>>) dst(%dma_wait3A_697 : memref<64x768xf32, #tpu.memory_space<vmem>>)
    %add3A_703 = arith.constant 896 : i32
    %add3A_704 = arith.addi %mul3A_2, %add3A_703 : i32
    %dma_start3A_705 = arith.constant 0 : i32
    %dma_start3A_706 = arith.constant 0 : i32
    %dma_start3A_707 = arith.constant 0 : i32
    %dma_start3A_708 = tpu.memref_slice %arg6[%dma_start3A_705, %dma_start3A_706, %dma_start3A_707] : memref<2x64x768xf32, #tpu.memory_space<vmem>> -> memref<1x64x768xf32, #tpu.memory_space<vmem>>
    %dma_start3A_709 = tpu.memref_squeeze %dma_start3A_708 : memref<1x64x768xf32, #tpu.memory_space<vmem>> -> memref<64x768xf32, #tpu.memory_space<vmem>>
    %dma_start3A_710 = arith.constant 0 : i32
    %dma_start3A_711 = tpu.memref_slice %arg4[%add3A_704, %dma_start3A_710] : memref<32768x768xf32, #tpu.memory_space<hbm>> -> memref<64x768xf32, #tpu.memory_space<hbm>>
    %dma_start3A_712 = arith.constant 0 : i32
    %dma_start3A_713 = tpu.memref_slice %arg4[%add3A_704, %dma_start3A_712] : memref<32768x768xf32, #tpu.memory_space<hbm>> -> memref<64x768xf32, #tpu.memory_space<hbm>>
    %dma_start3A_714 = arith.constant 0 : i32
    %dma_start3A_715 = arith.constant 0 : i32
    %dma_start3A_716 = tpu.memref_slice %arg6[%dma_start3A_705, %dma_start3A_714, %dma_start3A_715] : memref<2x64x768xf32, #tpu.memory_space<vmem>> -> memref<1x64x768xf32, #tpu.memory_space<vmem>>
    %dma_start3A_717 = tpu.memref_squeeze %dma_start3A_716 : memref<1x64x768xf32, #tpu.memory_space<vmem>> -> memref<64x768xf32, #tpu.memory_space<vmem>>
    tpu.enqueue_dma source(%dma_start3A_717 : memref<64x768xf32, #tpu.memory_space<vmem>>) target(%dma_start3A_713 : memref<64x768xf32, #tpu.memory_space<hbm>>) target_semaphore(%arg9 : memref<!tpu.dma_semaphore, #tpu.memory_space<semaphore_mem>>)
    %dma_wait3A_718 = arith.constant 1 : i32
    %dma_wait3A_719 = arith.constant 0 : i32
    %dma_wait3A_720 = arith.constant 0 : i32
    %dma_wait3A_721 = tpu.memref_slice %arg6[%dma_wait3A_718, %dma_wait3A_719, %dma_wait3A_720] : memref<2x64x768xf32, #tpu.memory_space<vmem>> -> memref<1x64x768xf32, #tpu.memory_space<vmem>>
    %dma_wait3A_722 = tpu.memref_squeeze %dma_wait3A_721 : memref<1x64x768xf32, #tpu.memory_space<vmem>> -> memref<64x768xf32, #tpu.memory_space<vmem>>
    %dma_wait3A_723 = arith.constant 960 : i32
    %dma_wait3A_724 = tpu.memref_slice %arg5[%dma_wait3A_723] : memref<1024xi32, #tpu.memory_space<vmem>> -> memref<64xi32, #tpu.memory_space<vmem>>
    %dma_wait3A_725 = arith.constant 0 : i32
    %dma_wait3A_726 = arith.constant 0 : i32
    %dma_wait3A_727 = tpu.memref_slice %arg2[%dma_wait3A_725, %dma_wait3A_726] : memref<30522x768xf32, #tpu.memory_space<hbm>> -> memref<30522x768xf32, #tpu.memory_space<hbm>>
    tpu.wait_indirect_dma semaphore(%arg8 : memref<!tpu.dma_semaphore, #tpu.memory_space<semaphore_mem>>) src(%dma_wait3A_727 : memref<30522x768xf32, #tpu.memory_space<hbm>>) dst(%dma_wait3A_722 : memref<64x768xf32, #tpu.memory_space<vmem>>)
    %add3A_728 = arith.constant 960 : i32
    %add3A_729 = arith.addi %mul3A_2, %add3A_728 : i32
    %dma_start3A_730 = arith.constant 1 : i32
    %dma_start3A_731 = arith.constant 0 : i32
    %dma_start3A_732 = arith.constant 0 : i32
    %dma_start3A_733 = tpu.memref_slice %arg6[%dma_start3A_730, %dma_start3A_731, %dma_start3A_732] : memref<2x64x768xf32, #tpu.memory_space<vmem>> -> memref<1x64x768xf32, #tpu.memory_space<vmem>>
    %dma_start3A_734 = tpu.memref_squeeze %dma_start3A_733 : memref<1x64x768xf32, #tpu.memory_space<vmem>> -> memref<64x768xf32, #tpu.memory_space<vmem>>
    %dma_start3A_735 = arith.constant 0 : i32
    %dma_start3A_736 = tpu.memref_slice %arg4[%add3A_729, %dma_start3A_735] : memref<32768x768xf32, #tpu.memory_space<hbm>> -> memref<64x768xf32, #tpu.memory_space<hbm>>
    %dma_start3A_737 = arith.constant 0 : i32
    %dma_start3A_738 = tpu.memref_slice %arg4[%add3A_729, %dma_start3A_737] : memref<32768x768xf32, #tpu.memory_space<hbm>> -> memref<64x768xf32, #tpu.memory_space<hbm>>
    %dma_start3A_739 = arith.constant 0 : i32
    %dma_start3A_740 = arith.constant 0 : i32
    %dma_start3A_741 = tpu.memref_slice %arg6[%dma_start3A_730, %dma_start3A_739, %dma_start3A_740] : memref<2x64x768xf32, #tpu.memory_space<vmem>> -> memref<1x64x768xf32, #tpu.memory_space<vmem>>
    %dma_start3A_742 = tpu.memref_squeeze %dma_start3A_741 : memref<1x64x768xf32, #tpu.memory_space<vmem>> -> memref<64x768xf32, #tpu.memory_space<vmem>>
    tpu.enqueue_dma source(%dma_start3A_742 : memref<64x768xf32, #tpu.memory_space<vmem>>) target(%dma_start3A_738 : memref<64x768xf32, #tpu.memory_space<hbm>>) target_semaphore(%arg10 : memref<!tpu.dma_semaphore, #tpu.memory_space<semaphore_mem>>)
    %dma_wait3A_743 = arith.constant 0 : i32
    %dma_wait3A_744 = arith.constant 0 : i32
    %dma_wait3A_745 = arith.constant 0 : i32
    %dma_wait3A_746 = tpu.memref_slice %arg6[%dma_wait3A_743, %dma_wait3A_744, %dma_wait3A_745] : memref<2x64x768xf32, #tpu.memory_space<vmem>> -> memref<1x64x768xf32, #tpu.memory_space<vmem>>
    %dma_wait3A_747 = tpu.memref_squeeze %dma_wait3A_746 : memref<1x64x768xf32, #tpu.memory_space<vmem>> -> memref<64x768xf32, #tpu.memory_space<vmem>>
    %dma_wait3A_748 = arith.constant 0 : i32
    %dma_wait3A_749 = tpu.memref_slice %arg4[%add3A_704, %dma_wait3A_748] : memref<32768x768xf32, #tpu.memory_space<hbm>> -> memref<64x768xf32, #tpu.memory_space<hbm>>
    %dma_wait3A_750 = arith.constant 0 : i32
    %dma_wait3A_751 = tpu.memref_slice %arg4[%add3A_704, %dma_wait3A_750] : memref<32768x768xf32, #tpu.memory_space<hbm>> -> memref<64x768xf32, #tpu.memory_space<hbm>>
    %dma_wait3A_752 = arith.constant 0 : i32
    %dma_wait3A_753 = arith.constant 0 : i32
    %dma_wait3A_754 = tpu.memref_slice %arg6[%dma_wait3A_743, %dma_wait3A_752, %dma_wait3A_753] : memref<2x64x768xf32, #tpu.memory_space<vmem>> -> memref<1x64x768xf32, #tpu.memory_space<vmem>>
    %dma_wait3A_755 = tpu.memref_squeeze %dma_wait3A_754 : memref<1x64x768xf32, #tpu.memory_space<vmem>> -> memref<64x768xf32, #tpu.memory_space<vmem>>
    tpu.wait_dma2 semaphore(%arg9 : memref<!tpu.dma_semaphore, #tpu.memory_space<semaphore_mem>>) src(%dma_wait3A_755 : memref<64x768xf32, #tpu.memory_space<vmem>>) dst(%dma_wait3A_751 : memref<64x768xf32, #tpu.memory_space<hbm>>)
    %dma_wait3A_756 = arith.constant 1 : i32
    %dma_wait3A_757 = arith.constant 0 : i32
    %dma_wait3A_758 = arith.constant 0 : i32
    %dma_wait3A_759 = tpu.memref_slice %arg6[%dma_wait3A_756, %dma_wait3A_757, %dma_wait3A_758] : memref<2x64x768xf32, #tpu.memory_space<vmem>> -> memref<1x64x768xf32, #tpu.memory_space<vmem>>
    %dma_wait3A_760 = tpu.memref_squeeze %dma_wait3A_759 : memref<1x64x768xf32, #tpu.memory_space<vmem>> -> memref<64x768xf32, #tpu.memory_space<vmem>>
    %dma_wait3A_761 = arith.constant 0 : i32
    %dma_wait3A_762 = tpu.memref_slice %arg4[%add3A_729, %dma_wait3A_761] : memref<32768x768xf32, #tpu.memory_space<hbm>> -> memref<64x768xf32, #tpu.memory_space<hbm>>
    %dma_wait3A_763 = arith.constant 0 : i32
    %dma_wait3A_764 = tpu.memref_slice %arg4[%add3A_729, %dma_wait3A_763] : memref<32768x768xf32, #tpu.memory_space<hbm>> -> memref<64x768xf32, #tpu.memory_space<hbm>>
    %dma_wait3A_765 = arith.constant 0 : i32
    %dma_wait3A_766 = arith.constant 0 : i32
    %dma_wait3A_767 = tpu.memref_slice %arg6[%dma_wait3A_756, %dma_wait3A_765, %dma_wait3A_766] : memref<2x64x768xf32, #tpu.memory_space<vmem>> -> memref<1x64x768xf32, #tpu.memory_space<vmem>>
    %dma_wait3A_768 = tpu.memref_squeeze %dma_wait3A_767 : memref<1x64x768xf32, #tpu.memory_space<vmem>> -> memref<64x768xf32, #tpu.memory_space<vmem>>
    tpu.wait_dma2 semaphore(%arg10 : memref<!tpu.dma_semaphore, #tpu.memory_space<semaphore_mem>>) src(%dma_wait3A_768 : memref<64x768xf32, #tpu.memory_space<vmem>>) dst(%dma_wait3A_764 : memref<64x768xf32, #tpu.memory_space<hbm>>)
    return
  }
}

module attributes {stable_mosaic.version = 14 : i64} {
  func.func @_tc_visual_body(%arg0: i32, %arg1: memref<4x64x2048xf32, #tpu.memory_space<vmem>>, %arg2: memref<1x4x64xi32, #tpu.memory_space<vmem>>, %arg3: memref<1x768xf32, #tpu.memory_space<vmem>>, %arg4: memref<1x768xf32, #tpu.memory_space<vmem>>, %arg5: memref<2048x768xbf16, #tpu.memory_space<vmem>>, %arg6: memref<1x768xf32, #tpu.memory_space<vmem>>, %arg7: memref<1x768xf32, #tpu.memory_space<vmem>>, %arg8: memref<4x64x768xf32, #tpu.memory_space<vmem>>) attributes {dimension_semantics = [#tpu.dimension_semantics<arbitrary>], iteration_bounds = array<i64: 25>, scalar_prefetch = 0 : i64, scratch_operands = 0 : i64, tpu.core_type = #tpu.core_type<tc>, window_params = [{transform_indices = @transform_0, window_bounds = array<i64: 4, 64, 2048>}, {transform_indices = @transform_1, window_bounds = array<i64: 1, 4, 64>}, {pipeline_mode = #tpu.pipeline_mode<synchronous>, transform_indices = @transform_2, window_bounds = array<i64: 1, 768>}, {pipeline_mode = #tpu.pipeline_mode<synchronous>, transform_indices = @transform_3, window_bounds = array<i64: 1, 768>}, {pipeline_mode = #tpu.pipeline_mode<synchronous>, transform_indices = @transform_4, window_bounds = array<i64: 2048, 768>}, {pipeline_mode = #tpu.pipeline_mode<synchronous>, transform_indices = @transform_5, window_bounds = array<i64: 1, 768>}, {pipeline_mode = #tpu.pipeline_mode<synchronous>, transform_indices = @transform_6, window_bounds = array<i64: 1, 768>}, {transform_indices = @transform_7, window_bounds = array<i64: 4, 64, 768>}]} {
    %get3A = arith.constant 0 : index
    %get3A_0 = arith.constant 0 : index
    %get3A_1 = arith.constant 0 : index
    %get3A_2 = vector.load %arg1[%get3A, %get3A_0, %get3A_1] : memref<4x64x2048xf32, #tpu.memory_space<vmem>>, vector<4x64x2048xf32>
    %convert_element_type3A = arith.truncf %get3A_2 : vector<4x64x2048xf32> to vector<4x64x2048xbf16>
    %reshape3A = vector.shape_cast %convert_element_type3A : vector<4x64x2048xbf16> to vector<256x2048xbf16>
    %get3A_3 = arith.constant 0 : index
    %get3A_4 = arith.constant 0 : index
    %get3A_5 = vector.load %arg5[%get3A_3, %get3A_4] : memref<2048x768xbf16, #tpu.memory_space<vmem>>, vector<2048x768xbf16>
    %dot_general3A = arith.constant dense<0.000000e+00> : vector<256x768xf32>
    %dot_general3A_6 = tpu.matmul %reshape3A, %get3A_5, %dot_general3A {dimension_numbers = #tpu.dot_dimension_numbers<[1], [0], [0], [1], [0, 0, 1, 1], [], []>, transpose_lhs_hint = false} : vector<256x2048xbf16>, vector<2048x768xbf16>, vector<256x768xf32> -> vector<256x768xf32>
    %reshape3A_7 = vector.shape_cast %dot_general3A_6 : vector<256x768xf32> to vector<4x64x768xf32>
    %get3A_8 = arith.constant 0 : index
    %get3A_9 = arith.constant 0 : index
    %get3A_10 = arith.constant 0 : index
    %get3A_11 = vector.load %arg2[%get3A_8, %get3A_9, %get3A_10] : memref<1x4x64xi32, #tpu.memory_space<vmem>>, vector<1x4x64xi32>
    %get3A_12 = vector.shape_cast %get3A_11 : vector<1x4x64xi32> to vector<4x64xi32>
    %convert_element_type3A_13 = arith.sitofp %get3A_12 : vector<4x64xi32> to vector<4x64xf32>
    %broadcast_in_dim3A = vector.shape_cast %convert_element_type3A_13 : vector<4x64xf32> to vector<4x64x1xf32>
    %get3A_14 = arith.constant 0 : index
    %get3A_15 = arith.constant 0 : index
    %get3A_16 = vector.load %arg4[%get3A_14, %get3A_15] : memref<1x768xf32, #tpu.memory_space<vmem>>, vector<1x768xf32>
    %broadcast_in_dim3A_17 = vector.shape_cast %get3A_16 : vector<1x768xf32> to vector<1x1x768xf32>
    %add3A = vector.broadcast %broadcast_in_dim3A_17 : vector<1x1x768xf32> to vector<4x64x768xf32>
    %add3A_18 = arith.addf %reshape3A_7, %add3A : vector<4x64x768xf32>
    %get3A_19 = arith.constant 0 : index
    %get3A_20 = arith.constant 0 : index
    %get3A_21 = vector.load %arg3[%get3A_19, %get3A_20] : memref<1x768xf32, #tpu.memory_space<vmem>>, vector<1x768xf32>
    %broadcast_in_dim3A_22 = vector.shape_cast %get3A_21 : vector<1x768xf32> to vector<1x1x768xf32>
    %mul3A = vector.broadcast %broadcast_in_dim3A : vector<4x64x1xf32> to vector<4x64x768xf32>
    %mul3A_23 = vector.broadcast %broadcast_in_dim3A_22 : vector<1x1x768xf32> to vector<4x64x768xf32>
    %mul3A_24 = arith.mulf %mul3A, %mul3A_23 : vector<4x64x768xf32>
    %add3A_25 = arith.addf %add3A_18, %mul3A_24 : vector<4x64x768xf32>
    %get3A_26 = arith.constant 0 : index
    %get3A_27 = arith.constant 0 : index
    %get3A_28 = vector.load %arg6[%get3A_26, %get3A_27] : memref<1x768xf32, #tpu.memory_space<vmem>>, vector<1x768xf32>
    %broadcast_in_dim3A_29 = vector.shape_cast %get3A_28 : vector<1x768xf32> to vector<1x1x768xf32>
    %get3A_30 = arith.constant 0 : index
    %get3A_31 = arith.constant 0 : index
    %get3A_32 = vector.load %arg7[%get3A_30, %get3A_31] : memref<1x768xf32, #tpu.memory_space<vmem>>, vector<1x768xf32>
    %broadcast_in_dim3A_33 = vector.shape_cast %get3A_32 : vector<1x768xf32> to vector<1x1x768xf32>
    %reduce_sum3A = arith.constant dense<0.000000e+00> : vector<4x64xf32>
    %reduce_sum3A_34 = vector.multi_reduction <add>, %add3A_25, %reduce_sum3A [2] : vector<4x64x768xf32> to vector<4x64xf32>
    %broadcast_in_dim3A_35 = vector.shape_cast %reduce_sum3A_34 : vector<4x64xf32> to vector<4x64x1xf32>
    %div3A = arith.constant 7.680000e+02 : f32
    %div3A_36 = vector.broadcast %div3A : f32 to vector<4x64x1xf32>
    %div3A_37 = arith.divf %broadcast_in_dim3A_35, %div3A_36 : vector<4x64x1xf32>
    %mul3A_38 = arith.mulf %add3A_25, %add3A_25 : vector<4x64x768xf32>
    %reduce_sum3A_39 = arith.constant dense<0.000000e+00> : vector<4x64xf32>
    %reduce_sum3A_40 = vector.multi_reduction <add>, %mul3A_38, %reduce_sum3A_39 [2] : vector<4x64x768xf32> to vector<4x64xf32>
    %broadcast_in_dim3A_41 = vector.shape_cast %reduce_sum3A_40 : vector<4x64xf32> to vector<4x64x1xf32>
    %div3A_42 = arith.constant 7.680000e+02 : f32
    %div3A_43 = vector.broadcast %div3A_42 : f32 to vector<4x64x1xf32>
    %div3A_44 = arith.divf %broadcast_in_dim3A_41, %div3A_43 : vector<4x64x1xf32>
    %mul3A_45 = arith.mulf %div3A_37, %div3A_37 : vector<4x64x1xf32>
    %sub3A = arith.subf %div3A_44, %mul3A_45 : vector<4x64x1xf32>
    %add3A_46 = arith.constant 9.99999996E-13 : f32
    %add3A_47 = vector.broadcast %add3A_46 : f32 to vector<4x64x1xf32>
    %add3A_48 = arith.addf %sub3A, %add3A_47 : vector<4x64x1xf32>
    %rsqrt3A = math.rsqrt %add3A_48 : vector<4x64x1xf32>
    %sub3A_49 = vector.broadcast %div3A_37 : vector<4x64x1xf32> to vector<4x64x768xf32>
    %sub3A_50 = arith.subf %add3A_25, %sub3A_49 : vector<4x64x768xf32>
    %mul3A_51 = vector.broadcast %rsqrt3A : vector<4x64x1xf32> to vector<4x64x768xf32>
    %mul3A_52 = arith.mulf %sub3A_50, %mul3A_51 : vector<4x64x768xf32>
    %mul3A_53 = vector.broadcast %broadcast_in_dim3A_29 : vector<1x1x768xf32> to vector<4x64x768xf32>
    %mul3A_54 = arith.mulf %mul3A_52, %mul3A_53 : vector<4x64x768xf32>
    %add3A_55 = vector.broadcast %broadcast_in_dim3A_33 : vector<1x1x768xf32> to vector<4x64x768xf32>
    %add3A_56 = arith.addf %mul3A_54, %add3A_55 : vector<4x64x768xf32>
    %swap3A = arith.constant 0 : index
    %swap3A_57 = arith.constant 0 : index
    %swap3A_58 = arith.constant 0 : index
    %swap3A_59 = vector.load %arg8[%swap3A, %swap3A_57, %swap3A_58] : memref<4x64x768xf32, #tpu.memory_space<vmem>>, vector<4x64x768xf32>
    tpu.vector_store %arg8[%swap3A, %swap3A_57, %swap3A_58], %add3A_56 {strides = array<i32>} : memref<4x64x768xf32, #tpu.memory_space<vmem>>, vector<4x64x768xf32>,
    return
  }
  func.func @transform_0(%arg0: i32) -> (i32, i32, i32) {
    %c0_i32 = arith.constant 0 : i32
    %c0_i32_0 = arith.constant 0 : i32
    %c0_i32_1 = arith.constant 0 : i32
    return %arg0, %c0_i32, %c0_i32_0 : i32, i32, i32
  }
  func.func @transform_1(%arg0: i32) -> (i32, i32, i32) {
    %c0_i32 = arith.constant 0 : i32
    %c0_i32_0 = arith.constant 0 : i32
    %c0_i32_1 = arith.constant 0 : i32
    return %arg0, %c0_i32, %c0_i32_0 : i32, i32, i32
  }
  func.func @transform_2(%arg0: i32) -> (i32, i32) {
    %c0_i32 = arith.constant 0 : i32
    %c0_i32_0 = arith.constant 0 : i32
    %c0_i32_1 = arith.constant 0 : i32
    return %c0_i32, %c0_i32_0 : i32, i32
  }
  func.func @transform_3(%arg0: i32) -> (i32, i32) {
    %c0_i32 = arith.constant 0 : i32
    %c0_i32_0 = arith.constant 0 : i32
    %c0_i32_1 = arith.constant 0 : i32
    return %c0_i32, %c0_i32_0 : i32, i32
  }
  func.func @transform_4(%arg0: i32) -> (i32, i32) {
    %c0_i32 = arith.constant 0 : i32
    %c0_i32_0 = arith.constant 0 : i32
    %c0_i32_1 = arith.constant 0 : i32
    return %c0_i32, %c0_i32_0 : i32, i32
  }
  func.func @transform_5(%arg0: i32) -> (i32, i32) {
    %c0_i32 = arith.constant 0 : i32
    %c0_i32_0 = arith.constant 0 : i32
    %c0_i32_1 = arith.constant 0 : i32
    return %c0_i32, %c0_i32_0 : i32, i32
  }
  func.func @transform_6(%arg0: i32) -> (i32, i32) {
    %c0_i32 = arith.constant 0 : i32
    %c0_i32_0 = arith.constant 0 : i32
    %c0_i32_1 = arith.constant 0 : i32
    return %c0_i32, %c0_i32_0 : i32, i32
  }
  func.func @transform_7(%arg0: i32) -> (i32, i32, i32) {
    %add3A = arith.constant 128 : i32
    %add3A_0 = arith.addi %add3A, %arg0 : i32
    %c0_i32 = arith.constant 0 : i32
    %c0_i32_1 = arith.constant 0 : i32
    %c0_i32_2 = arith.constant 0 : i32
    return %add3A_0, %c0_i32, %c0_i32_1 : i32, i32, i32
  }
}

module attributes {stable_mosaic.version = 14 : i64} {
  func.func @_tc_text_body(%arg0: i32, %arg1: memref<612x64x768xf32, #tpu.memory_space<any>>, %arg2: memref<32x64x768xf32, #tpu.memory_space<vmem>>, %arg3: memref<1x32x768xf32, #tpu.memory_space<vmem>>, %arg4: memref<1x32x64xi32, #tpu.memory_space<vmem>>, %arg5: memref<1x768xf32, #tpu.memory_space<vmem>>, %arg6: memref<1x768xf32, #tpu.memory_space<vmem>>, %arg7: memref<1x768xf32, #tpu.memory_space<vmem>>, %arg8: memref<32x64x768xf32, #tpu.memory_space<vmem>>) attributes {dimension_semantics = [#tpu.dimension_semantics<arbitrary>], iteration_bounds = array<i64: 16>, scalar_prefetch = 0 : i64, scratch_operands = 0 : i64, tpu.core_type = #tpu.core_type<tc>, window_params = [{}, {transform_indices = @transform_1, window_bounds = array<i64: 32, 64, 768>}, {transform_indices = @transform_2, window_bounds = array<i64: 1, 32, 768>}, {transform_indices = @transform_3, window_bounds = array<i64: 1, 32, 64>}, {pipeline_mode = #tpu.pipeline_mode<synchronous>, transform_indices = @transform_4, window_bounds = array<i64: 1, 768>}, {pipeline_mode = #tpu.pipeline_mode<synchronous>, transform_indices = @transform_5, window_bounds = array<i64: 1, 768>}, {pipeline_mode = #tpu.pipeline_mode<synchronous>, transform_indices = @transform_6, window_bounds = array<i64: 1, 768>}, {transform_indices = @transform_7, window_bounds = array<i64: 32, 64, 768>}]} {
    %get3A = arith.constant 0 : index
    %get3A_0 = arith.constant 0 : index
    %get3A_1 = arith.constant 0 : index
    %get3A_2 = vector.load %arg4[%get3A, %get3A_0, %get3A_1] : memref<1x32x64xi32, #tpu.memory_space<vmem>>, vector<1x32x64xi32>
    %get3A_3 = vector.shape_cast %get3A_2 : vector<1x32x64xi32> to vector<32x64xi32>
    %convert_element_type3A = arith.sitofp %get3A_3 : vector<32x64xi32> to vector<32x64xf32>
    %broadcast_in_dim3A = vector.shape_cast %convert_element_type3A : vector<32x64xf32> to vector<32x64x1xf32>
    %get3A_4 = arith.constant 0 : index
    %get3A_5 = arith.constant 0 : index
    %get3A_6 = arith.constant 0 : index
    %get3A_7 = vector.load %arg2[%get3A_4, %get3A_5, %get3A_6] : memref<32x64x768xf32, #tpu.memory_space<vmem>>, vector<32x64x768xf32>
    %get3A_8 = arith.constant 0 : index
    %get3A_9 = arith.constant 0 : index
    %get3A_10 = arith.constant 0 : index
    %get3A_11 = vector.load %arg3[%get3A_8, %get3A_9, %get3A_10] : memref<1x32x768xf32, #tpu.memory_space<vmem>>, vector<1x32x768xf32>
    %get3A_12 = vector.shape_cast %get3A_11 : vector<1x32x768xf32> to vector<32x768xf32>
    %broadcast_in_dim3A_13 = vector.shape_cast %get3A_12 : vector<32x768xf32> to vector<32x1x768xf32>
    %add3A = vector.broadcast %broadcast_in_dim3A_13 : vector<32x1x768xf32> to vector<32x64x768xf32>
    %add3A_14 = arith.addf %get3A_7, %add3A : vector<32x64x768xf32>
    %get3A_15 = arith.constant 0 : index
    %get3A_16 = arith.constant 0 : index
    %get3A_17 = vector.load %arg5[%get3A_15, %get3A_16] : memref<1x768xf32, #tpu.memory_space<vmem>>, vector<1x768xf32>
    %broadcast_in_dim3A_18 = vector.shape_cast %get3A_17 : vector<1x768xf32> to vector<1x1x768xf32>
    %mul3A = vector.broadcast %broadcast_in_dim3A : vector<32x64x1xf32> to vector<32x64x768xf32>
    %mul3A_19 = vector.broadcast %broadcast_in_dim3A_18 : vector<1x1x768xf32> to vector<32x64x768xf32>
    %mul3A_20 = arith.mulf %mul3A, %mul3A_19 : vector<32x64x768xf32>
    %add3A_21 = arith.addf %add3A_14, %mul3A_20 : vector<32x64x768xf32>
    %get3A_22 = arith.constant 0 : index
    %get3A_23 = arith.constant 0 : index
    %get3A_24 = vector.load %arg6[%get3A_22, %get3A_23] : memref<1x768xf32, #tpu.memory_space<vmem>>, vector<1x768xf32>
    %broadcast_in_dim3A_25 = vector.shape_cast %get3A_24 : vector<1x768xf32> to vector<1x1x768xf32>
    %get3A_26 = arith.constant 0 : index
    %get3A_27 = arith.constant 0 : index
    %get3A_28 = vector.load %arg7[%get3A_26, %get3A_27] : memref<1x768xf32, #tpu.memory_space<vmem>>, vector<1x768xf32>
    %broadcast_in_dim3A_29 = vector.shape_cast %get3A_28 : vector<1x768xf32> to vector<1x1x768xf32>
    %reduce_sum3A = arith.constant dense<0.000000e+00> : vector<32x64xf32>
    %reduce_sum3A_30 = vector.multi_reduction <add>, %add3A_21, %reduce_sum3A [2] : vector<32x64x768xf32> to vector<32x64xf32>
    %broadcast_in_dim3A_31 = vector.shape_cast %reduce_sum3A_30 : vector<32x64xf32> to vector<32x64x1xf32>
    %div3A = arith.constant 7.680000e+02 : f32
    %div3A_32 = vector.broadcast %div3A : f32 to vector<32x64x1xf32>
    %div3A_33 = arith.divf %broadcast_in_dim3A_31, %div3A_32 : vector<32x64x1xf32>
    %mul3A_34 = arith.mulf %add3A_21, %add3A_21 : vector<32x64x768xf32>
    %reduce_sum3A_35 = arith.constant dense<0.000000e+00> : vector<32x64xf32>
    %reduce_sum3A_36 = vector.multi_reduction <add>, %mul3A_34, %reduce_sum3A_35 [2] : vector<32x64x768xf32> to vector<32x64xf32>
    %broadcast_in_dim3A_37 = vector.shape_cast %reduce_sum3A_36 : vector<32x64xf32> to vector<32x64x1xf32>
    %div3A_38 = arith.constant 7.680000e+02 : f32
    %div3A_39 = vector.broadcast %div3A_38 : f32 to vector<32x64x1xf32>
    %div3A_40 = arith.divf %broadcast_in_dim3A_37, %div3A_39 : vector<32x64x1xf32>
    %mul3A_41 = arith.mulf %div3A_33, %div3A_33 : vector<32x64x1xf32>
    %sub3A = arith.subf %div3A_40, %mul3A_41 : vector<32x64x1xf32>
    %add3A_42 = arith.constant 9.99999996E-13 : f32
    %add3A_43 = vector.broadcast %add3A_42 : f32 to vector<32x64x1xf32>
    %add3A_44 = arith.addf %sub3A, %add3A_43 : vector<32x64x1xf32>
    %rsqrt3A = math.rsqrt %add3A_44 : vector<32x64x1xf32>
    %sub3A_45 = vector.broadcast %div3A_33 : vector<32x64x1xf32> to vector<32x64x768xf32>
    %sub3A_46 = arith.subf %add3A_21, %sub3A_45 : vector<32x64x768xf32>
    %mul3A_47 = vector.broadcast %rsqrt3A : vector<32x64x1xf32> to vector<32x64x768xf32>
    %mul3A_48 = arith.mulf %sub3A_46, %mul3A_47 : vector<32x64x768xf32>
    %mul3A_49 = vector.broadcast %broadcast_in_dim3A_25 : vector<1x1x768xf32> to vector<32x64x768xf32>
    %mul3A_50 = arith.mulf %mul3A_48, %mul3A_49 : vector<32x64x768xf32>
    %add3A_51 = vector.broadcast %broadcast_in_dim3A_29 : vector<1x1x768xf32> to vector<32x64x768xf32>
    %add3A_52 = arith.addf %mul3A_50, %add3A_51 : vector<32x64x768xf32>
    %swap3A = arith.constant 0 : index
    %swap3A_53 = arith.constant 0 : index
    %swap3A_54 = arith.constant 0 : index
    %swap3A_55 = vector.load %arg8[%swap3A, %swap3A_53, %swap3A_54] : memref<32x64x768xf32, #tpu.memory_space<vmem>>, vector<32x64x768xf32>
    tpu.vector_store %arg8[%swap3A, %swap3A_53, %swap3A_54], %add3A_52 {strides = array<i32>} : memref<32x64x768xf32, #tpu.memory_space<vmem>>, vector<32x64x768xf32>,
    return
  }
  func.func @transform_1(%arg0: i32) -> (i32, i32, i32) {
    %c0_i32 = arith.constant 0 : i32
    %c0_i32_0 = arith.constant 0 : i32
    %c0_i32_1 = arith.constant 0 : i32
    return %arg0, %c0_i32, %c0_i32_0 : i32, i32, i32
  }
  func.func @transform_2(%arg0: i32) -> (i32, i32, i32) {
    %add3A = arith.constant 0 : i32
    %add3A_0 = arith.addi %arg0, %add3A : i32
    %c0_i32 = arith.constant 0 : i32
    %c0_i32_1 = arith.constant 0 : i32
    %c0_i32_2 = arith.constant 0 : i32
    return %add3A_0, %c0_i32, %c0_i32_1 : i32, i32, i32
  }
  func.func @transform_3(%arg0: i32) -> (i32, i32, i32) {
    %add3A = arith.constant 0 : i32
    %add3A_0 = arith.addi %arg0, %add3A : i32
    %c0_i32 = arith.constant 0 : i32
    %c0_i32_1 = arith.constant 0 : i32
    %c0_i32_2 = arith.constant 0 : i32
    return %add3A_0, %c0_i32, %c0_i32_1 : i32, i32, i32
  }
  func.func @transform_4(%arg0: i32) -> (i32, i32) {
    %c0_i32 = arith.constant 0 : i32
    %c0_i32_0 = arith.constant 0 : i32
    %c0_i32_1 = arith.constant 0 : i32
    return %c0_i32, %c0_i32_0 : i32, i32
  }
  func.func @transform_5(%arg0: i32) -> (i32, i32) {
    %c0_i32 = arith.constant 0 : i32
    %c0_i32_0 = arith.constant 0 : i32
    %c0_i32_1 = arith.constant 0 : i32
    return %c0_i32, %c0_i32_0 : i32, i32
  }
  func.func @transform_6(%arg0: i32) -> (i32, i32) {
    %c0_i32 = arith.constant 0 : i32
    %c0_i32_0 = arith.constant 0 : i32
    %c0_i32_1 = arith.constant 0 : i32
    return %c0_i32, %c0_i32_0 : i32, i32
  }
  func.func @transform_7(%arg0: i32) -> (i32, i32, i32) {
    %add3A = arith.constant 0 : i32
    %add3A_0 = arith.addi %arg0, %add3A : i32
    %c0_i32 = arith.constant 0 : i32
    %c0_i32_1 = arith.constant 0 : i32
    %c0_i32_2 = arith.constant 0 : i32
    return %add3A_0, %c0_i32, %c0_i32_1 : i32, i32, i32
  }
}

</mosaic_0001>

<sc_bundles>
// kernel: kernel.5.cloned.1.call-start
scs
__scs_entry_jumppad:
0x0: {  	(pc) =	sbr.rel $0x88, $3  }
0x1: {  	(tag) =	ssettag $0x0;
	lr =	simm.s32 $0x1  }
0x2: {  	[smem:$0x3F95] =	sst lr;
	_ =	strace $0xD0000000  }
0x3: {  	_ = 	snop  }
0x4: {  	_ = 	snop  }
0x5: {  	_ = 	snop  }
0x6: {  	_ = 	snop  }
0x7: {  	_ = 	snop  }
__scs_overlays_trampoline_lowered:
0x8: {  	[smem:$0x3FA4] =	sst s0  }
0x9: {  	[smem:$0x3FA5] =	sst s1  }
0xa: {  	[smem:$0x3FA6] =	sst s2  }
0xb: {  	[smem:$0x3FA7] =	sst s3  }
0xc: {  	[smem:$0x3FA8] =	sst s4  }
0xd: {  	[smem:$0x3FA9] =	sst s5  }
0xe: {  	[smem:$0x3FAA] =	sst s6  }
0xf: {  	[smem:$0x3FAB] =	sst s7  }
0x10: {  	[smem:$0x3FAC] =	sst s8  }
0x11: {  	[smem:$0x3FAD] =	sst s9;
	s0 =	simm.s32 @!p0 $0x0  }
0x12: {  	s1 =	sld [smem:$0x3F93];
	s0 =	simm.s32 @p0 $0x1  }
0x13: {  	[smem:$0x3FAE] =	sst s0;
	s0 =	simm.s32 @!p1 $0x0  }
0x14: {  	s2 =	sld [smem:$0x3F92];
	s0 =	simm.s32 @p1 $0x1  }
0x15: {  	[smem:$0x3FAF] =	sst s0;
	s0 =	simm.s32 @!p2 $0x0  }
0x16: {  	s3 =	sld [smem:$0x3FDB];
	s0 =	simm.s32 @p2 $0x1  }
0x17: {  	s4 =	simm.s32 $0x1BF5;
	[smem:$0x3FB1] =	sst s0  }
0x18: {  	s0 =	sld [smem:$0x3F94];
	_ =	swait.ge [sflag:s4], $0x0  }
0x19: {  	s7 =	sld [smem:$0x3F95]  }
0x1a: {  	s8 =	sadd.s32 $0xFFFFE003, lr  }
0x1b: {  	s9 =	sadd.s32 $0xFFFFFEF7, lr;
	s5 =	simm.s32 $0xFFFFFFFF;
	p2 =	slt.u32 s8, $0xFFFFF086  }
0x1c: {  	p1 =	slt.u32 s9, $0xF7A;
	s5 =	simm.s32 @!p2 $0x0  }
0x1d: {  	s5 =	simm.s32 @p1 $0x1;
	p0 =	seq.s32 s7, s2  }
0x1e: {  	s7 =	smul.u32 @!p0 $0xF7A, s2;
	p2 =	seq.s32 @!p0 s5, $0x0  }
0x1f: {  	s9 =	smul.u32 $0xF7A, s1;
	s8 =	simm.s32 @!p0 $0x1BF5;
	p2 =	por !p2, p0  }
0x20: {  	[sflag:s8] =	ssyncset.s32 @!p0 $0xFFFFF086;
	s6 =	sadd.s32 @!p0 s3, s7;
	s7 =	simm.s32 @!p0 $0x108  }
0x21: {  	s3 =	sadd.s32 s3, s9;
	s6 =	sadd.s32 @!p0 $0x88, s6;
	s7 =	simm.s32 @p2 $0x1082  }
0x22: {  	[simem:s7], [sflag:s8] =	dma.local @!p0 [hbm:s6], $0xF7A  }
0x23: {  	s9 =	sor.u32 $0xD0000000, s2;
	s6 =	simm.s32 $0x108;
	_ =	swait.ge @!p0 [sflag:s8], $0x0  }
0x24: {  	s3 =	sadd.s32 $0x88, s3;
	s6 =	simm.s32 @!p1 $0x1082;
	[sflag:s4] =	ssyncset.s32 $0xFFFFF086  }
0x25: {  	[simem:s6], [sflag:s4] =	dma.local [hbm:s3], $0xF7A  }
0x26: {  	[smem:$0x3F95] =	sst s1;
	(tag) =	ssettag s2;
	_ =	strace s9  }
0x27: {  	s1 =	sld [smem:$0x3FA5]  }
0x28: {  	s2 =	sld [smem:$0x3FA6]  }
0x29: {  	s4 =	sld [smem:$0x3FA8]  }
0x2a: {  	p0 =	seq.s32 s5, $0x0;
	s5 =	sld [smem:$0x3FA9]  }
0x2b: {  	s6 =	sld [smem:$0x3FAA]  }
0x2c: {  	s7 =	sld [smem:$0x3FAB]  }
0x2d: {  	s3 =	simm.s32 $0x108;
	s8 =	sld [smem:$0x3FAC]  }
0x2e: {  	s3 =	simm.s32 @!p0 $0x1082;
	s9 =	sld [smem:$0x3FAD]  }
0x2f: {  	lr =	sadd.s32 s0, s3;
	s0 =	sld [smem:$0x3FA4]  }
0x30: {  	s3 =	sld [smem:$0x3FA7]  }
0x31: {  	[smem:$0x3FB0] =	sst s10  }
0x32: {  	s10 =	sld [smem:$0x3FAE];
	_ =	sdelay $0x3  }
0x33: {  	p0 =	seq.s32 s10, $0x1;
	s10 =	sld [smem:$0x3FB0];
	_ =	sdelay $0x3  }
0x34: {  	[smem:$0x3FB0] =	sst s10  }
0x35: {  	s10 =	sld [smem:$0x3FAF];
	_ =	sdelay $0x3  }
0x36: {  	p1 =	seq.s32 s10, $0x1;
	s10 =	sld [smem:$0x3FB0];
	_ =	sdelay $0x3  }
0x37: {  	[smem:$0x3FB0] =	sst s10  }
0x38: {  	s10 =	sld [smem:$0x3FB1]  }
0x39: {  	_ = 	snop;
	(pc) =	sbr.ind lr, $3  }
0x3a: {  	_ = 	snop  }
0x3b: {  	_ = 	snop  }
0x3c: {  	p2 =	seq.s32 s10, $0x1;
	s10 =	sld [smem:$0x3FB0]  }
0x3d: {  	_ =	shalt  }
0x3e: {  	_ =	shalt  }
0x3f: {  	_ =	shalt  }
0x40: {  	_ =	shalt  }
0x41: {  	_ =	shalt  }
0x42: {  	_ =	shalt  }
0x43: {  	_ =	shalt  }
0x44: {  	_ =	shalt  }
0x45: {  	_ =	shalt  }
0x46: {  	_ =	shalt  }
0x47: {  	_ =	shalt  }
0x48: {  	_ =	shalt  }
0x49: {  	_ =	shalt  }
0x4a: {  	_ =	shalt  }
0x4b: {  	_ =	shalt  }
0x4c: {  	_ =	shalt  }
0x4d: {  	_ =	shalt  }
0x4e: {  	_ =	shalt  }
0x4f: {  	_ =	shalt  }
0x50: {  	_ =	shalt  }
0x51: {  	_ =	shalt  }
0x52: {  	_ =	shalt  }
0x53: {  	_ =	shalt  }
0x54: {  	_ =	shalt  }
0x55: {  	_ =	shalt  }
0x56: {  	_ =	shalt  }
0x57: {  	_ =	shalt  }
0x58: {  	_ =	shalt  }
0x59: {  	_ =	shalt  }
0x5a: {  	_ =	shalt  }
0x5b: {  	_ =	shalt  }
0x5c: {  	_ =	shalt  }
0x5d: {  	_ =	shalt  }
0x5e: {  	_ =	shalt  }
0x5f: {  	_ =	shalt  }
0x60: {  	_ =	shalt  }
0x61: {  	_ =	shalt  }
0x62: {  	_ =	shalt  }
0x63: {  	_ =	shalt  }
0x64: {  	_ =	shalt  }
0x65: {  	_ =	shalt  }
0x66: {  	_ =	shalt  }
0x67: {  	_ =	shalt  }
0x68: {  	_ =	shalt  }
0x69: {  	_ =	shalt  }
0x6a: {  	_ =	shalt  }
0x6b: {  	_ =	shalt  }
0x6c: {  	_ =	shalt  }
0x6d: {  	_ =	shalt  }
0x6e: {  	_ =	shalt  }
0x6f: {  	_ =	shalt  }
0x70: {  	_ =	shalt  }
0x71: {  	_ =	shalt  }
0x72: {  	_ =	shalt  }
0x73: {  	_ =	shalt  }
0x74: {  	_ =	shalt  }
0x75: {  	_ =	shalt  }
0x76: {  	_ =	shalt  }
0x77: {  	_ =	shalt  }
0x78: {  	_ =	shalt  }
0x79: {  	_ =	shalt  }
0x7a: {  	_ =	shalt  }
0x7b: {  	_ =	shalt  }
0x7c: {  	_ =	shalt  }
0x7d: {  	_ =	shalt  }
0x7e: {  	_ =	shalt  }
0x7f: {  	_ =	shalt  }
0x80: {  	_ =	shalt  }
0x81: {  	_ =	shalt  }
0x82: {  	_ =	shalt  }
0x83: {  	_ =	shalt  }
0x84: {  	_ =	shalt  }
0x85: {  	_ =	shalt  }
0x86: {  	_ =	shalt  }
0x87: {  	_ =	shalt  }
.Lfunc_end0:
.L_simem_size_0:
called_computation_lowered:
.L_overlay_start_0:
0x88: {  	s2 =	sld [smem:$0x3FD9]  }
0x89: {  	s3 =	sld [smem:$0x3FFE];
	_ =	sdelay $0x1  }
0x8a: {  	s1 =	srdreg.scid  }
0x8b: {  	s0 =	sand.u32 $0x1, s1  }
0x8c: {  	s17 =	sshll.u32 s0, $0xA;
	s2 =	sadd.s32 s3, s2  }
0x8d: {  	s2 =	sadd.s32 s2, s17  }
0x8e: {  	[smem:$0x3FBC] =	sst s2  }
0x8f: {  	_ = 	snop  }
0x90: {  	s2 =	sld [smem:$0x3FC5];
	(tm) =	ssettm $0x1  }
0x91: {  	s18 =	sld [smem:$0x3FFB];
	_ =	sdelay $0x3  }
0x92: {  	_ =	strace s18  }
0x93: {  	s3 =	sld [smem:$0x3FFC];
	_ =	sdelay $0x3  }
0x94: {  	_ =	strace s3  }
0x95: {  	s3 =	sld [smem:$0x3FFD];
	_ =	sdelay $0x3  }
0x96: {  	_ =	strace s3  }
0x97: {  	_ =	strace $0x8FFFFFFF  }
0x98: {  	s19 =	sld [smem:$0x3FDB];
	_ =	sdelay $0x1  }
0x99: {  	s4 =	simm.s32 $_scs_section_size  }
0x9a: {  	s5 =	simm.s32 $_size__tile_overlayer_lowered;
	s6 =	simm.s32 $_tile_overlayer_lowered  }
0x9b: {  	s22 =	simm.s32 $0x1BFF;
	s21 =	sshll.u32 s6, $0x1;
	s3 =	sadd.s32 s4, s19  }
0x9c: {  	s7 =	simm.s32 $0x0;
	s20 =	sshll.u32 s5, $0x1;
	s5 =	sadd.s32 s21, s3  }
0x9d: {  	[timem:s7], [sflag:s22] =	dma.local [hbm:s5], s20  }
0x9e: {  	_ =	swait.ge [sflag:s22], s20  }
0x9f: {  	s4 =	ssub.s32 $0x0, s20;
	[sflag:s22] =	ssyncset.done $0x0  }
0xa0: {  	[sflag:s22] =	ssyncadd.s32 s4;
	_ =	sdelay $0x1  }
0xa1: {  	s23 =	simm.s32 $0x1B8B  }
0xa2: {  	_ =	swait.ge [sflag:s23], $0x1  }
0xa3: {  	[sflag:s23] =	ssyncset.done $0x0  }
0xa4: {  	s25 =	simm.s32 $0x1B8E;
	s24 =	sld [smem:$0x3FFE];
	[sflag:s23] =	ssyncadd.s32 $0xFFFFFFFF  }
0xa5: {  	s26 =	simm.s32 $execute0_lowered;
	[smem:$0x3FD2] =	sst s25  }
0xa6: {  	s5 =	sshll.u32 s26, $0x1;
	_ =	strace $0x80000046;
	[dreg:$0x1] =	wrdreg $0xFFFFFFFF  }
0xa7: {  	s28 =	simm.s32 $_size_execute0_lowered;
	s3 =	sadd.s32 s3, s5;
	[dreg:$0x0] =	wrdreg $0x0  }
0xa8: {  	s5 =	sshll.u32 s28, $0x1;
	[dreg:$0x2] =	wrdreg s3  }
0xa9: {  	[dreg:$0x3] =	wrdreg s5  }
0xaa: {  	[dreg:$0x4] =	wrdreg $0xC0  }
0xab: {  	_ =	task [dreg:s7], $0x5FFFF  }
0xac: {  	[dreg:$0x1] =	wrdreg $0xFFFFFFFF  }
0xad: {  	[dreg:$0x0] =	wrdreg $0x60  }
0xae: {  	[dreg:$0x2] =	wrdreg s2  }
0xaf: {  	[dreg:$0x3] =	wrdreg s24  }
0xb0: {  	[dreg:$0x4] =	wrdreg $0x9  }
0xb1: {  	_ =	task.clear_ibuf [dreg:s7], $0x5FFFF;
	_ =	strace $0x90000046  }
0xb2: {  	s29 =	simm.s32 $0x9;
	_ =	strace $0x80000048  }
0xb3: {  	_ =	swait.ge [sflag:s29], $0x1  }
0xb4: {  	[sflag:s29] =	ssyncadd.s32 $0xFFFFFFFF  }
0xb5: {  	_ =	strace $0x90000048  }
0xb6: {  	_ =	sfence  }
0xb7: {  	s30 =	sld [smem:$0x0];
	_ =	sdelay $0x2  }
0xb8: {  	s31 =	sshll.u32 s1, $0xD;
	s1 =	sshrl.u32 s1, $0x2  }
0xb9: {  	s3 =	sand.u32 $0x4000, s31;
	s1 =	sadd.s32 s1, s30  }
0xba: {  	s0 =	sor.u32 s3, s0;
	s1 =	sshll.u32 s1, $0x11  }
0xbb: {  	s0 =	sor.u32 s1, s0  }
0xbc: {  	s0 =	sadd.s32 $0x8F2B, s0  }
0xbd: {  	[sflag:s0] =	ssyncadd.remote.s32 $0x1  }
0xbe: {  	_ =	sfence.sel $0xFFFF  }
0xbf: {  	[dreg:$0x0] =	wrdreg $0xFFFFFFFF;
	(pc) =	sbr.abs _section_cstart, $3  }
0xc0: {  	[dreg:$0x1] =	wrdreg $0xFFFFFFFF  }
0xc1: {  	_ =	task.clear_ibuf [dreg:s7], $0x2FFFF;
	_ =	strace $0x9FFFFFFF  }
0xc2: {  	(tm) =	ssettm $0x7FFFFFFF  }
0xc3: {  	_ =	shalt  }
tec
execute0_lowered:
.L_overlay_start_1:
0x0: {  	(tag) =	ssettag $0x1  }
0x1: {  	s0 =	srdreg.scid  }
0x2: {  	s1 =	stileid.u32;
	s0 =	sand.u32 $0x1, s0  }
0x3: {  	s2 =	rddreg [dreg:$0x0];
	s1 =	sshll.u32 s1, $0x8;
	s3 =	sshll.u32 s0, $0x7  }
0x4: {  	s4 =	rddreg [dreg:$0x1];
	s1 =	sor.u32 s3, s1  }
0x5: {  	s3 =	simm.s32 $0x0;
	s5 =	smul.u32 $0x300, s1;
	s6 =	sadd.s32 s1, s4  }
0x6: {  	[smem:$0x7FF] =	sst s3;
	s4 =	sadd.s32 $0x2000, s4;
	s6 =	sadd.s32 $0x1000, s6  }
0x7: {  	_ =	strace $0x80000047;
	s7 =	sadd.s32 s4, s5;
	[dreg:$0x3] =	wrdreg s6  }
0x8: {  	s5 =	sadd.s32 $0x1800, s7;
	[dreg:$0x13] =	wrdreg s7  }
0x9: {  	s1 =	smul.u32 $0x1800, s1;
	s18 =	sadd.s32 $0x3000, s7;
	[dreg:$0x4] =	wrdreg s5  }
0xa: {  	s19 =	sadd.s32 $0x4800, s7;
	[dreg:$0x5] =	wrdreg s18  }
0xb: {  	s1 =	sshrl.u32 s1, $0x3;
	s20 =	sadd.s32 $0x6000, s7;
	[dreg:$0x6] =	wrdreg s19  }
0xc: {  	s21 =	sadd.s32 $0x7800, s7;
	s1 =	sadd.s32 s4, s1;
	[dreg:$0x7] =	wrdreg s20  }
0xd: {  	[dreg:$0x8] =	wrdreg s21;
	s4 =	sadd.s32 $0x9000, s1  }
0xe: {  	s22 =	sadd.s32 $0xA800, s1;
	[dreg:$0x9] =	wrdreg s4  }
0xf: {  	s23 =	sadd.s32 $0xC000, s1;
	[dreg:$0xa] =	wrdreg s22  }
0x10: {  	s14 =	simm.s32 $0x400;
	s24 =	sadd.s32 $0xD800, s1;
	[dreg:$0xb] =	wrdreg s23  }
0x11: {  	s8 =	simm.s32 $0x3;
	s25 =	sadd.s32 $0xF000, s1;
	[dreg:$0xc] =	wrdreg s24  }
0x12: {  	s10 =	simm.s32 $0x2;
	s26 =	sadd.s32 $0x10800, s1;
	[dreg:$0xd] =	wrdreg s25  }
0x13: {  	s11 =	simm.s32 $0x4;
	s28 =	sadd.s32 $0x12000, s1;
	[dreg:$0xe] =	wrdreg s26  }
0x14: {  	s0 =	ssub.s32 $0x2, s0;
	s29 =	sadd.s32 $0x13800, s1;
	[dreg:$0xf] =	wrdreg s28  }
0x15: {  	s30 =	sshrl.u32 s0, $0x1;
	s31 =	sadd.s32 $0x15000, s1;
	[dreg:$0x10] =	wrdreg s29  }
0x16: {  	v2 =	vlaneseq.u32;
	s0 =	ssub.s32 s0, s30;
	s1 =	sadd.s32 $0x16800, s1;
	[dreg:$0x11] =	wrdreg s31  }
0x17: {  	vm0 =	vmmov $0xffff;
	v1 =	vshrl.u32 v2, $0x3;
	s6 =	sadd.s32 $0x200, s2;
	s5 =	sadd.s32 $0x100, s2;
	[dreg:$0x12] =	wrdreg s1  }
0x18: {  	v0 =	vand.u32 $0x7, v2;
	v2 =	vor.u32 $0x8, v2;
	v1 =	vmul.u32 $0x8, v1;
	s1 =	smax.u32 s0, $0x1;
	s4 =	simm.s32 $0xC400;
	s0 =	simm.s32 $0x1  }
.LBB2_1:
0x19: {  	[dreg:$0x14] =	wrdreg s1  }
0x1a: {  	s12 =	rddreg [dreg:$0x3];
	s16 =	simm.s32 $0x5  }
0x1b: {  	[tilespmem:s3], [sflag:$0x5] =	stream.linear.gather [hbm4b:s12+s3], $0x400, $0x38;
	[tilespmem:$0x18400] =	vst v63  }
0x1c: {  	_ =	swait.ge [sflag:s16], $0x400  }
0x1d: {  	[sflag:s16] =	ssyncset.done $0x0  }
0x1e: {  	[sflag:s16] =	ssyncadd.s32 $0xFFFFFC00  }
0x1f: {  	v3 =	vld [tilespmem:$0x0];
	_ =	sdelay $0x4  }
0x20: {  	v4 =	vshrl.u32 v3, $0x3  }
0x21: {  	v4 =	vmul.u32 $0x30, v4  }
0x22: {  	v3 =	vand.u32 $0x7, v3  }
0x23: {  	v3 =	vor.u32 v3, v4  }
0x24: {  	v4 =	vperm.xlane v3, v0;
	_ =	sdelay $0x1  }
0x25: {  	v4 =	vadd.s32 v1, v4;
	_ =	sdelay $0x3  }
0x26: {  	v3 =	vperm.xlane v3, v2  }
0x27: {  	[tilespmem:s14], [sflag:$0x1] =	stream.indirect_vreg.gather [hbm4b:s2+s3], $0x80, v4, vm0, $0xb8;
	[tilespmem:$0x18400] =	vst v63  }
0x28: {  	s17 =	simm.s32 $0xC00;
	v3 =	vadd.s32 v1, v3  }
0x29: {  	[tilespmem:s17], [sflag:$0x1] =	stream.indirect_vreg.gather [hbm4b:s5+s3], $0x80, v4, vm0, $0xb8;
	[tilespmem:$0x18400] =	vst v63  }
0x2a: {  	s18 =	simm.s32 $0x1400  }
0x2b: {  	[tilespmem:s18], [sflag:$0x1] =	stream.indirect_vreg.gather [hbm4b:s6+s3], $0x80, v4, vm0, $0xb8;
	[tilespmem:$0x18400] =	vst v63  }
0x2c: {  	s19 =	simm.s32 $0x1C00  }
0x2d: {  	[tilespmem:s19], [sflag:$0x1] =	stream.indirect_vreg.gather [hbm4b:s2+s3], $0x80, v3, vm0, $0xb8;
	[tilespmem:$0x18400] =	vst v63  }
0x2e: {  	s20 =	simm.s32 $0x2400  }
0x2f: {  	[tilespmem:s20], [sflag:$0x1] =	stream.indirect_vreg.gather [hbm4b:s5+s3], $0x80, v3, vm0, $0xb8;
	[tilespmem:$0x18400] =	vst v63  }
0x30: {  	s21 =	simm.s32 $0x2C00  }
0x31: {  	[tilespmem:s21], [sflag:$0x1] =	stream.indirect_vreg.gather [hbm4b:s6+s3], $0x80, v3, vm0, $0xb8;
	[tilespmem:$0x18400] =	vst v63  }
0x32: {  	v3 =	vld [tilespmem:$0x10];
	_ =	sdelay $0x4  }
0x33: {  	v57 =	vshrl.u32 v3, $0x3  }
0x34: {  	v4 =	vmul.u32 $0x30, v57  }
0x35: {  	v3 =	vand.u32 $0x7, v3  }
0x36: {  	v3 =	vor.u32 v3, v4  }
0x37: {  	v4 =	vperm.xlane v3, v0;
	_ =	sdelay $0x1  }
0x38: {  	v4 =	vadd.s32 v1, v4;
	_ =	sdelay $0x3  }
0x39: {  	s22 =	simm.s32 $0x3400;
	v3 =	vperm.xlane v3, v2  }
0x3a: {  	[tilespmem:s22], [sflag:$0x1] =	stream.indirect_vreg.gather [hbm4b:s2+s3], $0x80, v4, vm0, $0xb8;
	[tilespmem:$0x18400] =	vst v63  }
0x3b: {  	s23 =	simm.s32 $0x3C00;
	v3 =	vadd.s32 v1, v3  }
0x3c: {  	[tilespmem:s23], [sflag:$0x1] =	stream.indirect_vreg.gather [hbm4b:s5+s3], $0x80, v4, vm0, $0xb8;
	[tilespmem:$0x18400] =	vst v63  }
0x3d: {  	s24 =	simm.s32 $0x4400  }
0x3e: {  	[tilespmem:s24], [sflag:$0x1] =	stream.indirect_vreg.gather [hbm4b:s6+s3], $0x80, v4, vm0, $0xb8;
	[tilespmem:$0x18400] =	vst v63  }
0x3f: {  	s25 =	simm.s32 $0x4C00  }
0x40: {  	[tilespmem:s25], [sflag:$0x1] =	stream.indirect_vreg.gather [hbm4b:s2+s3], $0x80, v3, vm0, $0xb8;
	[tilespmem:$0x18400] =	vst v63  }
0x41: {  	s26 =	simm.s32 $0x5400  }
0x42: {  	[tilespmem:s26], [sflag:$0x1] =	stream.indirect_vreg.gather [hbm4b:s5+s3], $0x80, v3, vm0, $0xb8;
	[tilespmem:$0x18400] =	vst v63  }
0x43: {  	s28 =	simm.s32 $0x5C00  }
0x44: {  	[tilespmem:s28], [sflag:$0x1] =	stream.indirect_vreg.gather [hbm4b:s6+s3], $0x80, v3, vm0, $0xb8;
	[tilespmem:$0x18400] =	vst v63  }
0x45: {  	v3 =	vld [tilespmem:$0x20];
	_ =	sdelay $0x4  }
0x46: {  	v58 =	vshrl.u32 v3, $0x3  }
0x47: {  	v4 =	vmul.u32 $0x30, v58  }
0x48: {  	v3 =	vand.u32 $0x7, v3  }
0x49: {  	v3 =	vor.u32 v3, v4  }
0x4a: {  	v4 =	vperm.xlane v3, v0;
	_ =	sdelay $0x1  }
0x4b: {  	v4 =	vadd.s32 v1, v4;
	_ =	sdelay $0x3  }
0x4c: {  	s29 =	simm.s32 $0x6400;
	v3 =	vperm.xlane v3, v2  }
0x4d: {  	[tilespmem:s29], [sflag:$0x1] =	stream.indirect_vreg.gather [hbm4b:s2+s3], $0x80, v4, vm0, $0xb8;
	[tilespmem:$0x18400] =	vst v63  }
0x4e: {  	s30 =	simm.s32 $0x6C00;
	v3 =	vadd.s32 v1, v3  }
0x4f: {  	[tilespmem:s30], [sflag:$0x1] =	stream.indirect_vreg.gather [hbm4b:s5+s3], $0x80, v4, vm0, $0xb8;
	[tilespmem:$0x18400] =	vst v63  }
0x50: {  	s31 =	simm.s32 $0x7400  }
0x51: {  	[tilespmem:s31], [sflag:$0x1] =	stream.indirect_vreg.gather [hbm4b:s6+s3], $0x80, v4, vm0, $0xb8;
	[tilespmem:$0x18400] =	vst v63  }
0x52: {  	s9 =	simm.s32 $0x7C00  }
0x53: {  	[tilespmem:s9], [sflag:$0x1] =	stream.indirect_vreg.gather [hbm4b:s2+s3], $0x80, v3, vm0, $0xb8;
	[tilespmem:$0x18400] =	vst v63  }
0x54: {  	s12 =	simm.s32 $0x8400  }
0x55: {  	[tilespmem:s12], [sflag:$0x1] =	stream.indirect_vreg.gather [hbm4b:s5+s3], $0x80, v3, vm0, $0xb8;
	[tilespmem:$0x18400] =	vst v63  }
0x56: {  	s15 =	simm.s32 $0x8C00  }
0x57: {  	[tilespmem:s15], [sflag:$0x1] =	stream.indirect_vreg.gather [hbm4b:s6+s3], $0x80, v3, vm0, $0xb8;
	[tilespmem:$0x18400] =	vst v63  }
0x58: {  	v3 =	vld [tilespmem:$0x30];
	_ =	sdelay $0x4  }
0x59: {  	v59 =	vshrl.u32 v3, $0x3  }
0x5a: {  	v4 =	vmul.u32 $0x30, v59  }
0x5b: {  	v3 =	vand.u32 $0x7, v3  }
0x5c: {  	v3 =	vor.u32 v3, v4  }
0x5d: {  	v4 =	vperm.xlane v3, v0;
	_ =	sdelay $0x1  }
0x5e: {  	v4 =	vadd.s32 v1, v4;
	_ =	sdelay $0x3  }
0x5f: {  	s16 =	simm.s32 $0x9400;
	v3 =	vperm.xlane v3, v2  }
0x60: {  	[tilespmem:s16], [sflag:$0x1] =	stream.indirect_vreg.gather [hbm4b:s2+s3], $0x80, v4, vm0, $0xb8;
	[tilespmem:$0x18400] =	vst v63  }
0x61: {  	s17 =	simm.s32 $0x9C00;
	v3 =	vadd.s32 v1, v3  }
0x62: {  	[tilespmem:s17], [sflag:$0x1] =	stream.indirect_vreg.gather [hbm4b:s5+s3], $0x80, v4, vm0, $0xb8;
	[tilespmem:$0x18400] =	vst v63  }
0x63: {  	s18 =	simm.s32 $0xA400  }
0x64: {  	[tilespmem:s18], [sflag:$0x1] =	stream.indirect_vreg.gather [hbm4b:s6+s3], $0x80, v4, vm0, $0xb8;
	[tilespmem:$0x18400] =	vst v63  }
0x65: {  	s19 =	simm.s32 $0xAC00  }
0x66: {  	[tilespmem:s19], [sflag:$0x1] =	stream.indirect_vreg.gather [hbm4b:s2+s3], $0x80, v3, vm0, $0xb8;
	[tilespmem:$0x18400] =	vst v63  }
0x67: {  	s20 =	simm.s32 $0xB400  }
0x68: {  	[tilespmem:s20], [sflag:$0x1] =	stream.indirect_vreg.gather [hbm4b:s5+s3], $0x80, v3, vm0, $0xb8;
	[tilespmem:$0x18400] =	vst v63  }
0x69: {  	s23 =	simm.s32 $0xBC00  }
0x6a: {  	[tilespmem:s23], [sflag:$0x1] =	stream.indirect_vreg.gather [hbm4b:s6+s3], $0x80, v3, vm0, $0xb8;
	[tilespmem:$0x18400] =	vst v63  }
0x6b: {  	v3 =	vld [tilespmem:$0x40];
	_ =	sdelay $0x4  }
0x6c: {  	v60 =	vshrl.u32 v3, $0x3  }
0x6d: {  	v4 =	vmul.u32 $0x30, v60  }
0x6e: {  	v3 =	vand.u32 $0x7, v3  }
0x6f: {  	v3 =	vor.u32 v3, v4  }
0x70: {  	v4 =	vperm.xlane v3, v0;
	_ =	sdelay $0x1  }
0x71: {  	v4 =	vadd.s32 v1, v4;
	_ =	sdelay $0x3  }
0x72: {  	v3 =	vperm.xlane v3, v2  }
0x73: {  	[tilespmem:s4], [sflag:$0x2] =	stream.indirect_vreg.gather [hbm4b:s2+s3], $0x80, v4, vm0, $0xb8;
	[tilespmem:$0x18400] =	vst v63  }
0x74: {  	s24 =	simm.s32 $0xCC00;
	v3 =	vadd.s32 v1, v3  }
0x75: {  	[tilespmem:s24], [sflag:$0x2] =	stream.indirect_vreg.gather [hbm4b:s5+s3], $0x80, v4, vm0, $0xb8;
	[tilespmem:$0x18400] =	vst v63  }
0x76: {  	s29 =	simm.s32 $0xD400  }
0x77: {  	[tilespmem:s29], [sflag:$0x2] =	stream.indirect_vreg.gather [hbm4b:s6+s3], $0x80, v4, vm0, $0xb8;
	[tilespmem:$0x18400] =	vst v63  }
0x78: {  	s30 =	simm.s32 $0xDC00  }
0x79: {  	[tilespmem:s30], [sflag:$0x2] =	stream.indirect_vreg.gather [hbm4b:s2+s3], $0x80, v3, vm0, $0xb8;
	[tilespmem:$0x18400] =	vst v63  }
0x7a: {  	s31 =	simm.s32 $0xE400  }
0x7b: {  	[tilespmem:s31], [sflag:$0x2] =	stream.indirect_vreg.gather [hbm4b:s5+s3], $0x80, v3, vm0, $0xb8;
	[tilespmem:$0x18400] =	vst v63  }
0x7c: {  	s1 =	simm.s32 $0xEC00  }
0x7d: {  	[tilespmem:s1], [sflag:$0x2] =	stream.indirect_vreg.gather [hbm4b:s6+s3], $0x80, v3, vm0, $0xb8;
	[tilespmem:$0x18400] =	vst v63  }
0x7e: {  	v3 =	vld [tilespmem:$0x50];
	_ =	sdelay $0x4  }
0x7f: {  	v61 =	vshrl.u32 v3, $0x3  }
0x80: {  	v4 =	vmul.u32 $0x30, v61  }
0x81: {  	v3 =	vand.u32 $0x7, v3  }
0x82: {  	v3 =	vor.u32 v3, v4  }
0x83: {  	v4 =	vperm.xlane v3, v0;
	_ =	sdelay $0x1  }
0x84: {  	v4 =	vadd.s32 v1, v4;
	_ =	sdelay $0x3  }
0x85: {  	s9 =	simm.s32 $0xF400;
	v3 =	vperm.xlane v3, v2  }
0x86: {  	[tilespmem:s9], [sflag:$0x2] =	stream.indirect_vreg.gather [hbm4b:s2+s3], $0x80, v4, vm0, $0xb8;
	[tilespmem:$0x18400] =	vst v63  }
0x87: {  	s15 =	simm.s32 $0xFC00;
	v3 =	vadd.s32 v1, v3  }
0x88: {  	[tilespmem:s15], [sflag:$0x2] =	stream.indirect_vreg.gather [hbm4b:s5+s3], $0x80, v4, vm0, $0xb8;
	[tilespmem:$0x18400] =	vst v63  }
0x89: {  	s16 =	simm.s32 $0x10400  }
0x8a: {  	[tilespmem:s16], [sflag:$0x2] =	stream.indirect_vreg.gather [hbm4b:s6+s3], $0x80, v4, vm0, $0xb8;
	[tilespmem:$0x18400] =	vst v63  }
0x8b: {  	s17 =	simm.s32 $0x10C00  }
0x8c: {  	[tilespmem:s17], [sflag:$0x2] =	stream.indirect_vreg.gather [hbm4b:s2+s3], $0x80, v3, vm0, $0xb8;
	[tilespmem:$0x18400] =	vst v63  }
0x8d: {  	s18 =	simm.s32 $0x11400  }
0x8e: {  	[tilespmem:s18], [sflag:$0x2] =	stream.indirect_vreg.gather [hbm4b:s5+s3], $0x80, v3, vm0, $0xb8;
	[tilespmem:$0x18400] =	vst v63  }
0x8f: {  	s19 =	simm.s32 $0x11C00  }
0x90: {  	[tilespmem:s19], [sflag:$0x2] =	stream.indirect_vreg.gather [hbm4b:s6+s3], $0x80, v3, vm0, $0xb8;
	[tilespmem:$0x18400] =	vst v63  }
0x91: {  	v3 =	vld [tilespmem:$0x60];
	_ =	sdelay $0x4  }
0x92: {  	v62 =	vshrl.u32 v3, $0x3  }
0x93: {  	v4 =	vmul.u32 $0x30, v62  }
0x94: {  	v3 =	vand.u32 $0x7, v3  }
0x95: {  	v3 =	vor.u32 v3, v4  }
0x96: {  	v4 =	vperm.xlane v3, v0;
	_ =	sdelay $0x1  }
0x97: {  	v4 =	vadd.s32 v1, v4;
	_ =	sdelay $0x3  }
0x98: {  	s20 =	simm.s32 $0x12400;
	v3 =	vperm.xlane v3, v2  }
0x99: {  	[tilespmem:s20], [sflag:$0x2] =	stream.indirect_vreg.gather [hbm4b:s2+s3], $0x80, v4, vm0, $0xb8;
	[tilespmem:$0x18400] =	vst v63  }
0x9a: {  	s23 =	simm.s32 $0x12C00;
	v3 =	vadd.s32 v1, v3  }
0x9b: {  	[tilespmem:s23], [sflag:$0x2] =	stream.indirect_vreg.gather [hbm4b:s5+s3], $0x80, v4, vm0, $0xb8;
	[tilespmem:$0x18400] =	vst v63  }
0x9c: {  	s24 =	simm.s32 $0x13400  }
0x9d: {  	[tilespmem:s24], [sflag:$0x2] =	stream.indirect_vreg.gather [hbm4b:s6+s3], $0x80, v4, vm0, $0xb8;
	[tilespmem:$0x18400] =	vst v63  }
0x9e: {  	s1 =	simm.s32 $0x13C00  }
0x9f: {  	[tilespmem:s1], [sflag:$0x2] =	stream.indirect_vreg.gather [hbm4b:s2+s3], $0x80, v3, vm0, $0xb8;
	[tilespmem:$0x18400] =	vst v63  }
0xa0: {  	s9 =	simm.s32 $0x14400  }
0xa1: {  	[tilespmem:s9], [sflag:$0x2] =	stream.indirect_vreg.gather [hbm4b:s5+s3], $0x80, v3, vm0, $0xb8;
	[tilespmem:$0x18400] =	vst v63  }
0xa2: {  	s15 =	simm.s32 $0x14C00  }
0xa3: {  	[tilespmem:s15], [sflag:$0x2] =	stream.indirect_vreg.gather [hbm4b:s6+s3], $0x80, v3, vm0, $0xb8;
	[tilespmem:$0x18400] =	vst v63  }
0xa4: {  	v3 =	vld [tilespmem:$0x70];
	_ =	sdelay $0x4  }
0xa5: {  	v63 =	vshrl.u32 v3, $0x3  }
0xa6: {  	v4 =	vmul.u32 $0x30, v63  }
0xa7: {  	v3 =	vand.u32 $0x7, v3  }
0xa8: {  	v3 =	vor.u32 v3, v4  }
0xa9: {  	v4 =	vperm.xlane v3, v0;
	_ =	sdelay $0x1  }
0xaa: {  	v4 =	vadd.s32 v1, v4;
	_ =	sdelay $0x3  }
0xab: {  	s16 =	simm.s32 $0x15400;
	v3 =	vperm.xlane v3, v2  }
0xac: {  	[tilespmem:s16], [sflag:$0x2] =	stream.indirect_vreg.gather [hbm4b:s2+s3], $0x80, v4, vm0, $0xb8;
	[tilespmem:$0x18400] =	vst v63  }
0xad: {  	s17 =	simm.s32 $0x15C00;
	v3 =	vadd.s32 v1, v3  }
0xae: {  	[tilespmem:s17], [sflag:$0x2] =	stream.indirect_vreg.gather [hbm4b:s5+s3], $0x80, v4, vm0, $0xb8;
	[tilespmem:$0x18400] =	vst v63  }
0xaf: {  	s18 =	simm.s32 $0x16400  }
0xb0: {  	[tilespmem:s18], [sflag:$0x2] =	stream.indirect_vreg.gather [hbm4b:s6+s3], $0x80, v4, vm0, $0xb8;
	[tilespmem:$0x18400] =	vst v63  }
0xb1: {  	s19 =	simm.s32 $0x16C00  }
0xb2: {  	[tilespmem:s19], [sflag:$0x2] =	stream.indirect_vreg.gather [hbm4b:s2+s3], $0x80, v3, vm0, $0xb8;
	[tilespmem:$0x18400] =	vst v63  }
0xb3: {  	s20 =	simm.s32 $0x17400  }
0xb4: {  	[tilespmem:s20], [sflag:$0x2] =	stream.indirect_vreg.gather [hbm4b:s5+s3], $0x80, v3, vm0, $0xb8;
	[tilespmem:$0x18400] =	vst v63  }
0xb5: {  	s23 =	simm.s32 $0x17C00  }
0xb6: {  	[tilespmem:s23], [sflag:$0x2] =	stream.indirect_vreg.gather [hbm4b:s6+s3], $0x80, v3, vm0, $0xb8;
	[tilespmem:$0x18400] =	vst v63  }
0xb7: {  	_ =	swait.ge [sflag:s0], $0xC000  }
0xb8: {  	[sflag:s0] =	ssyncset.done $0x0  }
0xb9: {  	s24 =	rddreg [dreg:$0x13];
	[sflag:s0] =	ssyncadd.s32 $0xFFFF4000  }
0xba: {  	[hbm4b:s24+s3] =	stream.linear.scatter [tilespmem:s14], [sflag:$0x3], $0xC000, $0x38;
	[tilespmem:$0x18400] =	vst v63  }
0xbb: {  	_ =	swait.ge [sflag:s8], $0xC000  }
0xbc: {  	[sflag:s8] =	ssyncset.done $0x0  }
0xbd: {  	[sflag:s8] =	ssyncadd.s32 $0xFFFF4000  }
0xbe: {  	v3 =	vld [tilespmem:$0x80];
	_ =	sdelay $0x4  }
0xbf: {  	v8 =	vshrl.u32 v3, $0x3  }
0xc0: {  	v4 =	vmul.u32 $0x30, v8  }
0xc1: {  	v3 =	vand.u32 $0x7, v3  }
0xc2: {  	v3 =	vor.u32 v3, v4  }
0xc3: {  	v4 =	vperm.xlane v3, v0;
	_ =	sdelay $0x1  }
0xc4: {  	v4 =	vadd.s32 v1, v4;
	_ =	sdelay $0x3  }
0xc5: {  	v3 =	vperm.xlane v3, v2  }
0xc6: {  	[tilespmem:s14], [sflag:$0x1] =	stream.indirect_vreg.gather [hbm4b:s2+s3], $0x80, v4, vm0, $0xb8;
	[tilespmem:$0x18400] =	vst v63  }
0xc7: {  	s1 =	simm.s32 $0xC00;
	v3 =	vadd.s32 v1, v3  }
0xc8: {  	[tilespmem:s1], [sflag:$0x1] =	stream.indirect_vreg.gather [hbm4b:s5+s3], $0x80, v4, vm0, $0xb8;
	[tilespmem:$0x18400] =	vst v63  }
0xc9: {  	s9 =	simm.s32 $0x1400  }
0xca: {  	[tilespmem:s9], [sflag:$0x1] =	stream.indirect_vreg.gather [hbm4b:s6+s3], $0x80, v4, vm0, $0xb8;
	[tilespmem:$0x18400] =	vst v63  }
0xcb: {  	s15 =	simm.s32 $0x1C00  }
0xcc: {  	[tilespmem:s15], [sflag:$0x1] =	stream.indirect_vreg.gather [hbm4b:s2+s3], $0x80, v3, vm0, $0xb8;
	[tilespmem:$0x18400] =	vst v63  }
0xcd: {  	s16 =	simm.s32 $0x2400  }
0xce: {  	[tilespmem:s16], [sflag:$0x1] =	stream.indirect_vreg.gather [hbm4b:s5+s3], $0x80, v3, vm0, $0xb8;
	[tilespmem:$0x18400] =	vst v63  }
0xcf: {  	s7 =	simm.s32 $0x2C00  }
0xd0: {  	[tilespmem:s7], [sflag:$0x1] =	stream.indirect_vreg.gather [hbm4b:s6+s3], $0x80, v3, vm0, $0xb8;
	[tilespmem:$0x18400] =	vst v63  }
0xd1: {  	v3 =	vld [tilespmem:$0x90];
	_ =	sdelay $0x4  }
0xd2: {  	v9 =	vshrl.u32 v3, $0x3  }
0xd3: {  	v4 =	vmul.u32 $0x30, v9  }
0xd4: {  	v3 =	vand.u32 $0x7, v3  }
0xd5: {  	v3 =	vor.u32 v3, v4  }
0xd6: {  	v4 =	vperm.xlane v3, v0;
	_ =	sdelay $0x1  }
0xd7: {  	v4 =	vadd.s32 v1, v4;
	_ =	sdelay $0x3  }
0xd8: {  	s13 =	simm.s32 $0x3400;
	v3 =	vperm.xlane v3, v2  }
0xd9: {  	[tilespmem:s13], [sflag:$0x1] =	stream.indirect_vreg.gather [hbm4b:s2+s3], $0x80, v4, vm0, $0xb8;
	[tilespmem:$0x18400] =	vst v63  }
0xda: {  	s17 =	simm.s32 $0x3C00;
	v3 =	vadd.s32 v1, v3  }
0xdb: {  	[tilespmem:s17], [sflag:$0x1] =	stream.indirect_vreg.gather [hbm4b:s5+s3], $0x80, v4, vm0, $0xb8;
	[tilespmem:$0x18400] =	vst v63  }
0xdc: {  	s18 =	simm.s32 $0x4400  }
0xdd: {  	[tilespmem:s18], [sflag:$0x1] =	stream.indirect_vreg.gather [hbm4b:s6+s3], $0x80, v4, vm0, $0xb8;
	[tilespmem:$0x18400] =	vst v63  }
0xde: {  	s19 =	simm.s32 $0x4C00  }
0xdf: {  	[tilespmem:s19], [sflag:$0x1] =	stream.indirect_vreg.gather [hbm4b:s2+s3], $0x80, v3, vm0, $0xb8;
	[tilespmem:$0x18400] =	vst v63  }
0xe0: {  	s20 =	simm.s32 $0x5400  }
0xe1: {  	[tilespmem:s20], [sflag:$0x1] =	stream.indirect_vreg.gather [hbm4b:s5+s3], $0x80, v3, vm0, $0xb8;
	[tilespmem:$0x18400] =	vst v63  }
0xe2: {  	s21 =	simm.s32 $0x5C00  }
0xe3: {  	[tilespmem:s21], [sflag:$0x1] =	stream.indirect_vreg.gather [hbm4b:s6+s3], $0x80, v3, vm0, $0xb8;
	[tilespmem:$0x18400] =	vst v63  }
0xe4: {  	v3 =	vld [tilespmem:$0xA0];
	_ =	sdelay $0x4  }
0xe5: {  	v10 =	vshrl.u32 v3, $0x3  }
0xe6: {  	v4 =	vmul.u32 $0x30, v10  }
0xe7: {  	v3 =	vand.u32 $0x7, v3  }
0xe8: {  	v3 =	vor.u32 v3, v4  }
0xe9: {  	v4 =	vperm.xlane v3, v0;
	_ =	sdelay $0x1  }
0xea: {  	v4 =	vadd.s32 v1, v4;
	_ =	sdelay $0x3  }
0xeb: {  	s22 =	simm.s32 $0x6400;
	v3 =	vperm.xlane v3, v2  }
0xec: {  	[tilespmem:s22], [sflag:$0x1] =	stream.indirect_vreg.gather [hbm4b:s2+s3], $0x80, v4, vm0, $0xb8;
	[tilespmem:$0x18400] =	vst v63  }
0xed: {  	s21 =	simm.s32 $0x6C00;
	v3 =	vadd.s32 v1, v3  }
0xee: {  	[tilespmem:s21], [sflag:$0x1] =	stream.indirect_vreg.gather [hbm4b:s5+s3], $0x80, v4, vm0, $0xb8;
	[tilespmem:$0x18400] =	vst v63  }
0xef: {  	s22 =	simm.s32 $0x7400  }
0xf0: {  	[tilespmem:s22], [sflag:$0x1] =	stream.indirect_vreg.gather [hbm4b:s6+s3], $0x80, v4, vm0, $0xb8;
	[tilespmem:$0x18400] =	vst v63  }
0xf1: {  	s23 =	simm.s32 $0x7C00  }
0xf2: {  	[tilespmem:s23], [sflag:$0x1] =	stream.indirect_vreg.gather [hbm4b:s2+s3], $0x80, v3, vm0, $0xb8;
	[tilespmem:$0x18400] =	vst v63  }
0xf3: {  	s24 =	simm.s32 $0x8400  }
0xf4: {  	[tilespmem:s24], [sflag:$0x1] =	stream.indirect_vreg.gather [hbm4b:s5+s3], $0x80, v3, vm0, $0xb8;
	[tilespmem:$0x18400] =	vst v63  }
0xf5: {  	s25 =	simm.s32 $0x8C00  }
0xf6: {  	[tilespmem:s25], [sflag:$0x1] =	stream.indirect_vreg.gather [hbm4b:s6+s3], $0x80, v3, vm0, $0xb8;
	[tilespmem:$0x18400] =	vst v63  }
0xf7: {  	v3 =	vld [tilespmem:$0xB0];
	_ =	sdelay $0x4  }
0xf8: {  	v11 =	vshrl.u32 v3, $0x3  }
0xf9: {  	v4 =	vmul.u32 $0x30, v11  }
0xfa: {  	v3 =	vand.u32 $0x7, v3  }
0xfb: {  	v3 =	vor.u32 v3, v4  }
0xfc: {  	v4 =	vperm.xlane v3, v0;
	_ =	sdelay $0x1  }
0xfd: {  	v4 =	vadd.s32 v1, v4;
	_ =	sdelay $0x3  }
0xfe: {  	s26 =	simm.s32 $0x9400;
	v3 =	vperm.xlane v3, v2  }
0xff: {  	[tilespmem:s26], [sflag:$0x1] =	stream.indirect_vreg.gather [hbm4b:s2+s3], $0x80, v4, vm0, $0xb8;
	[tilespmem:$0x18400] =	vst v63  }
0x100: {  	s25 =	simm.s32 $0x9C00;
	v3 =	vadd.s32 v1, v3  }
0x101: {  	[tilespmem:s25], [sflag:$0x1] =	stream.indirect_vreg.gather [hbm4b:s5+s3], $0x80, v4, vm0, $0xb8;
	[tilespmem:$0x18400] =	vst v63  }
0x102: {  	s26 =	simm.s32 $0xA400  }
0x103: {  	[tilespmem:s26], [sflag:$0x1] =	stream.indirect_vreg.gather [hbm4b:s6+s3], $0x80, v4, vm0, $0xb8;
	[tilespmem:$0x18400] =	vst v63  }
0x104: {  	s7 =	simm.s32 $0xAC00  }
0x105: {  	[tilespmem:s7], [sflag:$0x1] =	stream.indirect_vreg.gather [hbm4b:s2+s3], $0x80, v3, vm0, $0xb8;
	[tilespmem:$0x18400] =	vst v63  }
0x106: {  	s13 =	simm.s32 $0xB400  }
0x107: {  	[tilespmem:s13], [sflag:$0x1] =	stream.indirect_vreg.gather [hbm4b:s5+s3], $0x80, v3, vm0, $0xb8;
	[tilespmem:$0x18400] =	vst v63  }
0x108: {  	s28 =	simm.s32 $0xBC00  }
0x109: {  	[tilespmem:s28], [sflag:$0x1] =	stream.indirect_vreg.gather [hbm4b:s6+s3], $0x80, v3, vm0, $0xb8;
	[tilespmem:$0x18400] =	vst v63  }
0x10a: {  	_ =	swait.ge [sflag:s10], $0xC000  }
0x10b: {  	[sflag:s10] =	ssyncset.done $0x0  }
0x10c: {  	s28 =	rddreg [dreg:$0x4];
	[sflag:s10] =	ssyncadd.s32 $0xFFFF4000  }
0x10d: {  	[hbm4b:s28+s3] =	stream.linear.scatter [tilespmem:s4], [sflag:$0x4], $0xC000, $0x38;
	[tilespmem:$0x18400] =	vst v63  }
0x10e: {  	_ =	swait.ge [sflag:s11], $0xC000  }
0x10f: {  	[sflag:s11] =	ssyncset.done $0x0  }
0x110: {  	[sflag:s11] =	ssyncadd.s32 $0xFFFF4000  }
0x111: {  	v3 =	vld [tilespmem:$0xC0];
	_ =	sdelay $0x4  }
0x112: {  	v12 =	vshrl.u32 v3, $0x3  }
0x113: {  	v4 =	vmul.u32 $0x30, v12  }
0x114: {  	v3 =	vand.u32 $0x7, v3  }
0x115: {  	v3 =	vor.u32 v3, v4  }
0x116: {  	v4 =	vperm.xlane v3, v0;
	_ =	sdelay $0x1  }
0x117: {  	v4 =	vadd.s32 v1, v4;
	_ =	sdelay $0x3  }
0x118: {  	v3 =	vperm.xlane v3, v2  }
0x119: {  	[tilespmem:s4], [sflag:$0x2] =	stream.indirect_vreg.gather [hbm4b:s2+s3], $0x80, v4, vm0, $0xb8;
	[tilespmem:$0x18400] =	vst v63  }
0x11a: {  	s28 =	simm.s32 $0xCC00;
	v3 =	vadd.s32 v1, v3  }
0x11b: {  	[tilespmem:s28], [sflag:$0x2] =	stream.indirect_vreg.gather [hbm4b:s5+s3], $0x80, v4, vm0, $0xb8;
	[tilespmem:$0x18400] =	vst v63  }
0x11c: {  	s12 =	simm.s32 $0xD400  }
0x11d: {  	[tilespmem:s12], [sflag:$0x2] =	stream.indirect_vreg.gather [hbm4b:s6+s3], $0x80, v4, vm0, $0xb8;
	[tilespmem:$0x18400] =	vst v63  }
0x11e: {  	s12 =	simm.s32 $0xDC00  }
0x11f: {  	[tilespmem:s12], [sflag:$0x2] =	stream.indirect_vreg.gather [hbm4b:s2+s3], $0x80, v3, vm0, $0xb8;
	[tilespmem:$0x18400] =	vst v63  }
0x120: {  	s12 =	simm.s32 $0xE400  }
0x121: {  	[tilespmem:s12], [sflag:$0x2] =	stream.indirect_vreg.gather [hbm4b:s5+s3], $0x80, v3, vm0, $0xb8;
	[tilespmem:$0x18400] =	vst v63  }
0x122: {  	s12 =	simm.s32 $0xEC00  }
0x123: {  	[tilespmem:s12], [sflag:$0x2] =	stream.indirect_vreg.gather [hbm4b:s6+s3], $0x80, v3, vm0, $0xb8;
	[tilespmem:$0x18400] =	vst v63  }
0x124: {  	v3 =	vld [tilespmem:$0xD0];
	_ =	sdelay $0x4  }
0x125: {  	v13 =	vshrl.u32 v3, $0x3  }
0x126: {  	v4 =	vmul.u32 $0x30, v13  }
0x127: {  	v3 =	vand.u32 $0x7, v3  }
0x128: {  	v3 =	vor.u32 v3, v4  }
0x129: {  	v4 =	vperm.xlane v3, v0;
	_ =	sdelay $0x1  }
0x12a: {  	v4 =	vadd.s32 v1, v4;
	_ =	sdelay $0x3  }
0x12b: {  	s29 =	simm.s32 $0xF400;
	v3 =	vperm.xlane v3, v2  }
0x12c: {  	[tilespmem:s29], [sflag:$0x2] =	stream.indirect_vreg.gather [hbm4b:s2+s3], $0x80, v4, vm0, $0xb8;
	[tilespmem:$0x18400] =	vst v63  }
0x12d: {  	v3 =	vadd.s32 v1, v3;
	s29 =	simm.s32 $0xFC00  }
0x12e: {  	[tilespmem:s29], [sflag:$0x2] =	stream.indirect_vreg.gather [hbm4b:s5+s3], $0x80, v4, vm0, $0xb8;
	[tilespmem:$0x18400] =	vst v63  }
0x12f: {  	s12 =	simm.s32 $0x10400  }
0x130: {  	[tilespmem:s12], [sflag:$0x2] =	stream.indirect_vreg.gather [hbm4b:s6+s3], $0x80, v4, vm0, $0xb8;
	[tilespmem:$0x18400] =	vst v63  }
0x131: {  	s12 =	simm.s32 $0x10C00  }
0x132: {  	[tilespmem:s12], [sflag:$0x2] =	stream.indirect_vreg.gather [hbm4b:s2+s3], $0x80, v3, vm0, $0xb8;
	[tilespmem:$0x18400] =	vst v63  }
0x133: {  	s12 =	simm.s32 $0x11400  }
0x134: {  	[tilespmem:s12], [sflag:$0x2] =	stream.indirect_vreg.gather [hbm4b:s5+s3], $0x80, v3, vm0, $0xb8;
	[tilespmem:$0x18400] =	vst v63  }
0x135: {  	s30 =	simm.s32 $0x11C00  }
0x136: {  	[tilespmem:s30], [sflag:$0x2] =	stream.indirect_vreg.gather [hbm4b:s6+s3], $0x80, v3, vm0, $0xb8;
	[tilespmem:$0x18400] =	vst v63  }
0x137: {  	v3 =	vld [tilespmem:$0xE0];
	_ =	sdelay $0x4  }
0x138: {  	v14 =	vshrl.u32 v3, $0x3  }
0x139: {  	v4 =	vmul.u32 $0x30, v14  }
0x13a: {  	v3 =	vand.u32 $0x7, v3  }
0x13b: {  	v3 =	vor.u32 v3, v4  }
0x13c: {  	v4 =	vperm.xlane v3, v0;
	_ =	sdelay $0x1  }
0x13d: {  	v4 =	vadd.s32 v1, v4;
	_ =	sdelay $0x3  }
0x13e: {  	s31 =	simm.s32 $0x12400;
	v3 =	vperm.xlane v3, v2  }
0x13f: {  	[tilespmem:s31], [sflag:$0x2] =	stream.indirect_vreg.gather [hbm4b:s2+s3], $0x80, v4, vm0, $0xb8;
	[tilespmem:$0x18400] =	vst v63  }
0x140: {  	s30 =	simm.s32 $0x12C00;
	v3 =	vadd.s32 v1, v3  }
0x141: {  	[tilespmem:s30], [sflag:$0x2] =	stream.indirect_vreg.gather [hbm4b:s5+s3], $0x80, v4, vm0, $0xb8;
	[tilespmem:$0x18400] =	vst v63  }
0x142: {  	s31 =	simm.s32 $0x13400  }
0x143: {  	[tilespmem:s31], [sflag:$0x2] =	stream.indirect_vreg.gather [hbm4b:s6+s3], $0x80, v4, vm0, $0xb8;
	[tilespmem:$0x18400] =	vst v63  }
0x144: {  	s12 =	simm.s32 $0x13C00  }
0x145: {  	[tilespmem:s12], [sflag:$0x2] =	stream.indirect_vreg.gather [hbm4b:s2+s3], $0x80, v3, vm0, $0xb8;
	[tilespmem:$0x18400] =	vst v63  }
0x146: {  	s12 =	simm.s32 $0x14400  }
0x147: {  	[tilespmem:s12], [sflag:$0x2] =	stream.indirect_vreg.gather [hbm4b:s5+s3], $0x80, v3, vm0, $0xb8;
	[tilespmem:$0x18400] =	vst v63  }
0x148: {  	s12 =	simm.s32 $0x14C00  }
0x149: {  	[tilespmem:s12], [sflag:$0x2] =	stream.indirect_vreg.gather [hbm4b:s6+s3], $0x80, v3, vm0, $0xb8;
	[tilespmem:$0x18400] =	vst v63  }
0x14a: {  	v3 =	vld [tilespmem:$0xF0];
	_ =	sdelay $0x4  }
0x14b: {  	v15 =	vshrl.u32 v3, $0x3  }
0x14c: {  	v4 =	vmul.u32 $0x30, v15  }
0x14d: {  	v3 =	vand.u32 $0x7, v3  }
0x14e: {  	v3 =	vor.u32 v3, v4  }
0x14f: {  	v4 =	vperm.xlane v3, v0;
	_ =	sdelay $0x1  }
0x150: {  	v4 =	vadd.s32 v1, v4;
	_ =	sdelay $0x3  }
0x151: {  	s12 =	simm.s32 $0x15400;
	v3 =	vperm.xlane v3, v2  }
0x152: {  	[tilespmem:s12], [sflag:$0x2] =	stream.indirect_vreg.gather [hbm4b:s2+s3], $0x80, v4, vm0, $0xb8;
	[tilespmem:$0x18400] =	vst v63  }
0x153: {  	v3 =	vadd.s32 v1, v3;
	s12 =	simm.s32 $0x15C00  }
0x154: {  	[tilespmem:s12], [sflag:$0x2] =	stream.indirect_vreg.gather [hbm4b:s5+s3], $0x80, v4, vm0, $0xb8;
	[tilespmem:$0x18400] =	vst v63  }
0x155: {  	s12 =	simm.s32 $0x16400  }
0x156: {  	[tilespmem:s12], [sflag:$0x2] =	stream.indirect_vreg.gather [hbm4b:s6+s3], $0x80, v4, vm0, $0xb8;
	[tilespmem:$0x18400] =	vst v63  }
0x157: {  	s12 =	simm.s32 $0x16C00  }
0x158: {  	[tilespmem:s12], [sflag:$0x2] =	stream.indirect_vreg.gather [hbm4b:s2+s3], $0x80, v3, vm0, $0xb8;
	[tilespmem:$0x18400] =	vst v63  }
0x159: {  	s12 =	simm.s32 $0x17400  }
0x15a: {  	[tilespmem:s12], [sflag:$0x2] =	stream.indirect_vreg.gather [hbm4b:s5+s3], $0x80, v3, vm0, $0xb8;
	[tilespmem:$0x18400] =	vst v63  }
0x15b: {  	s12 =	simm.s32 $0x17C00  }
0x15c: {  	[tilespmem:s12], [sflag:$0x2] =	stream.indirect_vreg.gather [hbm4b:s6+s3], $0x80, v3, vm0, $0xb8;
	[tilespmem:$0x18400] =	vst v63  }
0x15d: {  	_ =	swait.ge [sflag:s0], $0xC000  }
0x15e: {  	[sflag:s0] =	ssyncset.done $0x0  }
0x15f: {  	s12 =	rddreg [dreg:$0x5];
	[sflag:s0] =	ssyncadd.s32 $0xFFFF4000  }
0x160: {  	[hbm4b:s12+s3] =	stream.linear.scatter [tilespmem:s14], [sflag:$0x3], $0xC000, $0x38;
	[tilespmem:$0x18400] =	vst v63  }
0x161: {  	_ =	swait.ge [sflag:s8], $0xC000  }
0x162: {  	[sflag:s8] =	ssyncset.done $0x0  }
0x163: {  	[sflag:s8] =	ssyncadd.s32 $0xFFFF4000  }
0x164: {  	v3 =	vld [tilespmem:$0x100];
	_ =	sdelay $0x4  }
0x165: {  	v16 =	vshrl.u32 v3, $0x3  }
0x166: {  	v4 =	vmul.u32 $0x30, v16  }
0x167: {  	v3 =	vand.u32 $0x7, v3  }
0x168: {  	v3 =	vor.u32 v3, v4  }
0x169: {  	v4 =	vperm.xlane v3, v0;
	_ =	sdelay $0x1  }
0x16a: {  	v4 =	vadd.s32 v1, v4;
	_ =	sdelay $0x3  }
0x16b: {  	v3 =	vperm.xlane v3, v2  }
0x16c: {  	[tilespmem:s14], [sflag:$0x1] =	stream.indirect_vreg.gather [hbm4b:s2+s3], $0x80, v4, vm0, $0xb8;
	[tilespmem:$0x18400] =	vst v63  }
0x16d: {  	v3 =	vadd.s32 v1, v3  }
0x16e: {  	[tilespmem:s1], [sflag:$0x1] =	stream.indirect_vreg.gather [hbm4b:s5+s3], $0x80, v4, vm0, $0xb8;
	[tilespmem:$0x18400] =	vst v63  }
0x16f: {  	_ = 	snop  }
0x170: {  	[tilespmem:s9], [sflag:$0x1] =	stream.indirect_vreg.gather [hbm4b:s6+s3], $0x80, v4, vm0, $0xb8;
	[tilespmem:$0x18400] =	vst v63  }
0x171: {  	_ = 	snop  }
0x172: {  	[tilespmem:s15], [sflag:$0x1] =	stream.indirect_vreg.gather [hbm4b:s2+s3], $0x80, v3, vm0, $0xb8;
	[tilespmem:$0x18400] =	vst v63  }
0x173: {  	_ = 	snop  }
0x174: {  	[tilespmem:s16], [sflag:$0x1] =	stream.indirect_vreg.gather [hbm4b:s5+s3], $0x80, v3, vm0, $0xb8;
	[tilespmem:$0x18400] =	vst v63  }
0x175: {  	s16 =	simm.s32 $0x2C00  }
0x176: {  	[tilespmem:s16], [sflag:$0x1] =	stream.indirect_vreg.gather [hbm4b:s6+s3], $0x80, v3, vm0, $0xb8;
	[tilespmem:$0x18400] =	vst v63  }
0x177: {  	v3 =	vld [tilespmem:$0x110];
	_ =	sdelay $0x4  }
0x178: {  	v17 =	vshrl.u32 v3, $0x3  }
0x179: {  	v4 =	vmul.u32 $0x30, v17  }
0x17a: {  	v3 =	vand.u32 $0x7, v3  }
0x17b: {  	v3 =	vor.u32 v3, v4  }
0x17c: {  	v4 =	vperm.xlane v3, v0;
	_ =	sdelay $0x1  }
0x17d: {  	v4 =	vadd.s32 v1, v4;
	_ =	sdelay $0x3  }
0x17e: {  	s16 =	simm.s32 $0x3400;
	v3 =	vperm.xlane v3, v2  }
0x17f: {  	[tilespmem:s16], [sflag:$0x1] =	stream.indirect_vreg.gather [hbm4b:s2+s3], $0x80, v4, vm0, $0xb8;
	[tilespmem:$0x18400] =	vst v63  }
0x180: {  	v3 =	vadd.s32 v1, v3  }
0x181: {  	[tilespmem:s17], [sflag:$0x1] =	stream.indirect_vreg.gather [hbm4b:s5+s3], $0x80, v4, vm0, $0xb8;
	[tilespmem:$0x18400] =	vst v63  }
0x182: {  	_ = 	snop  }
0x183: {  	[tilespmem:s18], [sflag:$0x1] =	stream.indirect_vreg.gather [hbm4b:s6+s3], $0x80, v4, vm0, $0xb8;
	[tilespmem:$0x18400] =	vst v63  }
0x184: {  	_ = 	snop  }
0x185: {  	[tilespmem:s19], [sflag:$0x1] =	stream.indirect_vreg.gather [hbm4b:s2+s3], $0x80, v3, vm0, $0xb8;
	[tilespmem:$0x18400] =	vst v63  }
0x186: {  	_ = 	snop  }
0x187: {  	[tilespmem:s20], [sflag:$0x1] =	stream.indirect_vreg.gather [hbm4b:s5+s3], $0x80, v3, vm0, $0xb8;
	[tilespmem:$0x18400] =	vst v63  }
0x188: {  	s20 =	simm.s32 $0x5C00  }
0x189: {  	[tilespmem:s20], [sflag:$0x1] =	stream.indirect_vreg.gather [hbm4b:s6+s3], $0x80, v3, vm0, $0xb8;
	[tilespmem:$0x18400] =	vst v63  }
0x18a: {  	v3 =	vld [tilespmem:$0x120];
	_ =	sdelay $0x4  }
0x18b: {  	v18 =	vshrl.u32 v3, $0x3  }
0x18c: {  	v4 =	vmul.u32 $0x30, v18  }
0x18d: {  	v3 =	vand.u32 $0x7, v3  }
0x18e: {  	v3 =	vor.u32 v3, v4  }
0x18f: {  	v4 =	vperm.xlane v3, v0;
	_ =	sdelay $0x1  }
0x190: {  	v4 =	vadd.s32 v1, v4;
	_ =	sdelay $0x3  }
0x191: {  	s20 =	simm.s32 $0x6400;
	v3 =	vperm.xlane v3, v2  }
0x192: {  	[tilespmem:s20], [sflag:$0x1] =	stream.indirect_vreg.gather [hbm4b:s2+s3], $0x80, v4, vm0, $0xb8;
	[tilespmem:$0x18400] =	vst v63  }
0x193: {  	v3 =	vadd.s32 v1, v3  }
0x194: {  	[tilespmem:s21], [sflag:$0x1] =	stream.indirect_vreg.gather [hbm4b:s5+s3], $0x80, v4, vm0, $0xb8;
	[tilespmem:$0x18400] =	vst v63  }
0x195: {  	_ = 	snop  }
0x196: {  	[tilespmem:s22], [sflag:$0x1] =	stream.indirect_vreg.gather [hbm4b:s6+s3], $0x80, v4, vm0, $0xb8;
	[tilespmem:$0x18400] =	vst v63  }
0x197: {  	_ = 	snop  }
0x198: {  	[tilespmem:s23], [sflag:$0x1] =	stream.indirect_vreg.gather [hbm4b:s2+s3], $0x80, v3, vm0, $0xb8;
	[tilespmem:$0x18400] =	vst v63  }
0x199: {  	_ = 	snop  }
0x19a: {  	[tilespmem:s24], [sflag:$0x1] =	stream.indirect_vreg.gather [hbm4b:s5+s3], $0x80, v3, vm0, $0xb8;
	[tilespmem:$0x18400] =	vst v63  }
0x19b: {  	s24 =	simm.s32 $0x8C00  }
0x19c: {  	[tilespmem:s24], [sflag:$0x1] =	stream.indirect_vreg.gather [hbm4b:s6+s3], $0x80, v3, vm0, $0xb8;
	[tilespmem:$0x18400] =	vst v63  }
0x19d: {  	v3 =	vld [tilespmem:$0x130];
	_ =	sdelay $0x4  }
0x19e: {  	v19 =	vshrl.u32 v3, $0x3  }
0x19f: {  	v4 =	vmul.u32 $0x30, v19  }
0x1a0: {  	v3 =	vand.u32 $0x7, v3  }
0x1a1: {  	v3 =	vor.u32 v3, v4  }
0x1a2: {  	v4 =	vperm.xlane v3, v0;
	_ =	sdelay $0x1  }
0x1a3: {  	v4 =	vadd.s32 v1, v4;
	_ =	sdelay $0x3  }
0x1a4: {  	s24 =	simm.s32 $0x9400;
	v3 =	vperm.xlane v3, v2  }
0x1a5: {  	[tilespmem:s24], [sflag:$0x1] =	stream.indirect_vreg.gather [hbm4b:s2+s3], $0x80, v4, vm0, $0xb8;
	[tilespmem:$0x18400] =	vst v63  }
0x1a6: {  	v3 =	vadd.s32 v1, v3  }
0x1a7: {  	[tilespmem:s25], [sflag:$0x1] =	stream.indirect_vreg.gather [hbm4b:s5+s3], $0x80, v4, vm0, $0xb8;
	[tilespmem:$0x18400] =	vst v63  }
0x1a8: {  	_ = 	snop  }
0x1a9: {  	[tilespmem:s26], [sflag:$0x1] =	stream.indirect_vreg.gather [hbm4b:s6+s3], $0x80, v4, vm0, $0xb8;
	[tilespmem:$0x18400] =	vst v63  }
0x1aa: {  	_ = 	snop  }
0x1ab: {  	[tilespmem:s7], [sflag:$0x1] =	stream.indirect_vreg.gather [hbm4b:s2+s3], $0x80, v3, vm0, $0xb8;
	[tilespmem:$0x18400] =	vst v63  }
0x1ac: {  	_ = 	snop  }
0x1ad: {  	[tilespmem:s13], [sflag:$0x1] =	stream.indirect_vreg.gather [hbm4b:s5+s3], $0x80, v3, vm0, $0xb8;
	[tilespmem:$0x18400] =	vst v63  }
0x1ae: {  	s26 =	simm.s32 $0xBC00  }
0x1af: {  	[tilespmem:s26], [sflag:$0x1] =	stream.indirect_vreg.gather [hbm4b:s6+s3], $0x80, v3, vm0, $0xb8;
	[tilespmem:$0x18400] =	vst v63  }
0x1b0: {  	_ =	swait.ge [sflag:s10], $0xC000  }
0x1b1: {  	[sflag:s10] =	ssyncset.done $0x0  }
0x1b2: {  	s26 =	rddreg [dreg:$0x6];
	[sflag:s10] =	ssyncadd.s32 $0xFFFF4000  }
0x1b3: {  	[hbm4b:s26+s3] =	stream.linear.scatter [tilespmem:s4], [sflag:$0x4], $0xC000, $0x38;
	[tilespmem:$0x18400] =	vst v63  }
0x1b4: {  	_ =	swait.ge [sflag:s11], $0xC000  }
0x1b5: {  	[sflag:s11] =	ssyncset.done $0x0  }
0x1b6: {  	[sflag:s11] =	ssyncadd.s32 $0xFFFF4000  }
0x1b7: {  	v3 =	vld [tilespmem:$0x140];
	_ =	sdelay $0x4  }
0x1b8: {  	v20 =	vshrl.u32 v3, $0x3  }
0x1b9: {  	v4 =	vmul.u32 $0x30, v20  }
0x1ba: {  	v3 =	vand.u32 $0x7, v3  }
0x1bb: {  	v3 =	vor.u32 v3, v4  }
0x1bc: {  	v4 =	vperm.xlane v3, v0;
	_ =	sdelay $0x1  }
0x1bd: {  	v4 =	vadd.s32 v1, v4;
	_ =	sdelay $0x3  }
0x1be: {  	v3 =	vperm.xlane v3, v2  }
0x1bf: {  	[tilespmem:s4], [sflag:$0x2] =	stream.indirect_vreg.gather [hbm4b:s2+s3], $0x80, v4, vm0, $0xb8;
	[tilespmem:$0x18400] =	vst v63  }
0x1c0: {  	s28 =	simm.s32 $0xCC00;
	v3 =	vadd.s32 v1, v3  }
0x1c1: {  	[tilespmem:s28], [sflag:$0x2] =	stream.indirect_vreg.gather [hbm4b:s5+s3], $0x80, v4, vm0, $0xb8;
	[tilespmem:$0x18400] =	vst v63  }
0x1c2: {  	s28 =	simm.s32 $0xD400  }
0x1c3: {  	[tilespmem:s28], [sflag:$0x2] =	stream.indirect_vreg.gather [hbm4b:s6+s3], $0x80, v4, vm0, $0xb8;
	[tilespmem:$0x18400] =	vst v63  }
0x1c4: {  	s12 =	simm.s32 $0xDC00  }
0x1c5: {  	[tilespmem:s12], [sflag:$0x2] =	stream.indirect_vreg.gather [hbm4b:s2+s3], $0x80, v3, vm0, $0xb8;
	[tilespmem:$0x18400] =	vst v63  }
0x1c6: {  	s12 =	simm.s32 $0xE400  }
0x1c7: {  	[tilespmem:s12], [sflag:$0x2] =	stream.indirect_vreg.gather [hbm4b:s5+s3], $0x80, v3, vm0, $0xb8;
	[tilespmem:$0x18400] =	vst v63  }
0x1c8: {  	s12 =	simm.s32 $0xEC00  }
0x1c9: {  	[tilespmem:s12], [sflag:$0x2] =	stream.indirect_vreg.gather [hbm4b:s6+s3], $0x80, v3, vm0, $0xb8;
	[tilespmem:$0x18400] =	vst v63  }
0x1ca: {  	v3 =	vld [tilespmem:$0x150];
	_ =	sdelay $0x4  }
0x1cb: {  	v21 =	vshrl.u32 v3, $0x3  }
0x1cc: {  	v4 =	vmul.u32 $0x30, v21  }
0x1cd: {  	v3 =	vand.u32 $0x7, v3  }
0x1ce: {  	v3 =	vor.u32 v3, v4  }
0x1cf: {  	v4 =	vperm.xlane v3, v0;
	_ =	sdelay $0x1  }
0x1d0: {  	v4 =	vadd.s32 v1, v4;
	_ =	sdelay $0x3  }
0x1d1: {  	s12 =	simm.s32 $0xF400;
	v3 =	vperm.xlane v3, v2  }
0x1d2: {  	[tilespmem:s12], [sflag:$0x2] =	stream.indirect_vreg.gather [hbm4b:s2+s3], $0x80, v4, vm0, $0xb8;
	[tilespmem:$0x18400] =	vst v63  }
0x1d3: {  	s29 =	simm.s32 $0xFC00;
	v3 =	vadd.s32 v1, v3  }
0x1d4: {  	[tilespmem:s29], [sflag:$0x2] =	stream.indirect_vreg.gather [hbm4b:s5+s3], $0x80, v4, vm0, $0xb8;
	[tilespmem:$0x18400] =	vst v63  }
0x1d5: {  	s12 =	simm.s32 $0x10400  }
0x1d6: {  	[tilespmem:s12], [sflag:$0x2] =	stream.indirect_vreg.gather [hbm4b:s6+s3], $0x80, v4, vm0, $0xb8;
	[tilespmem:$0x18400] =	vst v63  }
0x1d7: {  	s12 =	simm.s32 $0x10C00  }
0x1d8: {  	[tilespmem:s12], [sflag:$0x2] =	stream.indirect_vreg.gather [hbm4b:s2+s3], $0x80, v3, vm0, $0xb8;
	[tilespmem:$0x18400] =	vst v63  }
0x1d9: {  	s12 =	simm.s32 $0x11400  }
0x1da: {  	[tilespmem:s12], [sflag:$0x2] =	stream.indirect_vreg.gather [hbm4b:s5+s3], $0x80, v3, vm0, $0xb8;
	[tilespmem:$0x18400] =	vst v63  }
0x1db: {  	s12 =	simm.s32 $0x11C00  }
0x1dc: {  	[tilespmem:s12], [sflag:$0x2] =	stream.indirect_vreg.gather [hbm4b:s6+s3], $0x80, v3, vm0, $0xb8;
	[tilespmem:$0x18400] =	vst v63  }
0x1dd: {  	v3 =	vld [tilespmem:$0x160];
	_ =	sdelay $0x4  }
0x1de: {  	v22 =	vshrl.u32 v3, $0x3  }
0x1df: {  	v4 =	vmul.u32 $0x30, v22  }
0x1e0: {  	v3 =	vand.u32 $0x7, v3  }
0x1e1: {  	v3 =	vor.u32 v3, v4  }
0x1e2: {  	v4 =	vperm.xlane v3, v0;
	_ =	sdelay $0x1  }
0x1e3: {  	v4 =	vadd.s32 v1, v4;
	_ =	sdelay $0x3  }
0x1e4: {  	s12 =	simm.s32 $0x12400;
	v3 =	vperm.xlane v3, v2  }
0x1e5: {  	[tilespmem:s12], [sflag:$0x2] =	stream.indirect_vreg.gather [hbm4b:s2+s3], $0x80, v4, vm0, $0xb8;
	[tilespmem:$0x18400] =	vst v63  }
0x1e6: {  	s30 =	simm.s32 $0x12C00;
	v3 =	vadd.s32 v1, v3  }
0x1e7: {  	[tilespmem:s30], [sflag:$0x2] =	stream.indirect_vreg.gather [hbm4b:s5+s3], $0x80, v4, vm0, $0xb8;
	[tilespmem:$0x18400] =	vst v63  }
0x1e8: {  	s31 =	simm.s32 $0x13400  }
0x1e9: {  	[tilespmem:s31], [sflag:$0x2] =	stream.indirect_vreg.gather [hbm4b:s6+s3], $0x80, v4, vm0, $0xb8;
	[tilespmem:$0x18400] =	vst v63  }
0x1ea: {  	s12 =	simm.s32 $0x13C00  }
0x1eb: {  	[tilespmem:s12], [sflag:$0x2] =	stream.indirect_vreg.gather [hbm4b:s2+s3], $0x80, v3, vm0, $0xb8;
	[tilespmem:$0x18400] =	vst v63  }
0x1ec: {  	s12 =	simm.s32 $0x14400  }
0x1ed: {  	[tilespmem:s12], [sflag:$0x2] =	stream.indirect_vreg.gather [hbm4b:s5+s3], $0x80, v3, vm0, $0xb8;
	[tilespmem:$0x18400] =	vst v63  }
0x1ee: {  	s12 =	simm.s32 $0x14C00  }
0x1ef: {  	[tilespmem:s12], [sflag:$0x2] =	stream.indirect_vreg.gather [hbm4b:s6+s3], $0x80, v3, vm0, $0xb8;
	[tilespmem:$0x18400] =	vst v63  }
0x1f0: {  	v3 =	vld [tilespmem:$0x170];
	_ =	sdelay $0x4  }
0x1f1: {  	v23 =	vshrl.u32 v3, $0x3  }
0x1f2: {  	v4 =	vmul.u32 $0x30, v23  }
0x1f3: {  	v3 =	vand.u32 $0x7, v3  }
0x1f4: {  	v3 =	vor.u32 v3, v4  }
0x1f5: {  	v4 =	vperm.xlane v3, v0;
	_ =	sdelay $0x1  }
0x1f6: {  	v4 =	vadd.s32 v1, v4;
	_ =	sdelay $0x3  }
0x1f7: {  	s12 =	simm.s32 $0x15400;
	v3 =	vperm.xlane v3, v2  }
0x1f8: {  	[tilespmem:s12], [sflag:$0x2] =	stream.indirect_vreg.gather [hbm4b:s2+s3], $0x80, v4, vm0, $0xb8;
	[tilespmem:$0x18400] =	vst v63  }
0x1f9: {  	v3 =	vadd.s32 v1, v3;
	s12 =	simm.s32 $0x15C00  }
0x1fa: {  	[tilespmem:s12], [sflag:$0x2] =	stream.indirect_vreg.gather [hbm4b:s5+s3], $0x80, v4, vm0, $0xb8;
	[tilespmem:$0x18400] =	vst v63  }
0x1fb: {  	s12 =	simm.s32 $0x16400  }
0x1fc: {  	[tilespmem:s12], [sflag:$0x2] =	stream.indirect_vreg.gather [hbm4b:s6+s3], $0x80, v4, vm0, $0xb8;
	[tilespmem:$0x18400] =	vst v63  }
0x1fd: {  	s12 =	simm.s32 $0x16C00  }
0x1fe: {  	[tilespmem:s12], [sflag:$0x2] =	stream.indirect_vreg.gather [hbm4b:s2+s3], $0x80, v3, vm0, $0xb8;
	[tilespmem:$0x18400] =	vst v63  }
0x1ff: {  	s12 =	simm.s32 $0x17400  }
0x200: {  	[tilespmem:s12], [sflag:$0x2] =	stream.indirect_vreg.gather [hbm4b:s5+s3], $0x80, v3, vm0, $0xb8;
	[tilespmem:$0x18400] =	vst v63  }
0x201: {  	s12 =	simm.s32 $0x17C00  }
0x202: {  	[tilespmem:s12], [sflag:$0x2] =	stream.indirect_vreg.gather [hbm4b:s6+s3], $0x80, v3, vm0, $0xb8;
	[tilespmem:$0x18400] =	vst v63  }
0x203: {  	_ =	swait.ge [sflag:s0], $0xC000  }
0x204: {  	[sflag:s0] =	ssyncset.done $0x0  }
0x205: {  	s12 =	rddreg [dreg:$0x7];
	[sflag:s0] =	ssyncadd.s32 $0xFFFF4000  }
0x206: {  	[hbm4b:s12+s3] =	stream.linear.scatter [tilespmem:s14], [sflag:$0x3], $0xC000, $0x38;
	[tilespmem:$0x18400] =	vst v63  }
0x207: {  	_ =	swait.ge [sflag:s8], $0xC000  }
0x208: {  	[sflag:s8] =	ssyncset.done $0x0  }
0x209: {  	[sflag:s8] =	ssyncadd.s32 $0xFFFF4000  }
0x20a: {  	v3 =	vld [tilespmem:$0x180];
	_ =	sdelay $0x4  }
0x20b: {  	v24 =	vshrl.u32 v3, $0x3  }
0x20c: {  	v4 =	vmul.u32 $0x30, v24  }
0x20d: {  	v3 =	vand.u32 $0x7, v3  }
0x20e: {  	v3 =	vor.u32 v3, v4  }
0x20f: {  	v4 =	vperm.xlane v3, v0;
	_ =	sdelay $0x1  }
0x210: {  	v4 =	vadd.s32 v1, v4;
	_ =	sdelay $0x3  }
0x211: {  	v3 =	vperm.xlane v3, v2  }
0x212: {  	[tilespmem:s14], [sflag:$0x1] =	stream.indirect_vreg.gather [hbm4b:s2+s3], $0x80, v4, vm0, $0xb8;
	[tilespmem:$0x18400] =	vst v63  }
0x213: {  	s12 =	simm.s32 $0xC00;
	v3 =	vadd.s32 v1, v3  }
0x214: {  	[tilespmem:s12], [sflag:$0x1] =	stream.indirect_vreg.gather [hbm4b:s5+s3], $0x80, v4, vm0, $0xb8;
	[tilespmem:$0x18400] =	vst v63  }
0x215: {  	s1 =	simm.s32 $0x1400  }
0x216: {  	[tilespmem:s1], [sflag:$0x1] =	stream.indirect_vreg.gather [hbm4b:s6+s3], $0x80, v4, vm0, $0xb8;
	[tilespmem:$0x18400] =	vst v63  }
0x217: {  	s15 =	simm.s32 $0x1C00  }
0x218: {  	[tilespmem:s15], [sflag:$0x1] =	stream.indirect_vreg.gather [hbm4b:s2+s3], $0x80, v3, vm0, $0xb8;
	[tilespmem:$0x18400] =	vst v63  }
0x219: {  	s9 =	simm.s32 $0x2400  }
0x21a: {  	[tilespmem:s9], [sflag:$0x1] =	stream.indirect_vreg.gather [hbm4b:s5+s3], $0x80, v3, vm0, $0xb8;
	[tilespmem:$0x18400] =	vst v63  }
0x21b: {  	s12 =	simm.s32 $0x2C00  }
0x21c: {  	[tilespmem:s12], [sflag:$0x1] =	stream.indirect_vreg.gather [hbm4b:s6+s3], $0x80, v3, vm0, $0xb8;
	[tilespmem:$0x18400] =	vst v63  }
0x21d: {  	v3 =	vld [tilespmem:$0x190];
	_ =	sdelay $0x4  }
0x21e: {  	v25 =	vshrl.u32 v3, $0x3  }
0x21f: {  	v4 =	vmul.u32 $0x30, v25  }
0x220: {  	v3 =	vand.u32 $0x7, v3  }
0x221: {  	v3 =	vor.u32 v3, v4  }
0x222: {  	v4 =	vperm.xlane v3, v0;
	_ =	sdelay $0x1  }
0x223: {  	v4 =	vadd.s32 v1, v4;
	_ =	sdelay $0x3  }
0x224: {  	s12 =	simm.s32 $0x3400;
	v3 =	vperm.xlane v3, v2  }
0x225: {  	[tilespmem:s12], [sflag:$0x1] =	stream.indirect_vreg.gather [hbm4b:s2+s3], $0x80, v4, vm0, $0xb8;
	[tilespmem:$0x18400] =	vst v63  }
0x226: {  	s16 =	simm.s32 $0x3C00;
	v3 =	vadd.s32 v1, v3  }
0x227: {  	[tilespmem:s16], [sflag:$0x1] =	stream.indirect_vreg.gather [hbm4b:s5+s3], $0x80, v4, vm0, $0xb8;
	[tilespmem:$0x18400] =	vst v63  }
0x228: {  	s17 =	simm.s32 $0x4400  }
0x229: {  	[tilespmem:s17], [sflag:$0x1] =	stream.indirect_vreg.gather [hbm4b:s6+s3], $0x80, v4, vm0, $0xb8;
	[tilespmem:$0x18400] =	vst v63  }
0x22a: {  	s18 =	simm.s32 $0x4C00  }
0x22b: {  	[tilespmem:s18], [sflag:$0x1] =	stream.indirect_vreg.gather [hbm4b:s2+s3], $0x80, v3, vm0, $0xb8;
	[tilespmem:$0x18400] =	vst v63  }
0x22c: {  	s19 =	simm.s32 $0x5400  }
0x22d: {  	[tilespmem:s19], [sflag:$0x1] =	stream.indirect_vreg.gather [hbm4b:s5+s3], $0x80, v3, vm0, $0xb8;
	[tilespmem:$0x18400] =	vst v63  }
0x22e: {  	s12 =	simm.s32 $0x5C00  }
0x22f: {  	[tilespmem:s12], [sflag:$0x1] =	stream.indirect_vreg.gather [hbm4b:s6+s3], $0x80, v3, vm0, $0xb8;
	[tilespmem:$0x18400] =	vst v63  }
0x230: {  	v3 =	vld [tilespmem:$0x1A0];
	_ =	sdelay $0x4  }
0x231: {  	v26 =	vshrl.u32 v3, $0x3  }
0x232: {  	v4 =	vmul.u32 $0x30, v26  }
0x233: {  	v3 =	vand.u32 $0x7, v3  }
0x234: {  	v3 =	vor.u32 v3, v4  }
0x235: {  	v4 =	vperm.xlane v3, v0;
	_ =	sdelay $0x1  }
0x236: {  	v4 =	vadd.s32 v1, v4;
	_ =	sdelay $0x3  }
0x237: {  	s12 =	simm.s32 $0x6400;
	v3 =	vperm.xlane v3, v2  }
0x238: {  	[tilespmem:s12], [sflag:$0x1] =	stream.indirect_vreg.gather [hbm4b:s2+s3], $0x80, v4, vm0, $0xb8;
	[tilespmem:$0x18400] =	vst v63  }
0x239: {  	s20 =	simm.s32 $0x6C00;
	v3 =	vadd.s32 v1, v3  }
0x23a: {  	[tilespmem:s20], [sflag:$0x1] =	stream.indirect_vreg.gather [hbm4b:s5+s3], $0x80, v4, vm0, $0xb8;
	[tilespmem:$0x18400] =	vst v63  }
0x23b: {  	s21 =	simm.s32 $0x7400  }
0x23c: {  	[tilespmem:s21], [sflag:$0x1] =	stream.indirect_vreg.gather [hbm4b:s6+s3], $0x80, v4, vm0, $0xb8;
	[tilespmem:$0x18400] =	vst v63  }
0x23d: {  	s22 =	simm.s32 $0x7C00  }
0x23e: {  	[tilespmem:s22], [sflag:$0x1] =	stream.indirect_vreg.gather [hbm4b:s2+s3], $0x80, v3, vm0, $0xb8;
	[tilespmem:$0x18400] =	vst v63  }
0x23f: {  	s23 =	simm.s32 $0x8400  }
0x240: {  	[tilespmem:s23], [sflag:$0x1] =	stream.indirect_vreg.gather [hbm4b:s5+s3], $0x80, v3, vm0, $0xb8;
	[tilespmem:$0x18400] =	vst v63  }
0x241: {  	s12 =	simm.s32 $0x8C00  }
0x242: {  	[tilespmem:s12], [sflag:$0x1] =	stream.indirect_vreg.gather [hbm4b:s6+s3], $0x80, v3, vm0, $0xb8;
	[tilespmem:$0x18400] =	vst v63  }
0x243: {  	v3 =	vld [tilespmem:$0x1B0];
	_ =	sdelay $0x4  }
0x244: {  	v27 =	vshrl.u32 v3, $0x3  }
0x245: {  	v4 =	vmul.u32 $0x30, v27  }
0x246: {  	v3 =	vand.u32 $0x7, v3  }
0x247: {  	v3 =	vor.u32 v3, v4  }
0x248: {  	v4 =	vperm.xlane v3, v0;
	_ =	sdelay $0x1  }
0x249: {  	v4 =	vadd.s32 v1, v4;
	_ =	sdelay $0x3  }
0x24a: {  	s12 =	simm.s32 $0x9400;
	v3 =	vperm.xlane v3, v2  }
0x24b: {  	[tilespmem:s12], [sflag:$0x1] =	stream.indirect_vreg.gather [hbm4b:s2+s3], $0x80, v4, vm0, $0xb8;
	[tilespmem:$0x18400] =	vst v63  }
0x24c: {  	s24 =	simm.s32 $0x9C00;
	v3 =	vadd.s32 v1, v3  }
0x24d: {  	[tilespmem:s24], [sflag:$0x1] =	stream.indirect_vreg.gather [hbm4b:s5+s3], $0x80, v4, vm0, $0xb8;
	[tilespmem:$0x18400] =	vst v63  }
0x24e: {  	s25 =	simm.s32 $0xA400  }
0x24f: {  	[tilespmem:s25], [sflag:$0x1] =	stream.indirect_vreg.gather [hbm4b:s6+s3], $0x80, v4, vm0, $0xb8;
	[tilespmem:$0x18400] =	vst v63  }
0x250: {  	s7 =	simm.s32 $0xAC00  }
0x251: {  	[tilespmem:s7], [sflag:$0x1] =	stream.indirect_vreg.gather [hbm4b:s2+s3], $0x80, v3, vm0, $0xb8;
	[tilespmem:$0x18400] =	vst v63  }
0x252: {  	s13 =	simm.s32 $0xB400  }
0x253: {  	[tilespmem:s13], [sflag:$0x1] =	stream.indirect_vreg.gather [hbm4b:s5+s3], $0x80, v3, vm0, $0xb8;
	[tilespmem:$0x18400] =	vst v63  }
0x254: {  	s12 =	simm.s32 $0xBC00  }
0x255: {  	[tilespmem:s12], [sflag:$0x1] =	stream.indirect_vreg.gather [hbm4b:s6+s3], $0x80, v3, vm0, $0xb8;
	[tilespmem:$0x18400] =	vst v63  }
0x256: {  	_ =	swait.ge [sflag:s10], $0xC000  }
0x257: {  	[sflag:s10] =	ssyncset.done $0x0  }
0x258: {  	s12 =	rddreg [dreg:$0x8];
	[sflag:s10] =	ssyncadd.s32 $0xFFFF4000  }
0x259: {  	[hbm4b:s12+s3] =	stream.linear.scatter [tilespmem:s4], [sflag:$0x4], $0xC000, $0x38;
	[tilespmem:$0x18400] =	vst v63  }
0x25a: {  	_ =	swait.ge [sflag:s11], $0xC000  }
0x25b: {  	[sflag:s11] =	ssyncset.done $0x0  }
0x25c: {  	[sflag:s11] =	ssyncadd.s32 $0xFFFF4000  }
0x25d: {  	v3 =	vld [tilespmem:$0x1C0];
	_ =	sdelay $0x4  }
0x25e: {  	v28 =	vshrl.u32 v3, $0x3  }
0x25f: {  	v4 =	vmul.u32 $0x30, v28  }
0x260: {  	v3 =	vand.u32 $0x7, v3  }
0x261: {  	v3 =	vor.u32 v3, v4  }
0x262: {  	v4 =	vperm.xlane v3, v0;
	_ =	sdelay $0x1  }
0x263: {  	v4 =	vadd.s32 v1, v4;
	_ =	sdelay $0x3  }
0x264: {  	v3 =	vperm.xlane v3, v2  }
0x265: {  	[tilespmem:s4], [sflag:$0x2] =	stream.indirect_vreg.gather [hbm4b:s2+s3], $0x80, v4, vm0, $0xb8;
	[tilespmem:$0x18400] =	vst v63  }
0x266: {  	s26 =	simm.s32 $0xCC00;
	v3 =	vadd.s32 v1, v3  }
0x267: {  	[tilespmem:s26], [sflag:$0x2] =	stream.indirect_vreg.gather [hbm4b:s5+s3], $0x80, v4, vm0, $0xb8;
	[tilespmem:$0x18400] =	vst v63  }
0x268: {  	s28 =	simm.s32 $0xD400  }
0x269: {  	[tilespmem:s28], [sflag:$0x2] =	stream.indirect_vreg.gather [hbm4b:s6+s3], $0x80, v4, vm0, $0xb8;
	[tilespmem:$0x18400] =	vst v63  }
0x26a: {  	s12 =	simm.s32 $0xDC00  }
0x26b: {  	[tilespmem:s12], [sflag:$0x2] =	stream.indirect_vreg.gather [hbm4b:s2+s3], $0x80, v3, vm0, $0xb8;
	[tilespmem:$0x18400] =	vst v63  }
0x26c: {  	s12 =	simm.s32 $0xE400  }
0x26d: {  	[tilespmem:s12], [sflag:$0x2] =	stream.indirect_vreg.gather [hbm4b:s5+s3], $0x80, v3, vm0, $0xb8;
	[tilespmem:$0x18400] =	vst v63  }
0x26e: {  	s12 =	simm.s32 $0xEC00  }
0x26f: {  	[tilespmem:s12], [sflag:$0x2] =	stream.indirect_vreg.gather [hbm4b:s6+s3], $0x80, v3, vm0, $0xb8;
	[tilespmem:$0x18400] =	vst v63  }
0x270: {  	v3 =	vld [tilespmem:$0x1D0];
	_ =	sdelay $0x4  }
0x271: {  	v29 =	vshrl.u32 v3, $0x3  }
0x272: {  	v4 =	vmul.u32 $0x30, v29  }
0x273: {  	v3 =	vand.u32 $0x7, v3  }
0x274: {  	v3 =	vor.u32 v3, v4  }
0x275: {  	v4 =	vperm.xlane v3, v0;
	_ =	sdelay $0x1  }
0x276: {  	v4 =	vadd.s32 v1, v4;
	_ =	sdelay $0x3  }
0x277: {  	s12 =	simm.s32 $0xF400;
	v3 =	vperm.xlane v3, v2  }
0x278: {  	[tilespmem:s12], [sflag:$0x2] =	stream.indirect_vreg.gather [hbm4b:s2+s3], $0x80, v4, vm0, $0xb8;
	[tilespmem:$0x18400] =	vst v63  }
0x279: {  	s29 =	simm.s32 $0xFC00;
	v3 =	vadd.s32 v1, v3  }
0x27a: {  	[tilespmem:s29], [sflag:$0x2] =	stream.indirect_vreg.gather [hbm4b:s5+s3], $0x80, v4, vm0, $0xb8;
	[tilespmem:$0x18400] =	vst v63  }
0x27b: {  	s12 =	simm.s32 $0x10400  }
0x27c: {  	[tilespmem:s12], [sflag:$0x2] =	stream.indirect_vreg.gather [hbm4b:s6+s3], $0x80, v4, vm0, $0xb8;
	[tilespmem:$0x18400] =	vst v63  }
0x27d: {  	s12 =	simm.s32 $0x10C00  }
0x27e: {  	[tilespmem:s12], [sflag:$0x2] =	stream.indirect_vreg.gather [hbm4b:s2+s3], $0x80, v3, vm0, $0xb8;
	[tilespmem:$0x18400] =	vst v63  }
0x27f: {  	s12 =	simm.s32 $0x11400  }
0x280: {  	[tilespmem:s12], [sflag:$0x2] =	stream.indirect_vreg.gather [hbm4b:s5+s3], $0x80, v3, vm0, $0xb8;
	[tilespmem:$0x18400] =	vst v63  }
0x281: {  	s12 =	simm.s32 $0x11C00  }
0x282: {  	[tilespmem:s12], [sflag:$0x2] =	stream.indirect_vreg.gather [hbm4b:s6+s3], $0x80, v3, vm0, $0xb8;
	[tilespmem:$0x18400] =	vst v63  }
0x283: {  	v3 =	vld [tilespmem:$0x1E0];
	_ =	sdelay $0x4  }
0x284: {  	v30 =	vshrl.u32 v3, $0x3  }
0x285: {  	v4 =	vmul.u32 $0x30, v30  }
0x286: {  	v3 =	vand.u32 $0x7, v3  }
0x287: {  	v3 =	vor.u32 v3, v4  }
0x288: {  	v4 =	vperm.xlane v3, v0;
	_ =	sdelay $0x1  }
0x289: {  	v4 =	vadd.s32 v1, v4;
	_ =	sdelay $0x3  }
0x28a: {  	s12 =	simm.s32 $0x12400;
	v3 =	vperm.xlane v3, v2  }
0x28b: {  	[tilespmem:s12], [sflag:$0x2] =	stream.indirect_vreg.gather [hbm4b:s2+s3], $0x80, v4, vm0, $0xb8;
	[tilespmem:$0x18400] =	vst v63  }
0x28c: {  	s30 =	simm.s32 $0x12C00;
	v3 =	vadd.s32 v1, v3  }
0x28d: {  	[tilespmem:s30], [sflag:$0x2] =	stream.indirect_vreg.gather [hbm4b:s5+s3], $0x80, v4, vm0, $0xb8;
	[tilespmem:$0x18400] =	vst v63  }
0x28e: {  	s31 =	simm.s32 $0x13400  }
0x28f: {  	[tilespmem:s31], [sflag:$0x2] =	stream.indirect_vreg.gather [hbm4b:s6+s3], $0x80, v4, vm0, $0xb8;
	[tilespmem:$0x18400] =	vst v63  }
0x290: {  	s12 =	simm.s32 $0x13C00  }
0x291: {  	[tilespmem:s12], [sflag:$0x2] =	stream.indirect_vreg.gather [hbm4b:s2+s3], $0x80, v3, vm0, $0xb8;
	[tilespmem:$0x18400] =	vst v63  }
0x292: {  	s12 =	simm.s32 $0x14400  }
0x293: {  	[tilespmem:s12], [sflag:$0x2] =	stream.indirect_vreg.gather [hbm4b:s5+s3], $0x80, v3, vm0, $0xb8;
	[tilespmem:$0x18400] =	vst v63  }
0x294: {  	s12 =	simm.s32 $0x14C00  }
0x295: {  	[tilespmem:s12], [sflag:$0x2] =	stream.indirect_vreg.gather [hbm4b:s6+s3], $0x80, v3, vm0, $0xb8;
	[tilespmem:$0x18400] =	vst v63  }
0x296: {  	v3 =	vld [tilespmem:$0x1F0];
	_ =	sdelay $0x4  }
0x297: {  	v31 =	vshrl.u32 v3, $0x3  }
0x298: {  	v4 =	vmul.u32 $0x30, v31  }
0x299: {  	v3 =	vand.u32 $0x7, v3  }
0x29a: {  	v3 =	vor.u32 v3, v4  }
0x29b: {  	v4 =	vperm.xlane v3, v0;
	_ =	sdelay $0x1  }
0x29c: {  	v4 =	vadd.s32 v1, v4;
	_ =	sdelay $0x3  }
0x29d: {  	s12 =	simm.s32 $0x15400;
	v3 =	vperm.xlane v3, v2  }
0x29e: {  	[tilespmem:s12], [sflag:$0x2] =	stream.indirect_vreg.gather [hbm4b:s2+s3], $0x80, v4, vm0, $0xb8;
	[tilespmem:$0x18400] =	vst v63  }
0x29f: {  	v3 =	vadd.s32 v1, v3;
	s12 =	simm.s32 $0x15C00  }
0x2a0: {  	[tilespmem:s12], [sflag:$0x2] =	stream.indirect_vreg.gather [hbm4b:s5+s3], $0x80, v4, vm0, $0xb8;
	[tilespmem:$0x18400] =	vst v63  }
0x2a1: {  	s12 =	simm.s32 $0x16400  }
0x2a2: {  	[tilespmem:s12], [sflag:$0x2] =	stream.indirect_vreg.gather [hbm4b:s6+s3], $0x80, v4, vm0, $0xb8;
	[tilespmem:$0x18400] =	vst v63  }
0x2a3: {  	s12 =	simm.s32 $0x16C00  }
0x2a4: {  	[tilespmem:s12], [sflag:$0x2] =	stream.indirect_vreg.gather [hbm4b:s2+s3], $0x80, v3, vm0, $0xb8;
	[tilespmem:$0x18400] =	vst v63  }
0x2a5: {  	s12 =	simm.s32 $0x17400  }
0x2a6: {  	[tilespmem:s12], [sflag:$0x2] =	stream.indirect_vreg.gather [hbm4b:s5+s3], $0x80, v3, vm0, $0xb8;
	[tilespmem:$0x18400] =	vst v63  }
0x2a7: {  	s12 =	simm.s32 $0x17C00  }
0x2a8: {  	[tilespmem:s12], [sflag:$0x2] =	stream.indirect_vreg.gather [hbm4b:s6+s3], $0x80, v3, vm0, $0xb8;
	[tilespmem:$0x18400] =	vst v63  }
0x2a9: {  	_ =	swait.ge [sflag:s0], $0xC000  }
0x2aa: {  	[sflag:s0] =	ssyncset.done $0x0  }
0x2ab: {  	s12 =	rddreg [dreg:$0x9];
	[sflag:s0] =	ssyncadd.s32 $0xFFFF4000  }
0x2ac: {  	[hbm4b:s12+s3] =	stream.linear.scatter [tilespmem:s14], [sflag:$0x3], $0xC000, $0x38;
	[tilespmem:$0x18400] =	vst v63  }
0x2ad: {  	_ =	swait.ge [sflag:s8], $0xC000  }
0x2ae: {  	[sflag:s8] =	ssyncset.done $0x0  }
0x2af: {  	[sflag:s8] =	ssyncadd.s32 $0xFFFF4000  }
0x2b0: {  	v3 =	vld [tilespmem:$0x200];
	_ =	sdelay $0x4  }
0x2b1: {  	v32 =	vshrl.u32 v3, $0x3  }
0x2b2: {  	v4 =	vmul.u32 $0x30, v32  }
0x2b3: {  	v3 =	vand.u32 $0x7, v3  }
0x2b4: {  	v3 =	vor.u32 v3, v4  }
0x2b5: {  	v4 =	vperm.xlane v3, v0;
	_ =	sdelay $0x1  }
0x2b6: {  	v4 =	vadd.s32 v1, v4;
	_ =	sdelay $0x3  }
0x2b7: {  	v3 =	vperm.xlane v3, v2  }
0x2b8: {  	[tilespmem:s14], [sflag:$0x1] =	stream.indirect_vreg.gather [hbm4b:s2+s3], $0x80, v4, vm0, $0xb8;
	[tilespmem:$0x18400] =	vst v63  }
0x2b9: {  	s12 =	simm.s32 $0xC00;
	v3 =	vadd.s32 v1, v3  }
0x2ba: {  	[tilespmem:s12], [sflag:$0x1] =	stream.indirect_vreg.gather [hbm4b:s5+s3], $0x80, v4, vm0, $0xb8;
	[tilespmem:$0x18400] =	vst v63  }
0x2bb: {  	s1 =	simm.s32 $0x1400  }
0x2bc: {  	[tilespmem:s1], [sflag:$0x1] =	stream.indirect_vreg.gather [hbm4b:s6+s3], $0x80, v4, vm0, $0xb8;
	[tilespmem:$0x18400] =	vst v63  }
0x2bd: {  	s15 =	simm.s32 $0x1C00  }
0x2be: {  	[tilespmem:s15], [sflag:$0x1] =	stream.indirect_vreg.gather [hbm4b:s2+s3], $0x80, v3, vm0, $0xb8;
	[tilespmem:$0x18400] =	vst v63  }
0x2bf: {  	s9 =	simm.s32 $0x2400  }
0x2c0: {  	[tilespmem:s9], [sflag:$0x1] =	stream.indirect_vreg.gather [hbm4b:s5+s3], $0x80, v3, vm0, $0xb8;
	[tilespmem:$0x18400] =	vst v63  }
0x2c1: {  	s15 =	simm.s32 $0x2C00  }
0x2c2: {  	[tilespmem:s15], [sflag:$0x1] =	stream.indirect_vreg.gather [hbm4b:s6+s3], $0x80, v3, vm0, $0xb8;
	[tilespmem:$0x18400] =	vst v63  }
0x2c3: {  	v3 =	vld [tilespmem:$0x210];
	_ =	sdelay $0x4  }
0x2c4: {  	v33 =	vshrl.u32 v3, $0x3  }
0x2c5: {  	v4 =	vmul.u32 $0x30, v33  }
0x2c6: {  	v3 =	vand.u32 $0x7, v3  }
0x2c7: {  	v3 =	vor.u32 v3, v4  }
0x2c8: {  	v4 =	vperm.xlane v3, v0;
	_ =	sdelay $0x1  }
0x2c9: {  	v4 =	vadd.s32 v1, v4;
	_ =	sdelay $0x3  }
0x2ca: {  	s15 =	simm.s32 $0x3400;
	v3 =	vperm.xlane v3, v2  }
0x2cb: {  	[tilespmem:s15], [sflag:$0x1] =	stream.indirect_vreg.gather [hbm4b:s2+s3], $0x80, v4, vm0, $0xb8;
	[tilespmem:$0x18400] =	vst v63  }
0x2cc: {  	s16 =	simm.s32 $0x3C00;
	v3 =	vadd.s32 v1, v3  }
0x2cd: {  	[tilespmem:s16], [sflag:$0x1] =	stream.indirect_vreg.gather [hbm4b:s5+s3], $0x80, v4, vm0, $0xb8;
	[tilespmem:$0x18400] =	vst v63  }
0x2ce: {  	s17 =	simm.s32 $0x4400  }
0x2cf: {  	[tilespmem:s17], [sflag:$0x1] =	stream.indirect_vreg.gather [hbm4b:s6+s3], $0x80, v4, vm0, $0xb8;
	[tilespmem:$0x18400] =	vst v63  }
0x2d0: {  	s18 =	simm.s32 $0x4C00  }
0x2d1: {  	[tilespmem:s18], [sflag:$0x1] =	stream.indirect_vreg.gather [hbm4b:s2+s3], $0x80, v3, vm0, $0xb8;
	[tilespmem:$0x18400] =	vst v63  }
0x2d2: {  	s19 =	simm.s32 $0x5400  }
0x2d3: {  	[tilespmem:s19], [sflag:$0x1] =	stream.indirect_vreg.gather [hbm4b:s5+s3], $0x80, v3, vm0, $0xb8;
	[tilespmem:$0x18400] =	vst v63  }
0x2d4: {  	s19 =	simm.s32 $0x5C00  }
0x2d5: {  	[tilespmem:s19], [sflag:$0x1] =	stream.indirect_vreg.gather [hbm4b:s6+s3], $0x80, v3, vm0, $0xb8;
	[tilespmem:$0x18400] =	vst v63  }
0x2d6: {  	v3 =	vld [tilespmem:$0x220];
	_ =	sdelay $0x4  }
0x2d7: {  	v34 =	vshrl.u32 v3, $0x3  }
0x2d8: {  	v4 =	vmul.u32 $0x30, v34  }
0x2d9: {  	v3 =	vand.u32 $0x7, v3  }
0x2da: {  	v3 =	vor.u32 v3, v4  }
0x2db: {  	v4 =	vperm.xlane v3, v0;
	_ =	sdelay $0x1  }
0x2dc: {  	v4 =	vadd.s32 v1, v4;
	_ =	sdelay $0x3  }
0x2dd: {  	s19 =	simm.s32 $0x6400;
	v3 =	vperm.xlane v3, v2  }
0x2de: {  	[tilespmem:s19], [sflag:$0x1] =	stream.indirect_vreg.gather [hbm4b:s2+s3], $0x80, v4, vm0, $0xb8;
	[tilespmem:$0x18400] =	vst v63  }
0x2df: {  	s20 =	simm.s32 $0x6C00;
	v3 =	vadd.s32 v1, v3  }
0x2e0: {  	[tilespmem:s20], [sflag:$0x1] =	stream.indirect_vreg.gather [hbm4b:s5+s3], $0x80, v4, vm0, $0xb8;
	[tilespmem:$0x18400] =	vst v63  }
0x2e1: {  	s21 =	simm.s32 $0x7400  }
0x2e2: {  	[tilespmem:s21], [sflag:$0x1] =	stream.indirect_vreg.gather [hbm4b:s6+s3], $0x80, v4, vm0, $0xb8;
	[tilespmem:$0x18400] =	vst v63  }
0x2e3: {  	s22 =	simm.s32 $0x7C00  }
0x2e4: {  	[tilespmem:s22], [sflag:$0x1] =	stream.indirect_vreg.gather [hbm4b:s2+s3], $0x80, v3, vm0, $0xb8;
	[tilespmem:$0x18400] =	vst v63  }
0x2e5: {  	s23 =	simm.s32 $0x8400  }
0x2e6: {  	[tilespmem:s23], [sflag:$0x1] =	stream.indirect_vreg.gather [hbm4b:s5+s3], $0x80, v3, vm0, $0xb8;
	[tilespmem:$0x18400] =	vst v63  }
0x2e7: {  	s23 =	simm.s32 $0x8C00  }
0x2e8: {  	[tilespmem:s23], [sflag:$0x1] =	stream.indirect_vreg.gather [hbm4b:s6+s3], $0x80, v3, vm0, $0xb8;
	[tilespmem:$0x18400] =	vst v63  }
0x2e9: {  	v3 =	vld [tilespmem:$0x230];
	_ =	sdelay $0x4  }
0x2ea: {  	v35 =	vshrl.u32 v3, $0x3  }
0x2eb: {  	v4 =	vmul.u32 $0x30, v35  }
0x2ec: {  	v3 =	vand.u32 $0x7, v3  }
0x2ed: {  	v3 =	vor.u32 v3, v4  }
0x2ee: {  	v4 =	vperm.xlane v3, v0;
	_ =	sdelay $0x1  }
0x2ef: {  	v4 =	vadd.s32 v1, v4;
	_ =	sdelay $0x3  }
0x2f0: {  	s23 =	simm.s32 $0x9400;
	v3 =	vperm.xlane v3, v2  }
0x2f1: {  	[tilespmem:s23], [sflag:$0x1] =	stream.indirect_vreg.gather [hbm4b:s2+s3], $0x80, v4, vm0, $0xb8;
	[tilespmem:$0x18400] =	vst v63  }
0x2f2: {  	s24 =	simm.s32 $0x9C00;
	v3 =	vadd.s32 v1, v3  }
0x2f3: {  	[tilespmem:s24], [sflag:$0x1] =	stream.indirect_vreg.gather [hbm4b:s5+s3], $0x80, v4, vm0, $0xb8;
	[tilespmem:$0x18400] =	vst v63  }
0x2f4: {  	s25 =	simm.s32 $0xA400  }
0x2f5: {  	[tilespmem:s25], [sflag:$0x1] =	stream.indirect_vreg.gather [hbm4b:s6+s3], $0x80, v4, vm0, $0xb8;
	[tilespmem:$0x18400] =	vst v63  }
0x2f6: {  	s7 =	simm.s32 $0xAC00  }
0x2f7: {  	[tilespmem:s7], [sflag:$0x1] =	stream.indirect_vreg.gather [hbm4b:s2+s3], $0x80, v3, vm0, $0xb8;
	[tilespmem:$0x18400] =	vst v63  }
0x2f8: {  	s13 =	simm.s32 $0xB400  }
0x2f9: {  	[tilespmem:s13], [sflag:$0x1] =	stream.indirect_vreg.gather [hbm4b:s5+s3], $0x80, v3, vm0, $0xb8;
	[tilespmem:$0x18400] =	vst v63  }
0x2fa: {  	s25 =	simm.s32 $0xBC00  }
0x2fb: {  	[tilespmem:s25], [sflag:$0x1] =	stream.indirect_vreg.gather [hbm4b:s6+s3], $0x80, v3, vm0, $0xb8;
	[tilespmem:$0x18400] =	vst v63  }
0x2fc: {  	_ =	swait.ge [sflag:s10], $0xC000  }
0x2fd: {  	[sflag:s10] =	ssyncset.done $0x0  }
0x2fe: {  	s25 =	rddreg [dreg:$0xa];
	[sflag:s10] =	ssyncadd.s32 $0xFFFF4000  }
0x2ff: {  	[hbm4b:s25+s3] =	stream.linear.scatter [tilespmem:s4], [sflag:$0x4], $0xC000, $0x38;
	[tilespmem:$0x18400] =	vst v63  }
0x300: {  	_ =	swait.ge [sflag:s11], $0xC000  }
0x301: {  	[sflag:s11] =	ssyncset.done $0x0  }
0x302: {  	[sflag:s11] =	ssyncadd.s32 $0xFFFF4000  }
0x303: {  	v3 =	vld [tilespmem:$0x240];
	_ =	sdelay $0x4  }
0x304: {  	v36 =	vshrl.u32 v3, $0x3  }
0x305: {  	v4 =	vmul.u32 $0x30, v36  }
0x306: {  	v3 =	vand.u32 $0x7, v3  }
0x307: {  	v3 =	vor.u32 v3, v4  }
0x308: {  	v4 =	vperm.xlane v3, v0;
	_ =	sdelay $0x1  }
0x309: {  	v4 =	vadd.s32 v1, v4;
	_ =	sdelay $0x3  }
0x30a: {  	v3 =	vperm.xlane v3, v2  }
0x30b: {  	[tilespmem:s4], [sflag:$0x2] =	stream.indirect_vreg.gather [hbm4b:s2+s3], $0x80, v4, vm0, $0xb8;
	[tilespmem:$0x18400] =	vst v63  }
0x30c: {  	s26 =	simm.s32 $0xCC00;
	v3 =	vadd.s32 v1, v3  }
0x30d: {  	[tilespmem:s26], [sflag:$0x2] =	stream.indirect_vreg.gather [hbm4b:s5+s3], $0x80, v4, vm0, $0xb8;
	[tilespmem:$0x18400] =	vst v63  }
0x30e: {  	s28 =	simm.s32 $0xD400  }
0x30f: {  	[tilespmem:s28], [sflag:$0x2] =	stream.indirect_vreg.gather [hbm4b:s6+s3], $0x80, v4, vm0, $0xb8;
	[tilespmem:$0x18400] =	vst v63  }
0x310: {  	s28 =	simm.s32 $0xDC00  }
0x311: {  	[tilespmem:s28], [sflag:$0x2] =	stream.indirect_vreg.gather [hbm4b:s2+s3], $0x80, v3, vm0, $0xb8;
	[tilespmem:$0x18400] =	vst v63  }
0x312: {  	s12 =	simm.s32 $0xE400  }
0x313: {  	[tilespmem:s12], [sflag:$0x2] =	stream.indirect_vreg.gather [hbm4b:s5+s3], $0x80, v3, vm0, $0xb8;
	[tilespmem:$0x18400] =	vst v63  }
0x314: {  	s12 =	simm.s32 $0xEC00  }
0x315: {  	[tilespmem:s12], [sflag:$0x2] =	stream.indirect_vreg.gather [hbm4b:s6+s3], $0x80, v3, vm0, $0xb8;
	[tilespmem:$0x18400] =	vst v63  }
0x316: {  	v3 =	vld [tilespmem:$0x250];
	_ =	sdelay $0x4  }
0x317: {  	v37 =	vshrl.u32 v3, $0x3  }
0x318: {  	v4 =	vmul.u32 $0x30, v37  }
0x319: {  	v3 =	vand.u32 $0x7, v3  }
0x31a: {  	v3 =	vor.u32 v3, v4  }
0x31b: {  	v4 =	vperm.xlane v3, v0;
	_ =	sdelay $0x1  }
0x31c: {  	v4 =	vadd.s32 v1, v4;
	_ =	sdelay $0x3  }
0x31d: {  	s12 =	simm.s32 $0xF400;
	v3 =	vperm.xlane v3, v2  }
0x31e: {  	[tilespmem:s12], [sflag:$0x2] =	stream.indirect_vreg.gather [hbm4b:s2+s3], $0x80, v4, vm0, $0xb8;
	[tilespmem:$0x18400] =	vst v63  }
0x31f: {  	s29 =	simm.s32 $0xFC00;
	v3 =	vadd.s32 v1, v3  }
0x320: {  	[tilespmem:s29], [sflag:$0x2] =	stream.indirect_vreg.gather [hbm4b:s5+s3], $0x80, v4, vm0, $0xb8;
	[tilespmem:$0x18400] =	vst v63  }
0x321: {  	s12 =	simm.s32 $0x10400  }
0x322: {  	[tilespmem:s12], [sflag:$0x2] =	stream.indirect_vreg.gather [hbm4b:s6+s3], $0x80, v4, vm0, $0xb8;
	[tilespmem:$0x18400] =	vst v63  }
0x323: {  	s12 =	simm.s32 $0x10C00  }
0x324: {  	[tilespmem:s12], [sflag:$0x2] =	stream.indirect_vreg.gather [hbm4b:s2+s3], $0x80, v3, vm0, $0xb8;
	[tilespmem:$0x18400] =	vst v63  }
0x325: {  	s12 =	simm.s32 $0x11400  }
0x326: {  	[tilespmem:s12], [sflag:$0x2] =	stream.indirect_vreg.gather [hbm4b:s5+s3], $0x80, v3, vm0, $0xb8;
	[tilespmem:$0x18400] =	vst v63  }
0x327: {  	s12 =	simm.s32 $0x11C00  }
0x328: {  	[tilespmem:s12], [sflag:$0x2] =	stream.indirect_vreg.gather [hbm4b:s6+s3], $0x80, v3, vm0, $0xb8;
	[tilespmem:$0x18400] =	vst v63  }
0x329: {  	v3 =	vld [tilespmem:$0x260];
	_ =	sdelay $0x4  }
0x32a: {  	v38 =	vshrl.u32 v3, $0x3  }
0x32b: {  	v4 =	vmul.u32 $0x30, v38  }
0x32c: {  	v3 =	vand.u32 $0x7, v3  }
0x32d: {  	v3 =	vor.u32 v3, v4  }
0x32e: {  	v4 =	vperm.xlane v3, v0;
	_ =	sdelay $0x1  }
0x32f: {  	v4 =	vadd.s32 v1, v4;
	_ =	sdelay $0x3  }
0x330: {  	s12 =	simm.s32 $0x12400;
	v3 =	vperm.xlane v3, v2  }
0x331: {  	[tilespmem:s12], [sflag:$0x2] =	stream.indirect_vreg.gather [hbm4b:s2+s3], $0x80, v4, vm0, $0xb8;
	[tilespmem:$0x18400] =	vst v63  }
0x332: {  	s30 =	simm.s32 $0x12C00;
	v3 =	vadd.s32 v1, v3  }
0x333: {  	[tilespmem:s30], [sflag:$0x2] =	stream.indirect_vreg.gather [hbm4b:s5+s3], $0x80, v4, vm0, $0xb8;
	[tilespmem:$0x18400] =	vst v63  }
0x334: {  	s31 =	simm.s32 $0x13400  }
0x335: {  	[tilespmem:s31], [sflag:$0x2] =	stream.indirect_vreg.gather [hbm4b:s6+s3], $0x80, v4, vm0, $0xb8;
	[tilespmem:$0x18400] =	vst v63  }
0x336: {  	s12 =	simm.s32 $0x13C00  }
0x337: {  	[tilespmem:s12], [sflag:$0x2] =	stream.indirect_vreg.gather [hbm4b:s2+s3], $0x80, v3, vm0, $0xb8;
	[tilespmem:$0x18400] =	vst v63  }
0x338: {  	s12 =	simm.s32 $0x14400  }
0x339: {  	[tilespmem:s12], [sflag:$0x2] =	stream.indirect_vreg.gather [hbm4b:s5+s3], $0x80, v3, vm0, $0xb8;
	[tilespmem:$0x18400] =	vst v63  }
0x33a: {  	s12 =	simm.s32 $0x14C00  }
0x33b: {  	[tilespmem:s12], [sflag:$0x2] =	stream.indirect_vreg.gather [hbm4b:s6+s3], $0x80, v3, vm0, $0xb8;
	[tilespmem:$0x18400] =	vst v63  }
0x33c: {  	v3 =	vld [tilespmem:$0x270];
	_ =	sdelay $0x4  }
0x33d: {  	v39 =	vshrl.u32 v3, $0x3  }
0x33e: {  	v4 =	vmul.u32 $0x30, v39  }
0x33f: {  	v3 =	vand.u32 $0x7, v3  }
0x340: {  	v3 =	vor.u32 v3, v4  }
0x341: {  	v4 =	vperm.xlane v3, v0;
	_ =	sdelay $0x1  }
0x342: {  	v4 =	vadd.s32 v1, v4;
	_ =	sdelay $0x3  }
0x343: {  	s12 =	simm.s32 $0x15400;
	v3 =	vperm.xlane v3, v2  }
0x344: {  	[tilespmem:s12], [sflag:$0x2] =	stream.indirect_vreg.gather [hbm4b:s2+s3], $0x80, v4, vm0, $0xb8;
	[tilespmem:$0x18400] =	vst v63  }
0x345: {  	v3 =	vadd.s32 v1, v3;
	s12 =	simm.s32 $0x15C00  }
0x346: {  	[tilespmem:s12], [sflag:$0x2] =	stream.indirect_vreg.gather [hbm4b:s5+s3], $0x80, v4, vm0, $0xb8;
	[tilespmem:$0x18400] =	vst v63  }
0x347: {  	s12 =	simm.s32 $0x16400  }
0x348: {  	[tilespmem:s12], [sflag:$0x2] =	stream.indirect_vreg.gather [hbm4b:s6+s3], $0x80, v4, vm0, $0xb8;
	[tilespmem:$0x18400] =	vst v63  }
0x349: {  	s12 =	simm.s32 $0x16C00  }
0x34a: {  	[tilespmem:s12], [sflag:$0x2] =	stream.indirect_vreg.gather [hbm4b:s2+s3], $0x80, v3, vm0, $0xb8;
	[tilespmem:$0x18400] =	vst v63  }
0x34b: {  	s12 =	simm.s32 $0x17400  }
0x34c: {  	[tilespmem:s12], [sflag:$0x2] =	stream.indirect_vreg.gather [hbm4b:s5+s3], $0x80, v3, vm0, $0xb8;
	[tilespmem:$0x18400] =	vst v63  }
0x34d: {  	s12 =	simm.s32 $0x17C00  }
0x34e: {  	[tilespmem:s12], [sflag:$0x2] =	stream.indirect_vreg.gather [hbm4b:s6+s3], $0x80, v3, vm0, $0xb8;
	[tilespmem:$0x18400] =	vst v63  }
0x34f: {  	_ =	swait.ge [sflag:s0], $0xC000  }
0x350: {  	[sflag:s0] =	ssyncset.done $0x0  }
0x351: {  	s12 =	rddreg [dreg:$0xb];
	[sflag:s0] =	ssyncadd.s32 $0xFFFF4000  }
0x352: {  	[hbm4b:s12+s3] =	stream.linear.scatter [tilespmem:s14], [sflag:$0x3], $0xC000, $0x38;
	[tilespmem:$0x18400] =	vst v63  }
0x353: {  	_ =	swait.ge [sflag:s8], $0xC000  }
0x354: {  	[sflag:s8] =	ssyncset.done $0x0  }
0x355: {  	[sflag:s8] =	ssyncadd.s32 $0xFFFF4000  }
0x356: {  	v3 =	vld [tilespmem:$0x280];
	_ =	sdelay $0x4  }
0x357: {  	v40 =	vshrl.u32 v3, $0x3  }
0x358: {  	v4 =	vmul.u32 $0x30, v40  }
0x359: {  	v3 =	vand.u32 $0x7, v3  }
0x35a: {  	v3 =	vor.u32 v3, v4  }
0x35b: {  	v4 =	vperm.xlane v3, v0;
	_ =	sdelay $0x1  }
0x35c: {  	v4 =	vadd.s32 v1, v4;
	_ =	sdelay $0x3  }
0x35d: {  	v3 =	vperm.xlane v3, v2  }
0x35e: {  	[tilespmem:s14], [sflag:$0x1] =	stream.indirect_vreg.gather [hbm4b:s2+s3], $0x80, v4, vm0, $0xb8;
	[tilespmem:$0x18400] =	vst v63  }
0x35f: {  	s12 =	simm.s32 $0xC00;
	v3 =	vadd.s32 v1, v3  }
0x360: {  	[tilespmem:s12], [sflag:$0x1] =	stream.indirect_vreg.gather [hbm4b:s5+s3], $0x80, v4, vm0, $0xb8;
	[tilespmem:$0x18400] =	vst v63  }
0x361: {  	s1 =	simm.s32 $0x1400  }
0x362: {  	[tilespmem:s1], [sflag:$0x1] =	stream.indirect_vreg.gather [hbm4b:s6+s3], $0x80, v4, vm0, $0xb8;
	[tilespmem:$0x18400] =	vst v63  }
0x363: {  	s12 =	simm.s32 $0x1C00  }
0x364: {  	[tilespmem:s12], [sflag:$0x1] =	stream.indirect_vreg.gather [hbm4b:s2+s3], $0x80, v3, vm0, $0xb8;
	[tilespmem:$0x18400] =	vst v63  }
0x365: {  	s9 =	simm.s32 $0x2400  }
0x366: {  	[tilespmem:s9], [sflag:$0x1] =	stream.indirect_vreg.gather [hbm4b:s5+s3], $0x80, v3, vm0, $0xb8;
	[tilespmem:$0x18400] =	vst v63  }
0x367: {  	s12 =	simm.s32 $0x2C00  }
0x368: {  	[tilespmem:s12], [sflag:$0x1] =	stream.indirect_vreg.gather [hbm4b:s6+s3], $0x80, v3, vm0, $0xb8;
	[tilespmem:$0x18400] =	vst v63  }
0x369: {  	v3 =	vld [tilespmem:$0x290];
	_ =	sdelay $0x4  }
0x36a: {  	v41 =	vshrl.u32 v3, $0x3  }
0x36b: {  	v4 =	vmul.u32 $0x30, v41  }
0x36c: {  	v3 =	vand.u32 $0x7, v3  }
0x36d: {  	v3 =	vor.u32 v3, v4  }
0x36e: {  	v4 =	vperm.xlane v3, v0;
	_ =	sdelay $0x1  }
0x36f: {  	v4 =	vadd.s32 v1, v4;
	_ =	sdelay $0x3  }
0x370: {  	s12 =	simm.s32 $0x3400;
	v3 =	vperm.xlane v3, v2  }
0x371: {  	[tilespmem:s12], [sflag:$0x1] =	stream.indirect_vreg.gather [hbm4b:s2+s3], $0x80, v4, vm0, $0xb8;
	[tilespmem:$0x18400] =	vst v63  }
0x372: {  	s15 =	simm.s32 $0x3C00;
	v3 =	vadd.s32 v1, v3  }
0x373: {  	[tilespmem:s15], [sflag:$0x1] =	stream.indirect_vreg.gather [hbm4b:s5+s3], $0x80, v4, vm0, $0xb8;
	[tilespmem:$0x18400] =	vst v63  }
0x374: {  	s16 =	simm.s32 $0x4400  }
0x375: {  	[tilespmem:s16], [sflag:$0x1] =	stream.indirect_vreg.gather [hbm4b:s6+s3], $0x80, v4, vm0, $0xb8;
	[tilespmem:$0x18400] =	vst v63  }
0x376: {  	s17 =	simm.s32 $0x4C00  }
0x377: {  	[tilespmem:s17], [sflag:$0x1] =	stream.indirect_vreg.gather [hbm4b:s2+s3], $0x80, v3, vm0, $0xb8;
	[tilespmem:$0x18400] =	vst v63  }
0x378: {  	s18 =	simm.s32 $0x5400  }
0x379: {  	[tilespmem:s18], [sflag:$0x1] =	stream.indirect_vreg.gather [hbm4b:s5+s3], $0x80, v3, vm0, $0xb8;
	[tilespmem:$0x18400] =	vst v63  }
0x37a: {  	s16 =	simm.s32 $0x5C00  }
0x37b: {  	[tilespmem:s16], [sflag:$0x1] =	stream.indirect_vreg.gather [hbm4b:s6+s3], $0x80, v3, vm0, $0xb8;
	[tilespmem:$0x18400] =	vst v63  }
0x37c: {  	v3 =	vld [tilespmem:$0x2A0];
	_ =	sdelay $0x4  }
0x37d: {  	v42 =	vshrl.u32 v3, $0x3  }
0x37e: {  	v4 =	vmul.u32 $0x30, v42  }
0x37f: {  	v3 =	vand.u32 $0x7, v3  }
0x380: {  	v3 =	vor.u32 v3, v4  }
0x381: {  	v4 =	vperm.xlane v3, v0;
	_ =	sdelay $0x1  }
0x382: {  	v4 =	vadd.s32 v1, v4;
	_ =	sdelay $0x3  }
0x383: {  	s12 =	simm.s32 $0x6400;
	v3 =	vperm.xlane v3, v2  }
0x384: {  	[tilespmem:s12], [sflag:$0x1] =	stream.indirect_vreg.gather [hbm4b:s2+s3], $0x80, v4, vm0, $0xb8;
	[tilespmem:$0x18400] =	vst v63  }
0x385: {  	s19 =	simm.s32 $0x6C00;
	v3 =	vadd.s32 v1, v3  }
0x386: {  	[tilespmem:s19], [sflag:$0x1] =	stream.indirect_vreg.gather [hbm4b:s5+s3], $0x80, v4, vm0, $0xb8;
	[tilespmem:$0x18400] =	vst v63  }
0x387: {  	s20 =	simm.s32 $0x7400  }
0x388: {  	[tilespmem:s20], [sflag:$0x1] =	stream.indirect_vreg.gather [hbm4b:s6+s3], $0x80, v4, vm0, $0xb8;
	[tilespmem:$0x18400] =	vst v63  }
0x389: {  	s21 =	simm.s32 $0x7C00  }
0x38a: {  	[tilespmem:s21], [sflag:$0x1] =	stream.indirect_vreg.gather [hbm4b:s2+s3], $0x80, v3, vm0, $0xb8;
	[tilespmem:$0x18400] =	vst v63  }
0x38b: {  	s22 =	simm.s32 $0x8400  }
0x38c: {  	[tilespmem:s22], [sflag:$0x1] =	stream.indirect_vreg.gather [hbm4b:s5+s3], $0x80, v3, vm0, $0xb8;
	[tilespmem:$0x18400] =	vst v63  }
0x38d: {  	s16 =	simm.s32 $0x8C00  }
0x38e: {  	[tilespmem:s16], [sflag:$0x1] =	stream.indirect_vreg.gather [hbm4b:s6+s3], $0x80, v3, vm0, $0xb8;
	[tilespmem:$0x18400] =	vst v63  }
0x38f: {  	v3 =	vld [tilespmem:$0x2B0];
	_ =	sdelay $0x4  }
0x390: {  	v43 =	vshrl.u32 v3, $0x3  }
0x391: {  	v4 =	vmul.u32 $0x30, v43  }
0x392: {  	v3 =	vand.u32 $0x7, v3  }
0x393: {  	v3 =	vor.u32 v3, v4  }
0x394: {  	v4 =	vperm.xlane v3, v0;
	_ =	sdelay $0x1  }
0x395: {  	v4 =	vadd.s32 v1, v4;
	_ =	sdelay $0x3  }
0x396: {  	s12 =	simm.s32 $0x9400;
	v3 =	vperm.xlane v3, v2  }
0x397: {  	[tilespmem:s12], [sflag:$0x1] =	stream.indirect_vreg.gather [hbm4b:s2+s3], $0x80, v4, vm0, $0xb8;
	[tilespmem:$0x18400] =	vst v63  }
0x398: {  	s23 =	simm.s32 $0x9C00;
	v3 =	vadd.s32 v1, v3  }
0x399: {  	[tilespmem:s23], [sflag:$0x1] =	stream.indirect_vreg.gather [hbm4b:s5+s3], $0x80, v4, vm0, $0xb8;
	[tilespmem:$0x18400] =	vst v63  }
0x39a: {  	s24 =	simm.s32 $0xA400  }
0x39b: {  	[tilespmem:s24], [sflag:$0x1] =	stream.indirect_vreg.gather [hbm4b:s6+s3], $0x80, v4, vm0, $0xb8;
	[tilespmem:$0x18400] =	vst v63  }
0x39c: {  	s7 =	simm.s32 $0xAC00  }
0x39d: {  	[tilespmem:s7], [sflag:$0x1] =	stream.indirect_vreg.gather [hbm4b:s2+s3], $0x80, v3, vm0, $0xb8;
	[tilespmem:$0x18400] =	vst v63  }
0x39e: {  	s13 =	simm.s32 $0xB400  }
0x39f: {  	[tilespmem:s13], [sflag:$0x1] =	stream.indirect_vreg.gather [hbm4b:s5+s3], $0x80, v3, vm0, $0xb8;
	[tilespmem:$0x18400] =	vst v63  }
0x3a0: {  	s16 =	simm.s32 $0xBC00  }
0x3a1: {  	[tilespmem:s16], [sflag:$0x1] =	stream.indirect_vreg.gather [hbm4b:s6+s3], $0x80, v3, vm0, $0xb8;
	[tilespmem:$0x18400] =	vst v63  }
0x3a2: {  	_ =	swait.ge [sflag:s10], $0xC000  }
0x3a3: {  	[sflag:s10] =	ssyncset.done $0x0  }
0x3a4: {  	s7 =	rddreg [dreg:$0xc];
	[sflag:s10] =	ssyncadd.s32 $0xFFFF4000  }
0x3a5: {  	[hbm4b:s7+s3] =	stream.linear.scatter [tilespmem:s4], [sflag:$0x4], $0xC000, $0x38;
	[tilespmem:$0x18400] =	vst v63  }
0x3a6: {  	_ =	swait.ge [sflag:s11], $0xC000  }
0x3a7: {  	[sflag:s11] =	ssyncset.done $0x0  }
0x3a8: {  	[sflag:s11] =	ssyncadd.s32 $0xFFFF4000  }
0x3a9: {  	v3 =	vld [tilespmem:$0x2C0];
	_ =	sdelay $0x4  }
0x3aa: {  	v44 =	vshrl.u32 v3, $0x3  }
0x3ab: {  	v4 =	vmul.u32 $0x30, v44  }
0x3ac: {  	v3 =	vand.u32 $0x7, v3  }
0x3ad: {  	v3 =	vor.u32 v3, v4  }
0x3ae: {  	v4 =	vperm.xlane v3, v0;
	_ =	sdelay $0x1  }
0x3af: {  	v4 =	vadd.s32 v1, v4;
	_ =	sdelay $0x3  }
0x3b0: {  	v3 =	vperm.xlane v3, v2  }
0x3b1: {  	[tilespmem:s4], [sflag:$0x2] =	stream.indirect_vreg.gather [hbm4b:s2+s3], $0x80, v4, vm0, $0xb8;
	[tilespmem:$0x18400] =	vst v63  }
0x3b2: {  	s25 =	simm.s32 $0xCC00;
	v3 =	vadd.s32 v1, v3  }
0x3b3: {  	[tilespmem:s25], [sflag:$0x2] =	stream.indirect_vreg.gather [hbm4b:s5+s3], $0x80, v4, vm0, $0xb8;
	[tilespmem:$0x18400] =	vst v63  }
0x3b4: {  	s26 =	simm.s32 $0xD400  }
0x3b5: {  	[tilespmem:s26], [sflag:$0x2] =	stream.indirect_vreg.gather [hbm4b:s6+s3], $0x80, v4, vm0, $0xb8;
	[tilespmem:$0x18400] =	vst v63  }
0x3b6: {  	s28 =	simm.s32 $0xDC00  }
0x3b7: {  	[tilespmem:s28], [sflag:$0x2] =	stream.indirect_vreg.gather [hbm4b:s2+s3], $0x80, v3, vm0, $0xb8;
	[tilespmem:$0x18400] =	vst v63  }
0x3b8: {  	s12 =	simm.s32 $0xE400  }
0x3b9: {  	[tilespmem:s12], [sflag:$0x2] =	stream.indirect_vreg.gather [hbm4b:s5+s3], $0x80, v3, vm0, $0xb8;
	[tilespmem:$0x18400] =	vst v63  }
0x3ba: {  	s13 =	simm.s32 $0xEC00  }
0x3bb: {  	[tilespmem:s13], [sflag:$0x2] =	stream.indirect_vreg.gather [hbm4b:s6+s3], $0x80, v3, vm0, $0xb8;
	[tilespmem:$0x18400] =	vst v63  }
0x3bc: {  	v3 =	vld [tilespmem:$0x2D0];
	_ =	sdelay $0x4  }
0x3bd: {  	v45 =	vshrl.u32 v3, $0x3  }
0x3be: {  	v4 =	vmul.u32 $0x30, v45  }
0x3bf: {  	v3 =	vand.u32 $0x7, v3  }
0x3c0: {  	v3 =	vor.u32 v3, v4  }
0x3c1: {  	v4 =	vperm.xlane v3, v0;
	_ =	sdelay $0x1  }
0x3c2: {  	v4 =	vadd.s32 v1, v4;
	_ =	sdelay $0x3  }
0x3c3: {  	s16 =	simm.s32 $0xF400;
	v3 =	vperm.xlane v3, v2  }
0x3c4: {  	[tilespmem:s16], [sflag:$0x2] =	stream.indirect_vreg.gather [hbm4b:s2+s3], $0x80, v4, vm0, $0xb8;
	[tilespmem:$0x18400] =	vst v63  }
0x3c5: {  	s29 =	simm.s32 $0xFC00;
	v3 =	vadd.s32 v1, v3  }
0x3c6: {  	[tilespmem:s29], [sflag:$0x2] =	stream.indirect_vreg.gather [hbm4b:s5+s3], $0x80, v4, vm0, $0xb8;
	[tilespmem:$0x18400] =	vst v63  }
0x3c7: {  	s25 =	simm.s32 $0x10400  }
0x3c8: {  	[tilespmem:s25], [sflag:$0x2] =	stream.indirect_vreg.gather [hbm4b:s6+s3], $0x80, v4, vm0, $0xb8;
	[tilespmem:$0x18400] =	vst v63  }
0x3c9: {  	s26 =	simm.s32 $0x10C00  }
0x3ca: {  	[tilespmem:s26], [sflag:$0x2] =	stream.indirect_vreg.gather [hbm4b:s2+s3], $0x80, v3, vm0, $0xb8;
	[tilespmem:$0x18400] =	vst v63  }
0x3cb: {  	s28 =	simm.s32 $0x11400  }
0x3cc: {  	[tilespmem:s28], [sflag:$0x2] =	stream.indirect_vreg.gather [hbm4b:s5+s3], $0x80, v3, vm0, $0xb8;
	[tilespmem:$0x18400] =	vst v63  }
0x3cd: {  	s29 =	simm.s32 $0x11C00  }
0x3ce: {  	[tilespmem:s29], [sflag:$0x2] =	stream.indirect_vreg.gather [hbm4b:s6+s3], $0x80, v3, vm0, $0xb8;
	[tilespmem:$0x18400] =	vst v63  }
0x3cf: {  	v3 =	vld [tilespmem:$0x2E0];
	_ =	sdelay $0x4  }
0x3d0: {  	v46 =	vshrl.u32 v3, $0x3  }
0x3d1: {  	v4 =	vmul.u32 $0x30, v46  }
0x3d2: {  	v3 =	vand.u32 $0x7, v3  }
0x3d3: {  	v3 =	vor.u32 v3, v4  }
0x3d4: {  	v4 =	vperm.xlane v3, v0;
	_ =	sdelay $0x1  }
0x3d5: {  	v4 =	vadd.s32 v1, v4;
	_ =	sdelay $0x3  }
0x3d6: {  	s7 =	simm.s32 $0x12400;
	v3 =	vperm.xlane v3, v2  }
0x3d7: {  	[tilespmem:s7], [sflag:$0x2] =	stream.indirect_vreg.gather [hbm4b:s2+s3], $0x80, v4, vm0, $0xb8;
	[tilespmem:$0x18400] =	vst v63  }
0x3d8: {  	s30 =	simm.s32 $0x12C00;
	v3 =	vadd.s32 v1, v3  }
0x3d9: {  	[tilespmem:s30], [sflag:$0x2] =	stream.indirect_vreg.gather [hbm4b:s5+s3], $0x80, v4, vm0, $0xb8;
	[tilespmem:$0x18400] =	vst v63  }
0x3da: {  	s31 =	simm.s32 $0x13400  }
0x3db: {  	[tilespmem:s31], [sflag:$0x2] =	stream.indirect_vreg.gather [hbm4b:s6+s3], $0x80, v4, vm0, $0xb8;
	[tilespmem:$0x18400] =	vst v63  }
0x3dc: {  	s12 =	simm.s32 $0x13C00  }
0x3dd: {  	[tilespmem:s12], [sflag:$0x2] =	stream.indirect_vreg.gather [hbm4b:s2+s3], $0x80, v3, vm0, $0xb8;
	[tilespmem:$0x18400] =	vst v63  }
0x3de: {  	s13 =	simm.s32 $0x14400  }
0x3df: {  	[tilespmem:s13], [sflag:$0x2] =	stream.indirect_vreg.gather [hbm4b:s5+s3], $0x80, v3, vm0, $0xb8;
	[tilespmem:$0x18400] =	vst v63  }
0x3e0: {  	s16 =	simm.s32 $0x14C00  }
0x3e1: {  	[tilespmem:s16], [sflag:$0x2] =	stream.indirect_vreg.gather [hbm4b:s6+s3], $0x80, v3, vm0, $0xb8;
	[tilespmem:$0x18400] =	vst v63  }
0x3e2: {  	v3 =	vld [tilespmem:$0x2F0];
	_ =	sdelay $0x4  }
0x3e3: {  	v47 =	vshrl.u32 v3, $0x3  }
0x3e4: {  	v4 =	vmul.u32 $0x30, v47  }
0x3e5: {  	v3 =	vand.u32 $0x7, v3  }
0x3e6: {  	v3 =	vor.u32 v3, v4  }
0x3e7: {  	v4 =	vperm.xlane v3, v0;
	_ =	sdelay $0x1  }
0x3e8: {  	v4 =	vadd.s32 v1, v4;
	_ =	sdelay $0x3  }
0x3e9: {  	s25 =	simm.s32 $0x15400;
	v3 =	vperm.xlane v3, v2  }
0x3ea: {  	[tilespmem:s25], [sflag:$0x2] =	stream.indirect_vreg.gather [hbm4b:s2+s3], $0x80, v4, vm0, $0xb8;
	[tilespmem:$0x18400] =	vst v63  }
0x3eb: {  	s26 =	simm.s32 $0x15C00;
	v3 =	vadd.s32 v1, v3  }
0x3ec: {  	[tilespmem:s26], [sflag:$0x2] =	stream.indirect_vreg.gather [hbm4b:s5+s3], $0x80, v4, vm0, $0xb8;
	[tilespmem:$0x18400] =	vst v63  }
0x3ed: {  	s28 =	simm.s32 $0x16400  }
0x3ee: {  	[tilespmem:s28], [sflag:$0x2] =	stream.indirect_vreg.gather [hbm4b:s6+s3], $0x80, v4, vm0, $0xb8;
	[tilespmem:$0x18400] =	vst v63  }
0x3ef: {  	s29 =	simm.s32 $0x16C00  }
0x3f0: {  	[tilespmem:s29], [sflag:$0x2] =	stream.indirect_vreg.gather [hbm4b:s2+s3], $0x80, v3, vm0, $0xb8;
	[tilespmem:$0x18400] =	vst v63  }
0x3f1: {  	s30 =	simm.s32 $0x17400  }
0x3f2: {  	[tilespmem:s30], [sflag:$0x2] =	stream.indirect_vreg.gather [hbm4b:s5+s3], $0x80, v3, vm0, $0xb8;
	[tilespmem:$0x18400] =	vst v63  }
0x3f3: {  	s31 =	simm.s32 $0x17C00  }
0x3f4: {  	[tilespmem:s31], [sflag:$0x2] =	stream.indirect_vreg.gather [hbm4b:s6+s3], $0x80, v3, vm0, $0xb8;
	[tilespmem:$0x18400] =	vst v63  }
0x3f5: {  	_ =	swait.ge [sflag:s0], $0xC000  }
0x3f6: {  	[sflag:s0] =	ssyncset.done $0x0  }
0x3f7: {  	s7 =	rddreg [dreg:$0xd];
	[sflag:s0] =	ssyncadd.s32 $0xFFFF4000  }
0x3f8: {  	[hbm4b:s7+s3] =	stream.linear.scatter [tilespmem:s14], [sflag:$0x3], $0xC000, $0x38;
	[tilespmem:$0x18400] =	vst v63  }
0x3f9: {  	_ =	swait.ge [sflag:s8], $0xC000  }
0x3fa: {  	[sflag:s8] =	ssyncset.done $0x0  }
0x3fb: {  	[sflag:s8] =	ssyncadd.s32 $0xFFFF4000  }
0x3fc: {  	v3 =	vld [tilespmem:$0x300];
	_ =	sdelay $0x4  }
0x3fd: {  	v48 =	vshrl.u32 v3, $0x3  }
0x3fe: {  	v4 =	vmul.u32 $0x30, v48  }
0x3ff: {  	v3 =	vand.u32 $0x7, v3  }
0x400: {  	v3 =	vor.u32 v3, v4  }
0x401: {  	v4 =	vperm.xlane v3, v0;
	_ =	sdelay $0x1  }
0x402: {  	v4 =	vadd.s32 v1, v4;
	_ =	sdelay $0x3  }
0x403: {  	v3 =	vperm.xlane v3, v2  }
0x404: {  	[tilespmem:s14], [sflag:$0x1] =	stream.indirect_vreg.gather [hbm4b:s2+s3], $0x80, v4, vm0, $0xb8;
	[tilespmem:$0x18400] =	vst v63  }
0x405: {  	s13 =	simm.s32 $0xC00;
	v3 =	vadd.s32 v1, v3  }
0x406: {  	[tilespmem:s13], [sflag:$0x1] =	stream.indirect_vreg.gather [hbm4b:s5+s3], $0x80, v4, vm0, $0xb8;
	[tilespmem:$0x18400] =	vst v63  }
0x407: {  	s16 =	simm.s32 $0x1400  }
0x408: {  	[tilespmem:s16], [sflag:$0x1] =	stream.indirect_vreg.gather [hbm4b:s6+s3], $0x80, v4, vm0, $0xb8;
	[tilespmem:$0x18400] =	vst v63  }
0x409: {  	s25 =	simm.s32 $0x1C00  }
0x40a: {  	[tilespmem:s25], [sflag:$0x1] =	stream.indirect_vreg.gather [hbm4b:s2+s3], $0x80, v3, vm0, $0xb8;
	[tilespmem:$0x18400] =	vst v63  }
0x40b: {  	s9 =	simm.s32 $0x2400  }
0x40c: {  	[tilespmem:s9], [sflag:$0x1] =	stream.indirect_vreg.gather [hbm4b:s5+s3], $0x80, v3, vm0, $0xb8;
	[tilespmem:$0x18400] =	vst v63  }
0x40d: {  	s26 =	simm.s32 $0x2C00  }
0x40e: {  	[tilespmem:s26], [sflag:$0x1] =	stream.indirect_vreg.gather [hbm4b:s6+s3], $0x80, v3, vm0, $0xb8;
	[tilespmem:$0x18400] =	vst v63  }
0x40f: {  	v3 =	vld [tilespmem:$0x310];
	_ =	sdelay $0x4  }
0x410: {  	v49 =	vshrl.u32 v3, $0x3  }
0x411: {  	v4 =	vmul.u32 $0x30, v49  }
0x412: {  	v3 =	vand.u32 $0x7, v3  }
0x413: {  	v3 =	vor.u32 v3, v4  }
0x414: {  	v4 =	vperm.xlane v3, v0;
	_ =	sdelay $0x1  }
0x415: {  	v4 =	vadd.s32 v1, v4;
	_ =	sdelay $0x3  }
0x416: {  	s28 =	simm.s32 $0x3400;
	v3 =	vperm.xlane v3, v2  }
0x417: {  	[tilespmem:s28], [sflag:$0x1] =	stream.indirect_vreg.gather [hbm4b:s2+s3], $0x80, v4, vm0, $0xb8;
	[tilespmem:$0x18400] =	vst v63  }
0x418: {  	s15 =	simm.s32 $0x3C00;
	v3 =	vadd.s32 v1, v3  }
0x419: {  	[tilespmem:s15], [sflag:$0x1] =	stream.indirect_vreg.gather [hbm4b:s5+s3], $0x80, v4, vm0, $0xb8;
	[tilespmem:$0x18400] =	vst v63  }
0x41a: {  	s29 =	simm.s32 $0x4400  }
0x41b: {  	[tilespmem:s29], [sflag:$0x1] =	stream.indirect_vreg.gather [hbm4b:s6+s3], $0x80, v4, vm0, $0xb8;
	[tilespmem:$0x18400] =	vst v63  }
0x41c: {  	s17 =	simm.s32 $0x4C00  }
0x41d: {  	[tilespmem:s17], [sflag:$0x1] =	stream.indirect_vreg.gather [hbm4b:s2+s3], $0x80, v3, vm0, $0xb8;
	[tilespmem:$0x18400] =	vst v63  }
0x41e: {  	s18 =	simm.s32 $0x5400  }
0x41f: {  	[tilespmem:s18], [sflag:$0x1] =	stream.indirect_vreg.gather [hbm4b:s5+s3], $0x80, v3, vm0, $0xb8;
	[tilespmem:$0x18400] =	vst v63  }
0x420: {  	s30 =	simm.s32 $0x5C00  }
0x421: {  	[tilespmem:s30], [sflag:$0x1] =	stream.indirect_vreg.gather [hbm4b:s6+s3], $0x80, v3, vm0, $0xb8;
	[tilespmem:$0x18400] =	vst v63  }
0x422: {  	v3 =	vld [tilespmem:$0x320];
	_ =	sdelay $0x4  }
0x423: {  	v50 =	vshrl.u32 v3, $0x3  }
0x424: {  	v4 =	vmul.u32 $0x30, v50  }
0x425: {  	v3 =	vand.u32 $0x7, v3  }
0x426: {  	v3 =	vor.u32 v3, v4  }
0x427: {  	v4 =	vperm.xlane v3, v0;
	_ =	sdelay $0x1  }
0x428: {  	v4 =	vadd.s32 v1, v4;
	_ =	sdelay $0x3  }
0x429: {  	s31 =	simm.s32 $0x6400;
	v3 =	vperm.xlane v3, v2  }
0x42a: {  	[tilespmem:s31], [sflag:$0x1] =	stream.indirect_vreg.gather [hbm4b:s2+s3], $0x80, v4, vm0, $0xb8;
	[tilespmem:$0x18400] =	vst v63  }
0x42b: {  	s19 =	simm.s32 $0x6C00;
	v3 =	vadd.s32 v1, v3  }
0x42c: {  	[tilespmem:s19], [sflag:$0x1] =	stream.indirect_vreg.gather [hbm4b:s5+s3], $0x80, v4, vm0, $0xb8;
	[tilespmem:$0x18400] =	vst v63  }
0x42d: {  	s20 =	simm.s32 $0x7400  }
0x42e: {  	[tilespmem:s20], [sflag:$0x1] =	stream.indirect_vreg.gather [hbm4b:s6+s3], $0x80, v4, vm0, $0xb8;
	[tilespmem:$0x18400] =	vst v63  }
0x42f: {  	s21 =	simm.s32 $0x7C00  }
0x430: {  	[tilespmem:s21], [sflag:$0x1] =	stream.indirect_vreg.gather [hbm4b:s2+s3], $0x80, v3, vm0, $0xb8;
	[tilespmem:$0x18400] =	vst v63  }
0x431: {  	s22 =	simm.s32 $0x8400  }
0x432: {  	[tilespmem:s22], [sflag:$0x1] =	stream.indirect_vreg.gather [hbm4b:s5+s3], $0x80, v3, vm0, $0xb8;
	[tilespmem:$0x18400] =	vst v63  }
0x433: {  	s25 =	simm.s32 $0x8C00  }
0x434: {  	[tilespmem:s25], [sflag:$0x1] =	stream.indirect_vreg.gather [hbm4b:s6+s3], $0x80, v3, vm0, $0xb8;
	[tilespmem:$0x18400] =	vst v63  }
0x435: {  	v3 =	vld [tilespmem:$0x330];
	_ =	sdelay $0x4  }
0x436: {  	v51 =	vshrl.u32 v3, $0x3  }
0x437: {  	v4 =	vmul.u32 $0x30, v51  }
0x438: {  	v3 =	vand.u32 $0x7, v3  }
0x439: {  	v3 =	vor.u32 v3, v4  }
0x43a: {  	v4 =	vperm.xlane v3, v0;
	_ =	sdelay $0x1  }
0x43b: {  	v4 =	vadd.s32 v1, v4;
	_ =	sdelay $0x3  }
0x43c: {  	s26 =	simm.s32 $0x9400;
	v3 =	vperm.xlane v3, v2  }
0x43d: {  	[tilespmem:s26], [sflag:$0x1] =	stream.indirect_vreg.gather [hbm4b:s2+s3], $0x80, v4, vm0, $0xb8;
	[tilespmem:$0x18400] =	vst v63  }
0x43e: {  	s23 =	simm.s32 $0x9C00;
	v3 =	vadd.s32 v1, v3  }
0x43f: {  	[tilespmem:s23], [sflag:$0x1] =	stream.indirect_vreg.gather [hbm4b:s5+s3], $0x80, v4, vm0, $0xb8;
	[tilespmem:$0x18400] =	vst v63  }
0x440: {  	s24 =	simm.s32 $0xA400  }
0x441: {  	[tilespmem:s24], [sflag:$0x1] =	stream.indirect_vreg.gather [hbm4b:s6+s3], $0x80, v4, vm0, $0xb8;
	[tilespmem:$0x18400] =	vst v63  }
0x442: {  	s28 =	simm.s32 $0xAC00  }
0x443: {  	[tilespmem:s28], [sflag:$0x1] =	stream.indirect_vreg.gather [hbm4b:s2+s3], $0x80, v3, vm0, $0xb8;
	[tilespmem:$0x18400] =	vst v63  }
0x444: {  	s29 =	simm.s32 $0xB400  }
0x445: {  	[tilespmem:s29], [sflag:$0x1] =	stream.indirect_vreg.gather [hbm4b:s5+s3], $0x80, v3, vm0, $0xb8;
	[tilespmem:$0x18400] =	vst v63  }
0x446: {  	s30 =	simm.s32 $0xBC00  }
0x447: {  	[tilespmem:s30], [sflag:$0x1] =	stream.indirect_vreg.gather [hbm4b:s6+s3], $0x80, v3, vm0, $0xb8;
	[tilespmem:$0x18400] =	vst v63  }
0x448: {  	_ =	swait.ge [sflag:s10], $0xC000  }
0x449: {  	[sflag:s10] =	ssyncset.done $0x0  }
0x44a: {  	s31 =	rddreg [dreg:$0xe];
	[sflag:s10] =	ssyncadd.s32 $0xFFFF4000  }
0x44b: {  	[hbm4b:s31+s3] =	stream.linear.scatter [tilespmem:s4], [sflag:$0x4], $0xC000, $0x38;
	[tilespmem:$0x18400] =	vst v63  }
0x44c: {  	_ =	swait.ge [sflag:s11], $0xC000  }
0x44d: {  	[sflag:s11] =	ssyncset.done $0x0  }
0x44e: {  	[sflag:s11] =	ssyncadd.s32 $0xFFFF4000  }
0x44f: {  	v3 =	vld [tilespmem:$0x340];
	_ =	sdelay $0x4  }
0x450: {  	v52 =	vshrl.u32 v3, $0x3  }
0x451: {  	v4 =	vmul.u32 $0x30, v52  }
0x452: {  	v3 =	vand.u32 $0x7, v3  }
0x453: {  	v3 =	vor.u32 v3, v4  }
0x454: {  	v4 =	vperm.xlane v3, v0;
	_ =	sdelay $0x1  }
0x455: {  	v4 =	vadd.s32 v1, v4;
	_ =	sdelay $0x3  }
0x456: {  	v3 =	vperm.xlane v3, v2  }
0x457: {  	[tilespmem:s4], [sflag:$0x2] =	stream.indirect_vreg.gather [hbm4b:s2+s3], $0x80, v4, vm0, $0xb8;
	[tilespmem:$0x18400] =	vst v63  }
0x458: {  	s28 =	simm.s32 $0xCC00;
	v3 =	vadd.s32 v1, v3  }
0x459: {  	[tilespmem:s28], [sflag:$0x2] =	stream.indirect_vreg.gather [hbm4b:s5+s3], $0x80, v4, vm0, $0xb8;
	[tilespmem:$0x18400] =	vst v63  }
0x45a: {  	s29 =	simm.s32 $0xD400  }
0x45b: {  	[tilespmem:s29], [sflag:$0x2] =	stream.indirect_vreg.gather [hbm4b:s6+s3], $0x80, v4, vm0, $0xb8;
	[tilespmem:$0x18400] =	vst v63  }
0x45c: {  	s30 =	simm.s32 $0xDC00  }
0x45d: {  	[tilespmem:s30], [sflag:$0x2] =	stream.indirect_vreg.gather [hbm4b:s2+s3], $0x80, v3, vm0, $0xb8;
	[tilespmem:$0x18400] =	vst v63  }
0x45e: {  	s31 =	simm.s32 $0xE400  }
0x45f: {  	[tilespmem:s31], [sflag:$0x2] =	stream.indirect_vreg.gather [hbm4b:s5+s3], $0x80, v3, vm0, $0xb8;
	[tilespmem:$0x18400] =	vst v63  }
0x460: {  	s12 =	simm.s32 $0xEC00  }
0x461: {  	[tilespmem:s12], [sflag:$0x2] =	stream.indirect_vreg.gather [hbm4b:s6+s3], $0x80, v3, vm0, $0xb8;
	[tilespmem:$0x18400] =	vst v63  }
0x462: {  	v3 =	vld [tilespmem:$0x350];
	_ =	sdelay $0x4  }
0x463: {  	v53 =	vshrl.u32 v3, $0x3  }
0x464: {  	v4 =	vmul.u32 $0x30, v53  }
0x465: {  	v3 =	vand.u32 $0x7, v3  }
0x466: {  	v3 =	vor.u32 v3, v4  }
0x467: {  	v4 =	vperm.xlane v3, v0;
	_ =	sdelay $0x1  }
0x468: {  	v4 =	vadd.s32 v1, v4;
	_ =	sdelay $0x3  }
0x469: {  	s12 =	simm.s32 $0xF400;
	v3 =	vperm.xlane v3, v2  }
0x46a: {  	[tilespmem:s12], [sflag:$0x2] =	stream.indirect_vreg.gather [hbm4b:s2+s3], $0x80, v4, vm0, $0xb8;
	[tilespmem:$0x18400] =	vst v63  }
0x46b: {  	v3 =	vadd.s32 v1, v3;
	s12 =	simm.s32 $0xFC00  }
0x46c: {  	[tilespmem:s12], [sflag:$0x2] =	stream.indirect_vreg.gather [hbm4b:s5+s3], $0x80, v4, vm0, $0xb8;
	[tilespmem:$0x18400] =	vst v63  }
0x46d: {  	s12 =	simm.s32 $0x10400  }
0x46e: {  	[tilespmem:s12], [sflag:$0x2] =	stream.indirect_vreg.gather [hbm4b:s6+s3], $0x80, v4, vm0, $0xb8;
	[tilespmem:$0x18400] =	vst v63  }
0x46f: {  	s12 =	simm.s32 $0x10C00  }
0x470: {  	[tilespmem:s12], [sflag:$0x2] =	stream.indirect_vreg.gather [hbm4b:s2+s3], $0x80, v3, vm0, $0xb8;
	[tilespmem:$0x18400] =	vst v63  }
0x471: {  	s12 =	simm.s32 $0x11400  }
0x472: {  	[tilespmem:s12], [sflag:$0x2] =	stream.indirect_vreg.gather [hbm4b:s5+s3], $0x80, v3, vm0, $0xb8;
	[tilespmem:$0x18400] =	vst v63  }
0x473: {  	s12 =	simm.s32 $0x11C00  }
0x474: {  	[tilespmem:s12], [sflag:$0x2] =	stream.indirect_vreg.gather [hbm4b:s6+s3], $0x80, v3, vm0, $0xb8;
	[tilespmem:$0x18400] =	vst v63  }
0x475: {  	v3 =	vld [tilespmem:$0x360];
	_ =	sdelay $0x4  }
0x476: {  	v54 =	vshrl.u32 v3, $0x3  }
0x477: {  	v4 =	vmul.u32 $0x30, v54  }
0x478: {  	v3 =	vand.u32 $0x7, v3  }
0x479: {  	v3 =	vor.u32 v3, v4  }
0x47a: {  	v4 =	vperm.xlane v3, v0;
	_ =	sdelay $0x1  }
0x47b: {  	v4 =	vadd.s32 v1, v4;
	_ =	sdelay $0x3  }
0x47c: {  	s12 =	simm.s32 $0x12400;
	v3 =	vperm.xlane v3, v2  }
0x47d: {  	[tilespmem:s12], [sflag:$0x2] =	stream.indirect_vreg.gather [hbm4b:s2+s3], $0x80, v4, vm0, $0xb8;
	[tilespmem:$0x18400] =	vst v63  }
0x47e: {  	v3 =	vadd.s32 v1, v3;
	s12 =	simm.s32 $0x12C00  }
0x47f: {  	[tilespmem:s12], [sflag:$0x2] =	stream.indirect_vreg.gather [hbm4b:s5+s3], $0x80, v4, vm0, $0xb8;
	[tilespmem:$0x18400] =	vst v63  }
0x480: {  	s12 =	simm.s32 $0x13400  }
0x481: {  	[tilespmem:s12], [sflag:$0x2] =	stream.indirect_vreg.gather [hbm4b:s6+s3], $0x80, v4, vm0, $0xb8;
	[tilespmem:$0x18400] =	vst v63  }
0x482: {  	s12 =	simm.s32 $0x13C00  }
0x483: {  	[tilespmem:s12], [sflag:$0x2] =	stream.indirect_vreg.gather [hbm4b:s2+s3], $0x80, v3, vm0, $0xb8;
	[tilespmem:$0x18400] =	vst v63  }
0x484: {  	s12 =	simm.s32 $0x14400  }
0x485: {  	[tilespmem:s12], [sflag:$0x2] =	stream.indirect_vreg.gather [hbm4b:s5+s3], $0x80, v3, vm0, $0xb8;
	[tilespmem:$0x18400] =	vst v63  }
0x486: {  	s12 =	simm.s32 $0x14C00  }
0x487: {  	[tilespmem:s12], [sflag:$0x2] =	stream.indirect_vreg.gather [hbm4b:s6+s3], $0x80, v3, vm0, $0xb8;
	[tilespmem:$0x18400] =	vst v63  }
0x488: {  	v3 =	vld [tilespmem:$0x370];
	_ =	sdelay $0x4  }
0x489: {  	v55 =	vshrl.u32 v3, $0x3  }
0x48a: {  	v4 =	vmul.u32 $0x30, v55  }
0x48b: {  	v3 =	vand.u32 $0x7, v3  }
0x48c: {  	v3 =	vor.u32 v3, v4  }
0x48d: {  	v4 =	vperm.xlane v3, v0;
	_ =	sdelay $0x1  }
0x48e: {  	v4 =	vadd.s32 v1, v4;
	_ =	sdelay $0x3  }
0x48f: {  	s12 =	simm.s32 $0x15400;
	v3 =	vperm.xlane v3, v2  }
0x490: {  	[tilespmem:s12], [sflag:$0x2] =	stream.indirect_vreg.gather [hbm4b:s2+s3], $0x80, v4, vm0, $0xb8;
	[tilespmem:$0x18400] =	vst v63  }
0x491: {  	v3 =	vadd.s32 v1, v3;
	s12 =	simm.s32 $0x15C00  }
0x492: {  	[tilespmem:s12], [sflag:$0x2] =	stream.indirect_vreg.gather [hbm4b:s5+s3], $0x80, v4, vm0, $0xb8;
	[tilespmem:$0x18400] =	vst v63  }
0x493: {  	s12 =	simm.s32 $0x16400  }
0x494: {  	[tilespmem:s12], [sflag:$0x2] =	stream.indirect_vreg.gather [hbm4b:s6+s3], $0x80, v4, vm0, $0xb8;
	[tilespmem:$0x18400] =	vst v63  }
0x495: {  	s12 =	simm.s32 $0x16C00  }
0x496: {  	[tilespmem:s12], [sflag:$0x2] =	stream.indirect_vreg.gather [hbm4b:s2+s3], $0x80, v3, vm0, $0xb8;
	[tilespmem:$0x18400] =	vst v63  }
0x497: {  	s12 =	simm.s32 $0x17400  }
0x498: {  	[tilespmem:s12], [sflag:$0x2] =	stream.indirect_vreg.gather [hbm4b:s5+s3], $0x80, v3, vm0, $0xb8;
	[tilespmem:$0x18400] =	vst v63  }
0x499: {  	s12 =	simm.s32 $0x17C00  }
0x49a: {  	[tilespmem:s12], [sflag:$0x2] =	stream.indirect_vreg.gather [hbm4b:s6+s3], $0x80, v3, vm0, $0xb8;
	[tilespmem:$0x18400] =	vst v63  }
0x49b: {  	_ =	swait.ge [sflag:s0], $0xC000  }
0x49c: {  	[sflag:s0] =	ssyncset.done $0x0  }
0x49d: {  	s12 =	rddreg [dreg:$0xf];
	[sflag:s0] =	ssyncadd.s32 $0xFFFF4000  }
0x49e: {  	[hbm4b:s12+s3] =	stream.linear.scatter [tilespmem:s14], [sflag:$0x3], $0xC000, $0x38;
	[tilespmem:$0x18400] =	vst v63  }
0x49f: {  	_ =	swait.ge [sflag:s8], $0xC000  }
0x4a0: {  	[sflag:s8] =	ssyncset.done $0x0  }
0x4a1: {  	[sflag:s8] =	ssyncadd.s32 $0xFFFF4000  }
0x4a2: {  	v3 =	vld [tilespmem:$0x380];
	_ =	sdelay $0x4  }
0x4a3: {  	v56 =	vshrl.u32 v3, $0x3  }
0x4a4: {  	v4 =	vmul.u32 $0x30, v56  }
0x4a5: {  	v3 =	vand.u32 $0x7, v3  }
0x4a6: {  	v3 =	vor.u32 v3, v4  }
0x4a7: {  	v4 =	vperm.xlane v3, v0;
	_ =	sdelay $0x1  }
0x4a8: {  	v4 =	vadd.s32 v1, v4;
	_ =	sdelay $0x3  }
0x4a9: {  	v3 =	vperm.xlane v3, v2  }
0x4aa: {  	[tilespmem:s14], [sflag:$0x1] =	stream.indirect_vreg.gather [hbm4b:s2+s3], $0x80, v4, vm0, $0xb8;
	[tilespmem:$0x18400] =	vst v63  }
0x4ab: {  	s1 =	simm.s32 $0xC00;
	v3 =	vadd.s32 v1, v3  }
0x4ac: {  	[tilespmem:s1], [sflag:$0x1] =	stream.indirect_vreg.gather [hbm4b:s5+s3], $0x80, v4, vm0, $0xb8;
	[tilespmem:$0x18400] =	vst v63  }
0x4ad: {  	s7 =	simm.s32 $0x1400  }
0x4ae: {  	[tilespmem:s7], [sflag:$0x1] =	stream.indirect_vreg.gather [hbm4b:s6+s3], $0x80, v4, vm0, $0xb8;
	[tilespmem:$0x18400] =	vst v63  }
0x4af: {  	s16 =	simm.s32 $0x1C00  }
0x4b0: {  	[tilespmem:s16], [sflag:$0x1] =	stream.indirect_vreg.gather [hbm4b:s2+s3], $0x80, v3, vm0, $0xb8;
	[tilespmem:$0x18400] =	vst v63  }
0x4b1: {  	s9 =	simm.s32 $0x2400  }
0x4b2: {  	[tilespmem:s9], [sflag:$0x1] =	stream.indirect_vreg.gather [hbm4b:s5+s3], $0x80, v3, vm0, $0xb8;
	[tilespmem:$0x18400] =	vst v63  }
0x4b3: {  	s12 =	simm.s32 $0x2C00  }
0x4b4: {  	[tilespmem:s12], [sflag:$0x1] =	stream.indirect_vreg.gather [hbm4b:s6+s3], $0x80, v3, vm0, $0xb8;
	[tilespmem:$0x18400] =	vst v63  }
0x4b5: {  	v3 =	vld [tilespmem:$0x390];
	_ =	sdelay $0x4  }
0x4b6: {  	v57 =	vshrl.u32 v3, $0x3  }
0x4b7: {  	v4 =	vmul.u32 $0x30, v57  }
0x4b8: {  	v3 =	vand.u32 $0x7, v3  }
0x4b9: {  	v3 =	vor.u32 v3, v4  }
0x4ba: {  	v4 =	vperm.xlane v3, v0;
	_ =	sdelay $0x1  }
0x4bb: {  	v4 =	vadd.s32 v1, v4;
	_ =	sdelay $0x3  }
0x4bc: {  	s16 =	simm.s32 $0x3400;
	v3 =	vperm.xlane v3, v2  }
0x4bd: {  	[tilespmem:s16], [sflag:$0x1] =	stream.indirect_vreg.gather [hbm4b:s2+s3], $0x80, v4, vm0, $0xb8;
	[tilespmem:$0x18400] =	vst v63  }
0x4be: {  	s13 =	simm.s32 $0x3C00;
	v3 =	vadd.s32 v1, v3  }
0x4bf: {  	[tilespmem:s13], [sflag:$0x1] =	stream.indirect_vreg.gather [hbm4b:s5+s3], $0x80, v4, vm0, $0xb8;
	[tilespmem:$0x18400] =	vst v63  }
0x4c0: {  	s15 =	simm.s32 $0x4400  }
0x4c1: {  	[tilespmem:s15], [sflag:$0x1] =	stream.indirect_vreg.gather [hbm4b:s6+s3], $0x80, v4, vm0, $0xb8;
	[tilespmem:$0x18400] =	vst v63  }
0x4c2: {  	s17 =	simm.s32 $0x4C00  }
0x4c3: {  	[tilespmem:s17], [sflag:$0x1] =	stream.indirect_vreg.gather [hbm4b:s2+s3], $0x80, v3, vm0, $0xb8;
	[tilespmem:$0x18400] =	vst v63  }
0x4c4: {  	s18 =	simm.s32 $0x5400  }
0x4c5: {  	[tilespmem:s18], [sflag:$0x1] =	stream.indirect_vreg.gather [hbm4b:s5+s3], $0x80, v3, vm0, $0xb8;
	[tilespmem:$0x18400] =	vst v63  }
0x4c6: {  	s17 =	simm.s32 $0x5C00  }
0x4c7: {  	[tilespmem:s17], [sflag:$0x1] =	stream.indirect_vreg.gather [hbm4b:s6+s3], $0x80, v3, vm0, $0xb8;
	[tilespmem:$0x18400] =	vst v63  }
0x4c8: {  	v3 =	vld [tilespmem:$0x3A0];
	_ =	sdelay $0x4  }
0x4c9: {  	v58 =	vshrl.u32 v3, $0x3  }
0x4ca: {  	v4 =	vmul.u32 $0x30, v58  }
0x4cb: {  	v3 =	vand.u32 $0x7, v3  }
0x4cc: {  	v3 =	vor.u32 v3, v4  }
0x4cd: {  	v4 =	vperm.xlane v3, v0;
	_ =	sdelay $0x1  }
0x4ce: {  	v4 =	vadd.s32 v1, v4;
	_ =	sdelay $0x3  }
0x4cf: {  	s18 =	simm.s32 $0x6400;
	v3 =	vperm.xlane v3, v2  }
0x4d0: {  	[tilespmem:s18], [sflag:$0x1] =	stream.indirect_vreg.gather [hbm4b:s2+s3], $0x80, v4, vm0, $0xb8;
	[tilespmem:$0x18400] =	vst v63  }
0x4d1: {  	s19 =	simm.s32 $0x6C00;
	v3 =	vadd.s32 v1, v3  }
0x4d2: {  	[tilespmem:s19], [sflag:$0x1] =	stream.indirect_vreg.gather [hbm4b:s5+s3], $0x80, v4, vm0, $0xb8;
	[tilespmem:$0x18400] =	vst v63  }
0x4d3: {  	s20 =	simm.s32 $0x7400  }
0x4d4: {  	[tilespmem:s20], [sflag:$0x1] =	stream.indirect_vreg.gather [hbm4b:s6+s3], $0x80, v4, vm0, $0xb8;
	[tilespmem:$0x18400] =	vst v63  }
0x4d5: {  	s21 =	simm.s32 $0x7C00  }
0x4d6: {  	[tilespmem:s21], [sflag:$0x1] =	stream.indirect_vreg.gather [hbm4b:s2+s3], $0x80, v3, vm0, $0xb8;
	[tilespmem:$0x18400] =	vst v63  }
0x4d7: {  	s22 =	simm.s32 $0x8400  }
0x4d8: {  	[tilespmem:s22], [sflag:$0x1] =	stream.indirect_vreg.gather [hbm4b:s5+s3], $0x80, v3, vm0, $0xb8;
	[tilespmem:$0x18400] =	vst v63  }
0x4d9: {  	s21 =	simm.s32 $0x8C00  }
0x4da: {  	[tilespmem:s21], [sflag:$0x1] =	stream.indirect_vreg.gather [hbm4b:s6+s3], $0x80, v3, vm0, $0xb8;
	[tilespmem:$0x18400] =	vst v63  }
0x4db: {  	v3 =	vld [tilespmem:$0x3B0];
	_ =	sdelay $0x4  }
0x4dc: {  	v59 =	vshrl.u32 v3, $0x3  }
0x4dd: {  	v4 =	vmul.u32 $0x30, v59  }
0x4de: {  	v3 =	vand.u32 $0x7, v3  }
0x4df: {  	v3 =	vor.u32 v3, v4  }
0x4e0: {  	v4 =	vperm.xlane v3, v0;
	_ =	sdelay $0x1  }
0x4e1: {  	v4 =	vadd.s32 v1, v4;
	_ =	sdelay $0x3  }
0x4e2: {  	s22 =	simm.s32 $0x9400;
	v3 =	vperm.xlane v3, v2  }
0x4e3: {  	[tilespmem:s22], [sflag:$0x1] =	stream.indirect_vreg.gather [hbm4b:s2+s3], $0x80, v4, vm0, $0xb8;
	[tilespmem:$0x18400] =	vst v63  }
0x4e4: {  	s23 =	simm.s32 $0x9C00;
	v3 =	vadd.s32 v1, v3  }
0x4e5: {  	[tilespmem:s23], [sflag:$0x1] =	stream.indirect_vreg.gather [hbm4b:s5+s3], $0x80, v4, vm0, $0xb8;
	[tilespmem:$0x18400] =	vst v63  }
0x4e6: {  	s24 =	simm.s32 $0xA400  }
0x4e7: {  	[tilespmem:s24], [sflag:$0x1] =	stream.indirect_vreg.gather [hbm4b:s6+s3], $0x80, v4, vm0, $0xb8;
	[tilespmem:$0x18400] =	vst v63  }
0x4e8: {  	s25 =	simm.s32 $0xAC00  }
0x4e9: {  	[tilespmem:s25], [sflag:$0x1] =	stream.indirect_vreg.gather [hbm4b:s2+s3], $0x80, v3, vm0, $0xb8;
	[tilespmem:$0x18400] =	vst v63  }
0x4ea: {  	s26 =	simm.s32 $0xB400  }
0x4eb: {  	[tilespmem:s26], [sflag:$0x1] =	stream.indirect_vreg.gather [hbm4b:s5+s3], $0x80, v3, vm0, $0xb8;
	[tilespmem:$0x18400] =	vst v63  }
0x4ec: {  	s25 =	simm.s32 $0xBC00  }
0x4ed: {  	[tilespmem:s25], [sflag:$0x1] =	stream.indirect_vreg.gather [hbm4b:s6+s3], $0x80, v3, vm0, $0xb8;
	[tilespmem:$0x18400] =	vst v63  }
0x4ee: {  	_ =	swait.ge [sflag:s10], $0xC000  }
0x4ef: {  	[sflag:s10] =	ssyncset.done $0x0  }
0x4f0: {  	s26 =	rddreg [dreg:$0x10];
	[sflag:s10] =	ssyncadd.s32 $0xFFFF4000  }
0x4f1: {  	[hbm4b:s26+s3] =	stream.linear.scatter [tilespmem:s4], [sflag:$0x4], $0xC000, $0x38;
	[tilespmem:$0x18400] =	vst v63  }
0x4f2: {  	_ =	swait.ge [sflag:s11], $0xC000  }
0x4f3: {  	[sflag:s11] =	ssyncset.done $0x0  }
0x4f4: {  	[sflag:s11] =	ssyncadd.s32 $0xFFFF4000  }
0x4f5: {  	v3 =	vld [tilespmem:$0x3C0];
	_ =	sdelay $0x4  }
0x4f6: {  	v60 =	vshrl.u32 v3, $0x3  }
0x4f7: {  	v4 =	vmul.u32 $0x30, v60  }
0x4f8: {  	v3 =	vand.u32 $0x7, v3  }
0x4f9: {  	v3 =	vor.u32 v3, v4  }
0x4fa: {  	v4 =	vperm.xlane v3, v0;
	_ =	sdelay $0x1  }
0x4fb: {  	v4 =	vadd.s32 v1, v4;
	_ =	sdelay $0x3  }
0x4fc: {  	v3 =	vperm.xlane v3, v2  }
0x4fd: {  	[tilespmem:s4], [sflag:$0x2] =	stream.indirect_vreg.gather [hbm4b:s2+s3], $0x80, v4, vm0, $0xb8;
	[tilespmem:$0x18400] =	vst v63  }
0x4fe: {  	s28 =	simm.s32 $0xCC00;
	v3 =	vadd.s32 v1, v3  }
0x4ff: {  	[tilespmem:s28], [sflag:$0x2] =	stream.indirect_vreg.gather [hbm4b:s5+s3], $0x80, v4, vm0, $0xb8;
	[tilespmem:$0x18400] =	vst v63  }
0x500: {  	s29 =	simm.s32 $0xD400  }
0x501: {  	[tilespmem:s29], [sflag:$0x2] =	stream.indirect_vreg.gather [hbm4b:s6+s3], $0x80, v4, vm0, $0xb8;
	[tilespmem:$0x18400] =	vst v63  }
0x502: {  	s30 =	simm.s32 $0xDC00  }
0x503: {  	[tilespmem:s30], [sflag:$0x2] =	stream.indirect_vreg.gather [hbm4b:s2+s3], $0x80, v3, vm0, $0xb8;
	[tilespmem:$0x18400] =	vst v63  }
0x504: {  	s31 =	simm.s32 $0xE400  }
0x505: {  	[tilespmem:s31], [sflag:$0x2] =	stream.indirect_vreg.gather [hbm4b:s5+s3], $0x80, v3, vm0, $0xb8;
	[tilespmem:$0x18400] =	vst v63  }
0x506: {  	s30 =	simm.s32 $0xEC00  }
0x507: {  	[tilespmem:s30], [sflag:$0x2] =	stream.indirect_vreg.gather [hbm4b:s6+s3], $0x80, v3, vm0, $0xb8;
	[tilespmem:$0x18400] =	vst v63  }
0x508: {  	v3 =	vld [tilespmem:$0x3D0];
	_ =	sdelay $0x4  }
0x509: {  	v61 =	vshrl.u32 v3, $0x3  }
0x50a: {  	v4 =	vmul.u32 $0x30, v61  }
0x50b: {  	v3 =	vand.u32 $0x7, v3  }
0x50c: {  	v3 =	vor.u32 v3, v4  }
0x50d: {  	v4 =	vperm.xlane v3, v0;
	_ =	sdelay $0x1  }
0x50e: {  	v4 =	vadd.s32 v1, v4;
	_ =	sdelay $0x3  }
0x50f: {  	s31 =	simm.s32 $0xF400;
	v3 =	vperm.xlane v3, v2  }
0x510: {  	[tilespmem:s31], [sflag:$0x2] =	stream.indirect_vreg.gather [hbm4b:s2+s3], $0x80, v4, vm0, $0xb8;
	[tilespmem:$0x18400] =	vst v63  }
0x511: {  	s9 =	simm.s32 $0xFC00;
	v3 =	vadd.s32 v1, v3  }
0x512: {  	[tilespmem:s9], [sflag:$0x2] =	stream.indirect_vreg.gather [hbm4b:s5+s3], $0x80, v4, vm0, $0xb8;
	[tilespmem:$0x18400] =	vst v63  }
0x513: {  	s12 =	simm.s32 $0x10400  }
0x514: {  	[tilespmem:s12], [sflag:$0x2] =	stream.indirect_vreg.gather [hbm4b:s6+s3], $0x80, v4, vm0, $0xb8;
	[tilespmem:$0x18400] =	vst v63  }
0x515: {  	s13 =	simm.s32 $0x10C00  }
0x516: {  	[tilespmem:s13], [sflag:$0x2] =	stream.indirect_vreg.gather [hbm4b:s2+s3], $0x80, v3, vm0, $0xb8;
	[tilespmem:$0x18400] =	vst v63  }
0x517: {  	s15 =	simm.s32 $0x11400  }
0x518: {  	[tilespmem:s15], [sflag:$0x2] =	stream.indirect_vreg.gather [hbm4b:s5+s3], $0x80, v3, vm0, $0xb8;
	[tilespmem:$0x18400] =	vst v63  }
0x519: {  	s16 =	simm.s32 $0x11C00  }
0x51a: {  	[tilespmem:s16], [sflag:$0x2] =	stream.indirect_vreg.gather [hbm4b:s6+s3], $0x80, v3, vm0, $0xb8;
	[tilespmem:$0x18400] =	vst v63  }
0x51b: {  	v3 =	vld [tilespmem:$0x3E0];
	_ =	sdelay $0x4  }
0x51c: {  	v62 =	vshrl.u32 v3, $0x3  }
0x51d: {  	v4 =	vmul.u32 $0x30, v62  }
0x51e: {  	v3 =	vand.u32 $0x7, v3  }
0x51f: {  	v3 =	vor.u32 v3, v4  }
0x520: {  	v4 =	vperm.xlane v3, v0;
	_ =	sdelay $0x1  }
0x521: {  	v4 =	vadd.s32 v1, v4;
	_ =	sdelay $0x3  }
0x522: {  	s17 =	simm.s32 $0x12400;
	v3 =	vperm.xlane v3, v2  }
0x523: {  	[tilespmem:s17], [sflag:$0x2] =	stream.indirect_vreg.gather [hbm4b:s2+s3], $0x80, v4, vm0, $0xb8;
	[tilespmem:$0x18400] =	vst v63  }
0x524: {  	s18 =	simm.s32 $0x12C00;
	v3 =	vadd.s32 v1, v3  }
0x525: {  	[tilespmem:s18], [sflag:$0x2] =	stream.indirect_vreg.gather [hbm4b:s5+s3], $0x80, v4, vm0, $0xb8;
	[tilespmem:$0x18400] =	vst v63  }
0x526: {  	s19 =	simm.s32 $0x13400  }
0x527: {  	[tilespmem:s19], [sflag:$0x2] =	stream.indirect_vreg.gather [hbm4b:s6+s3], $0x80, v4, vm0, $0xb8;
	[tilespmem:$0x18400] =	vst v63  }
0x528: {  	s20 =	simm.s32 $0x13C00  }
0x529: {  	[tilespmem:s20], [sflag:$0x2] =	stream.indirect_vreg.gather [hbm4b:s2+s3], $0x80, v3, vm0, $0xb8;
	[tilespmem:$0x18400] =	vst v63  }
0x52a: {  	s21 =	simm.s32 $0x14400  }
0x52b: {  	[tilespmem:s21], [sflag:$0x2] =	stream.indirect_vreg.gather [hbm4b:s5+s3], $0x80, v3, vm0, $0xb8;
	[tilespmem:$0x18400] =	vst v63  }
0x52c: {  	s22 =	simm.s32 $0x14C00  }
0x52d: {  	[tilespmem:s22], [sflag:$0x2] =	stream.indirect_vreg.gather [hbm4b:s6+s3], $0x80, v3, vm0, $0xb8;
	[tilespmem:$0x18400] =	vst v63  }
0x52e: {  	v3 =	vld [tilespmem:$0x3F0];
	_ =	sdelay $0x4  }
0x52f: {  	v63 =	vshrl.u32 v3, $0x3  }
0x530: {  	v4 =	vmul.u32 $0x30, v63  }
0x531: {  	v3 =	vand.u32 $0x7, v3  }
0x532: {  	v3 =	vor.u32 v3, v4  }
0x533: {  	v4 =	vperm.xlane v3, v0;
	_ =	sdelay $0x1  }
0x534: {  	v4 =	vadd.s32 v1, v4;
	_ =	sdelay $0x3  }
0x535: {  	s23 =	simm.s32 $0x15400;
	v3 =	vperm.xlane v3, v2  }
0x536: {  	[tilespmem:s23], [sflag:$0x2] =	stream.indirect_vreg.gather [hbm4b:s2+s3], $0x80, v4, vm0, $0xb8;
	[tilespmem:$0x18400] =	vst v63  }
0x537: {  	s24 =	simm.s32 $0x15C00;
	v3 =	vadd.s32 v1, v3  }
0x538: {  	[tilespmem:s24], [sflag:$0x2] =	stream.indirect_vreg.gather [hbm4b:s5+s3], $0x80, v4, vm0, $0xb8;
	[tilespmem:$0x18400] =	vst v63  }
0x539: {  	s25 =	simm.s32 $0x16400  }
0x53a: {  	[tilespmem:s25], [sflag:$0x2] =	stream.indirect_vreg.gather [hbm4b:s6+s3], $0x80, v4, vm0, $0xb8;
	[tilespmem:$0x18400] =	vst v63  }
0x53b: {  	s26 =	simm.s32 $0x16C00  }
0x53c: {  	[tilespmem:s26], [sflag:$0x2] =	stream.indirect_vreg.gather [hbm4b:s2+s3], $0x80, v3, vm0, $0xb8;
	[tilespmem:$0x18400] =	vst v63  }
0x53d: {  	s28 =	simm.s32 $0x17400  }
0x53e: {  	[tilespmem:s28], [sflag:$0x2] =	stream.indirect_vreg.gather [hbm4b:s5+s3], $0x80, v3, vm0, $0xb8;
	[tilespmem:$0x18400] =	vst v63  }
0x53f: {  	s29 =	simm.s32 $0x17C00  }
0x540: {  	[tilespmem:s29], [sflag:$0x2] =	stream.indirect_vreg.gather [hbm4b:s6+s3], $0x80, v3, vm0, $0xb8;
	[tilespmem:$0x18400] =	vst v63  }
0x541: {  	s1 =	rddreg [dreg:$0x14];
	_ =	swait.ge [sflag:s0], $0xC000  }
0x542: {  	[sflag:s0] =	ssyncset.done $0x0  }
0x543: {  	s30 =	rddreg [dreg:$0x11];
	[sflag:s0] =	ssyncadd.s32 $0xFFFF4000  }
0x544: {  	[hbm4b:s30+s3] =	stream.linear.scatter [tilespmem:s14], [sflag:$0x3], $0xC000, $0x38;
	[tilespmem:$0x18400] =	vst v63  }
0x545: {  	_ =	swait.ge [sflag:s10], $0xC000  }
0x546: {  	[sflag:s10] =	ssyncset.done $0x0  }
0x547: {  	s31 =	rddreg [dreg:$0x12];
	[sflag:s10] =	ssyncadd.s32 $0xFFFF4000  }
0x548: {  	[hbm4b:s31+s3] =	stream.linear.scatter [tilespmem:s4], [sflag:$0x4], $0xC000, $0x38;
	[tilespmem:$0x18400] =	vst v63  }
0x549: {  	p0 =	sne.s32 s1, $0x1;
	_ =	swait.ge [sflag:s8], $0xC000  }
.Ltmp0:
0x54a: {  	[sflag:s8] =	ssyncset.done $0x0;
	(pc) =	sbr.rel @p0 .LBB2_1-.Ltmp0, $4  }
0x54b: {  	[sflag:s8] =	ssyncadd.s32 $0xFFFF4000  }
0x54c: {  	_ =	swait.ge [sflag:s11], $0xC000  }
0x54d: {  	[sflag:s11] =	ssyncset.done $0x0  }
0x54e: {  	s1 =	sadd.s32 $0xFFFFFFFF, s1;
	[sflag:s11] =	ssyncadd.s32 $0xFFFF4000  }
0x54f: {  	_ =	sfence.sel $0x180000  }
0x550: {  	[bflag:$0x0] =	sbarrier.arrive $0xFFFF  }
0x551: {  	_ =	strace $0x90000047  }
0x552: {  	s0 =	stileid.u32;
	[bflag:$0x2] =	sbarrier.arrive $0xFFFF  }
0x553: {  	p0 =	sne.s32 s0, $0x0;
	s0 =	rddreg [dreg:$0x2]  }
0x554: {  	s0 =	sadd.s32 @!p0 $0x100000, s0  }
0x555: {  	[sflag:s0] =	ssyncadd.tile.s32 @!p0 $0x1;
	_ =	shalt  }
.Lfunc_end2:
_tile_overlayer_lowered:
.L_overlay_start_2:
0x556: {  	(tag) =	ssettag $0x2  }
0x557: {  	s0 =	rddreg [dreg:$0x0];
	s2 =	stileid.u32  }
0x558: {  	s1 =	rddreg [dreg:$0x1];
	p0 =	sne.s32 s2, $0x0  }
0x559: {  	s3 =	rddreg [dreg:$0x2];
	[bflag:$0x3] =	sbarrier.arrive $0xFFFF;
	s2 =	simm.s32 @!p0 $0x1C05  }
0x55a: {  	[timem:s3], [sflag:s2] =	dma.local @!p0 [hbm:s0], s1  }
0x55b: {  	s0 =	simm.s32 @!p0 $0x5  }
0x55c: {  	_ =	swait.ge @!p0 [sflag:s0], s1  }
0x55d: {  	s1 =	ssub.s32 @!p0 $0x0, s1;
	[sflag:s0] =	ssyncset.done @!p0 $0x0  }
0x55e: {  	[sflag:s0] =	ssyncadd.s32 @!p0 s1  }
0x55f: {  	[bflag:$0x3] =	sbarrier.arrive $0xFFFF  }
0x560: {  	_ =	shalt  }

</sc_bundles>
